<compile_context>
chip_gen: v7x
topology: tpu7x:2x2x1
jax: 0.10.2.dev20260603
libtpu: 0.0.44.dev20260713+nightly
codegen_flags: <defaults>
</compile_context>

<pallas_src>
import functools

import jax
import jax.numpy as jnp
from jax import lax
from jax.experimental import pallas as pl
from jax.experimental.pallas import tpu as pltpu
from jax.experimental.pallas import tpu_sc as plsc

NUM_FEATURES = 26
VOCAB = 100000
EMBED = 32
BATCH = 16384

NC = 2
NS = 16
NW = NC * NS
LANES = 16

VCHUNK = 25600
N_VCHUNKS = 4
SUB = VCHUNK // 4
ROWS_PER_F = N_VCHUNKS * SUB
VPAD_F = ROWS_PER_F * 4

B_W = BATCH // NW
IDX_SLICE = 128
GATHERS = B_W // IDX_SLICE

BCHUNK = 8192
N_BCHUNKS = BATCH // BCHUNK


def _eye(n):
    r = lax.broadcasted_iota(jnp.int32, (n, n), 0)
    c = lax.broadcasted_iota(jnp.int32, (n, n), 1)
    return jnp.where(r == c, jnp.float32(1), jnp.float32(0))


def _rows_body(i_ref, o_ref):
    ident = _eye(EMBED)
    for u in range(4):
        o_ref[:, pl.ds(EMBED * u, EMBED)] = lax.dot_general(
            i_ref[0, :, pl.ds(SUB * u, SUB)],
            ident,
            (((0,), (0,)), ((), ())),
            preferred_element_type=jnp.float32,
        )


def _out_body(i_ref, o_ref):
    ident = _eye(EMBED)
    q = BCHUNK // 4
    for j in range(4):
        o_ref[0, :, pl.ds(q * j, q)] = lax.dot_general(
            ident,
            i_ref[0, :, pl.ds(EMBED * j, EMBED)],
            (((1,), (1,)), ((), ())),
            preferred_element_type=jnp.float32,
        )


def _gather_body(xt, tab, out, idx_v, rows_v, gsem):
    wid = lax.axis_index("s") * NC + lax.axis_index("c")
    b0 = wid * B_W
    wpc = BCHUNK // B_W
    wpj = (BCHUNK // 4) // B_W
    chunk = wid // wpc
    rem = wid - chunk * wpc
    jj = rem // wpj
    off = (rem - jj * wpj) * B_W

    one = jnp.full((LANES,), 1, jnp.int32)
    zero = jnp.full((LANES,), 0, jnp.int32)

    def feature_body(f, carry):
        pltpu.sync_copy(xt.at[f, pl.ds(b0, B_W)], idx_v)
        for k in range(B_W // LANES):
            sl = pl.ds(k * LANES, LANES)
            v = idx_v[sl]
            c7 = zero
            for t in range(1, N_VCHUNKS):
                c7 = c7 + jnp.where(v >= t * VCHUNK, one, zero)
            w = v - c7 * VCHUNK
            u3 = (
                jnp.where(w >= SUB, one, zero)
                + jnp.where(w >= 2 * SUB, one, zero)
                + jnp.where(w >= 3 * SUB, one, zero)
            )
            idx_v[sl] = c7 * VCHUNK + (w - u3 * SUB) * 4 + u3
        copies = []
        for k in range(GATHERS):
            cp = pltpu.async_copy(
                tab.at[f].at[idx_v.at[pl.ds(k * IDX_SLICE, IDX_SLICE)]],
                rows_v.at[pl.ds(k * IDX_SLICE, IDX_SLICE)],
                gsem,
            )
            copies.append(cp)
        for cp in copies:
            cp.wait()
        pltpu.sync_copy(rows_v, out.at[f, chunk, pl.ds(off, B_W), jj, :])
        return carry

    lax.fori_loop(0, NUM_FEATURES, feature_body, 0)


def kernel(x, tables):
    xt = x.T
    tt = tables.transpose(0, 2, 1)

    t128 = pl.pallas_call(
        _rows_body,
        out_shape=jax.ShapeDtypeStruct((NUM_FEATURES * ROWS_PER_F, 128), jnp.float32),
        grid=(NUM_FEATURES, N_VCHUNKS),
        in_specs=[pl.BlockSpec((1, EMBED, VCHUNK), lambda f, c: (f, 0, c))],
        out_specs=pl.BlockSpec((SUB, 128), lambda f, c: (f * N_VCHUNKS + c, 0)),
        compiler_params=pltpu.CompilerParams(fuse_transposed_lhs_in_matmul=True),
    )(tt)

    gat = functools.partial(
        pl.kernel,
        out_type=jax.ShapeDtypeStruct(
            (NUM_FEATURES, N_BCHUNKS, BCHUNK // 4, 4, EMBED), jnp.float32
        ),
        mesh=plsc.VectorSubcoreMesh(core_axis_name="c", subcore_axis_name="s"),
        compiler_params=pltpu.CompilerParams(use_tc_tiling_on_sc=False),
        scratch_types=[
            pltpu.VMEM((B_W,), jnp.int32),
            pltpu.VMEM((B_W, EMBED), jnp.float32),
            pltpu.SemaphoreType.DMA,
        ],
    )(_gather_body)

    tab3 = t128.reshape(NUM_FEATURES, VPAD_F, EMBED)
    out_t = gat(xt, tab3)

    o3 = pl.pallas_call(
        _out_body,
        out_shape=jax.ShapeDtypeStruct((NUM_FEATURES, EMBED, BATCH), jnp.float32),
        grid=(NUM_FEATURES, N_BCHUNKS),
        in_specs=[pl.BlockSpec((1, BCHUNK // 4, 128), lambda f, c: (f, c, 0))],
        out_specs=pl.BlockSpec((1, EMBED, BCHUNK), lambda f, c: (f, 0, c)),
    )(out_t.reshape(NUM_FEATURES, BATCH // 4, 128))

    return o3.transpose(2, 0, 1)

# --- scband reference (transcript-rebuilt; emitter-appended) ---
"""Pipeline reference for scband-feature-embedding-78477642433239 (READ-ONLY COPY).

The authoritative reference and input builder live on the scoring server;
editing this copy changes nothing except your own understanding.
"""

import jax, jax.numpy as jnp
import numpy as np

NUM_FEATURES = 26
VOCAB = 100000
EMBED = 32
BATCH = 16384

def setup_inputs(seed: int = 0) -> dict:
    key = jax.random.key(seed)
    k_x, k_w = jax.random.split(key)
    x = jax.random.randint(k_x, (BATCH, NUM_FEATURES), 0, VOCAB, dtype=jnp.int64 if jax.config.jax_enable_x64 else jnp.int32)
    # One embedding table per feature; all tables have identical vocab (100000) per feature_dims,
    # so stack into a single [num_features, vocab, embed] array.
    tables = jax.random.normal(k_w, (NUM_FEATURES, VOCAB, EMBED), dtype=jnp.float32)
    return {"x": x, "tables": tables}

def reference(x, tables):
    # Faithful translation: embedded_feature_i = embedding_layers[i](x[:, i:i+1]) -> [B, 1, E]
    # concatenated along dim=1 -> [B, num_features, E]
    embedded_features = []
    for i in range(NUM_FEATURES):
        idx = x[:, i:i + 1]                      # [B, 1]
        emb = jnp.take(tables[i], idx, axis=0)   # [B, 1, E]
        embedded_features.append(emb)
    out = jnp.concatenate(embedded_features, axis=1)  # [B, num_features, E]
    return out

if __name__ == "__main__":
    import jax
    _d = setup_inputs()
    print(jax.jit(kernel)(*tuple(_d.values())))

</pallas_src>

<mosaic_0001>
#map = affine_map<(d0, d1) -> (0, 0)>
#map1 = affine_map<(d0, d1) -> (0, 0, 0)>
#map2 = affine_map<(d0, d1) -> (0, 0, 0, 0, 0)>
module attributes {stable_mosaic.version = 14 : i64} {
  func.func @_gather_body(%arg0: i32, %arg1: i32, %arg2: memref<26x16384xi32, #tpu.memory_space<hbm>>, %arg3: memref<26x102400x32xf32, #tpu.memory_space<hbm>>, %arg4: memref<26x2x2048x4x32xf32, #tpu.memory_space<hbm>>, %arg5: memref<512xi32, #tpu.memory_space<vmem>>, %arg6: memref<512x32xf32, #tpu.memory_space<vmem>>, %arg7: memref<!tpu.dma_semaphore, #tpu.memory_space<semaphore_mem>>) attributes {dimension_semantics = [#tpu.dimension_semantics<core_parallel>, #tpu.dimension_semantics<subcore_parallel>], iteration_bounds = array<i64: 2, 16>, scalar_prefetch = 0 : i64, scratch_operands = 3 : i64, tpu.core_type = #tpu.core_type<sc_vector_subcore>, window_params = [{transform_indices = #map}, {transform_indices = #map1}, {transform_indices = #map2}]} {
    %mul3A = arith.constant 2 : i32
    %mul3A_0 = arith.muli %arg1, %mul3A : i32
    %add3A = arith.addi %mul3A_0, %arg0 : i32
    %mul3A_1 = arith.constant 512 : i32
    %mul3A_2 = arith.muli %add3A, %mul3A_1 : i32
    %jit3A = arith.constant 16 : i32
    %div3A = arith.divsi %add3A, %jit3A : i32
    %sign3A = arith.constant 0 : i32
    %sign3A_3 = arith.cmpi sgt, %add3A, %sign3A : i32
    %sign3A_4 = arith.extui %sign3A_3 : i1 to i32
    %sign3A_5 = arith.constant 0 : i32
    %sign3A_6 = arith.cmpi slt, %add3A, %sign3A_5 : i32
    %sign3A_7 = arith.extui %sign3A_6 : i1 to i32
    %sign3A_8 = arith.subi %sign3A_4, %sign3A_7 : i32
    %sign3A_9 = arith.constant 0 : i32
    %sign3A_10 = arith.cmpi sgt, %jit3A, %sign3A_9 : i32
    %sign3A_11 = arith.extui %sign3A_10 : i1 to i32
    %sign3A_12 = arith.constant 0 : i32
    %sign3A_13 = arith.cmpi slt, %jit3A, %sign3A_12 : i32
    %sign3A_14 = arith.extui %sign3A_13 : i1 to i32
    %sign3A_15 = arith.subi %sign3A_11, %sign3A_14 : i32
    %ne3A = arith.cmpi ne, %sign3A_8, %sign3A_15 : i32
    %rem3A = arith.remsi %add3A, %jit3A : i32
    %ne3A_16 = arith.constant 0 : i32
    %ne3A_17 = arith.cmpi ne, %rem3A, %ne3A_16 : i32
    %and3A = arith.andi %ne3A, %ne3A_17 : i1
    %sub3A = arith.constant 1 : i32
    %sub3A_18 = arith.subi %div3A, %sub3A : i32
    %select_n3A = arith.select %and3A, %sub3A_18, %div3A : i32
    %mul3A_19 = arith.constant 16 : i32
    %mul3A_20 = arith.muli %select_n3A, %mul3A_19 : i32
    %sub3A_21 = arith.subi %add3A, %mul3A_20 : i32
    %jit3A_22 = arith.constant 4 : i32
    %div3A_23 = arith.divsi %sub3A_21, %jit3A_22 : i32
    %sign3A_24 = arith.constant 0 : i32
    %sign3A_25 = arith.cmpi sgt, %sub3A_21, %sign3A_24 : i32
    %sign3A_26 = arith.extui %sign3A_25 : i1 to i32
    %sign3A_27 = arith.constant 0 : i32
    %sign3A_28 = arith.cmpi slt, %sub3A_21, %sign3A_27 : i32
    %sign3A_29 = arith.extui %sign3A_28 : i1 to i32
    %sign3A_30 = arith.subi %sign3A_26, %sign3A_29 : i32
    %sign3A_31 = arith.constant 0 : i32
    %sign3A_32 = arith.cmpi sgt, %jit3A_22, %sign3A_31 : i32
    %sign3A_33 = arith.extui %sign3A_32 : i1 to i32
    %sign3A_34 = arith.constant 0 : i32
    %sign3A_35 = arith.cmpi slt, %jit3A_22, %sign3A_34 : i32
    %sign3A_36 = arith.extui %sign3A_35 : i1 to i32
    %sign3A_37 = arith.subi %sign3A_33, %sign3A_36 : i32
    %ne3A_38 = arith.cmpi ne, %sign3A_30, %sign3A_37 : i32
    %rem3A_39 = arith.remsi %sub3A_21, %jit3A_22 : i32
    %ne3A_40 = arith.constant 0 : i32
    %ne3A_41 = arith.cmpi ne, %rem3A_39, %ne3A_40 : i32
    %and3A_42 = arith.andi %ne3A_38, %ne3A_41 : i1
    %sub3A_43 = arith.constant 1 : i32
    %sub3A_44 = arith.subi %div3A_23, %sub3A_43 : i32
    %select_n3A_45 = arith.select %and3A_42, %sub3A_44, %div3A_23 : i32
    %mul3A_46 = arith.constant 4 : i32
    %mul3A_47 = arith.muli %select_n3A_45, %mul3A_46 : i32
    %sub3A_48 = arith.subi %sub3A_21, %mul3A_47 : i32
    %mul3A_49 = arith.constant 512 : i32
    %mul3A_50 = arith.muli %sub3A_48, %mul3A_49 : i32
    %broadcast_in_dim3A = arith.constant 1 : i32
    %broadcast_in_dim3A_51 = vector.broadcast %broadcast_in_dim3A : i32 to vector<16xi32>
    %broadcast_in_dim3A_52 = arith.constant 0 : i32
    %broadcast_in_dim3A_53 = vector.broadcast %broadcast_in_dim3A_52 : i32 to vector<16xi32>
    %scan3A = arith.constant 0 : i32
    %scan3A_54 = arith.constant 0 : i32
    %scan3A_55 = arith.constant 26 : i32
    %scan3A_56 = arith.addi %scan3A_54, %scan3A_55 : i32
    %scan3A_57 = arith.constant 1 : i32
    scf.for %scan3A_59 = %scan3A_54 to %scan3A_56 step %scan3A_57  : i32 {
      "tpu.region"() ({
        %run_scoped3A = tpu.sem_alloc : memref<!tpu.dma_semaphore, #tpu.memory_space<semaphore_mem>>
        %dma_start3A_1815 = tpu.memref_slice %arg2[%scan3A_59, %mul3A_2] : memref<26x16384xi32, #tpu.memory_space<hbm>> -> memref<1x512xi32, #tpu.memory_space<hbm>>
        %dma_start3A_1816 = tpu.memref_squeeze %dma_start3A_1815 : memref<1x512xi32, #tpu.memory_space<hbm>> -> memref<512xi32, #tpu.memory_space<hbm>>
        %dma_start3A_1817 = tpu.memref_slice %arg2[%scan3A_59, %mul3A_2] : memref<26x16384xi32, #tpu.memory_space<hbm>> -> memref<1x512xi32, #tpu.memory_space<hbm>>
        %dma_start3A_1818 = tpu.memref_squeeze %dma_start3A_1817 : memref<1x512xi32, #tpu.memory_space<hbm>> -> memref<512xi32, #tpu.memory_space<hbm>>
        tpu.enqueue_dma source(%dma_start3A_1818 : memref<512xi32, #tpu.memory_space<hbm>>) target(%arg5 : memref<512xi32, #tpu.memory_space<vmem>>) target_semaphore(%run_scoped3A : memref<!tpu.dma_semaphore, #tpu.memory_space<semaphore_mem>>)
        %dma_wait3A_1819 = tpu.memref_slice %arg2[%scan3A_59, %mul3A_2] : memref<26x16384xi32, #tpu.memory_space<hbm>> -> memref<1x512xi32, #tpu.memory_space<hbm>>
        %dma_wait3A_1820 = tpu.memref_squeeze %dma_wait3A_1819 : memref<1x512xi32, #tpu.memory_space<hbm>> -> memref<512xi32, #tpu.memory_space<hbm>>
        %dma_wait3A_1821 = tpu.memref_slice %arg2[%scan3A_59, %mul3A_2] : memref<26x16384xi32, #tpu.memory_space<hbm>> -> memref<1x512xi32, #tpu.memory_space<hbm>>
        %dma_wait3A_1822 = tpu.memref_squeeze %dma_wait3A_1821 : memref<1x512xi32, #tpu.memory_space<hbm>> -> memref<512xi32, #tpu.memory_space<hbm>>
        tpu.wait_dma2 semaphore(%run_scoped3A : memref<!tpu.dma_semaphore, #tpu.memory_space<semaphore_mem>>) src(%dma_wait3A_1822 : memref<512xi32, #tpu.memory_space<hbm>>) dst(%arg5 : memref<512xi32, #tpu.memory_space<vmem>>)
        tpu.yield
      }) : () -> ()
      %get3A = arith.constant 0 : index
      %get3A_60 = tpu.vector_load %arg5[%get3A] {strides = array<i32>} : memref<512xi32, #tpu.memory_space<vmem>>, vector<16xi32>,
      %get3A_61 = vector.shape_cast %get3A_60 : vector<16xi32> to vector<16xi32>
      %ge3A = arith.constant 25600 : i32
      %ge3A_62 = vector.broadcast %ge3A : i32 to vector<16xi32>
      %ge3A_63 = arith.cmpi sge, %get3A_61, %ge3A_62 : vector<16xi32>
      %select_n3A_64 = arith.select %ge3A_63, %broadcast_in_dim3A_51, %broadcast_in_dim3A_53 : vector<16xi1>, vector<16xi32>
      %add3A_65 = arith.addi %broadcast_in_dim3A_53, %select_n3A_64 : vector<16xi32>
      %ge3A_66 = arith.constant 51200 : i32
      %ge3A_67 = vector.broadcast %ge3A_66 : i32 to vector<16xi32>
      %ge3A_68 = arith.cmpi sge, %get3A_61, %ge3A_67 : vector<16xi32>
      %select_n3A_69 = arith.select %ge3A_68, %broadcast_in_dim3A_51, %broadcast_in_dim3A_53 : vector<16xi1>, vector<16xi32>
      %add3A_70 = arith.addi %add3A_65, %select_n3A_69 : vector<16xi32>
      %ge3A_71 = arith.constant 76800 : i32
      %ge3A_72 = vector.broadcast %ge3A_71 : i32 to vector<16xi32>
      %ge3A_73 = arith.cmpi sge, %get3A_61, %ge3A_72 : vector<16xi32>
      %select_n3A_74 = arith.select %ge3A_73, %broadcast_in_dim3A_51, %broadcast_in_dim3A_53 : vector<16xi1>, vector<16xi32>
      %add3A_75 = arith.addi %add3A_70, %select_n3A_74 : vector<16xi32>
      %mul3A_76 = arith.constant 25600 : i32
      %mul3A_77 = vector.broadcast %mul3A_76 : i32 to vector<16xi32>
      %mul3A_78 = arith.muli %add3A_75, %mul3A_77 : vector<16xi32>
      %sub3A_79 = arith.subi %get3A_61, %mul3A_78 : vector<16xi32>
      %ge3A_80 = arith.constant 6400 : i32
      %ge3A_81 = vector.broadcast %ge3A_80 : i32 to vector<16xi32>
      %ge3A_82 = arith.cmpi sge, %sub3A_79, %ge3A_81 : vector<16xi32>
      %select_n3A_83 = arith.select %ge3A_82, %broadcast_in_dim3A_51, %broadcast_in_dim3A_53 : vector<16xi1>, vector<16xi32>
      %ge3A_84 = arith.constant 12800 : i32
      %ge3A_85 = vector.broadcast %ge3A_84 : i32 to vector<16xi32>
      %ge3A_86 = arith.cmpi sge, %sub3A_79, %ge3A_85 : vector<16xi32>
      %select_n3A_87 = arith.select %ge3A_86, %broadcast_in_dim3A_51, %broadcast_in_dim3A_53 : vector<16xi1>, vector<16xi32>
      %add3A_88 = arith.addi %select_n3A_83, %select_n3A_87 : vector<16xi32>
      %ge3A_89 = arith.constant 19200 : i32
      %ge3A_90 = vector.broadcast %ge3A_89 : i32 to vector<16xi32>
      %ge3A_91 = arith.cmpi sge, %sub3A_79, %ge3A_90 : vector<16xi32>
      %select_n3A_92 = arith.select %ge3A_91, %broadcast_in_dim3A_51, %broadcast_in_dim3A_53 : vector<16xi1>, vector<16xi32>
      %add3A_93 = arith.addi %add3A_88, %select_n3A_92 : vector<16xi32>
      %mul3A_94 = arith.constant 25600 : i32
      %mul3A_95 = vector.broadcast %mul3A_94 : i32 to vector<16xi32>
      %mul3A_96 = arith.muli %add3A_75, %mul3A_95 : vector<16xi32>
      %mul3A_97 = arith.constant 6400 : i32
      %mul3A_98 = vector.broadcast %mul3A_97 : i32 to vector<16xi32>
      %mul3A_99 = arith.muli %add3A_93, %mul3A_98 : vector<16xi32>
      %sub3A_100 = arith.subi %sub3A_79, %mul3A_99 : vector<16xi32>
      %mul3A_101 = arith.constant 4 : i32
      %mul3A_102 = vector.broadcast %mul3A_101 : i32 to vector<16xi32>
      %mul3A_103 = arith.muli %sub3A_100, %mul3A_102 : vector<16xi32>
      %add3A_104 = arith.addi %mul3A_96, %mul3A_103 : vector<16xi32>
      %add3A_105 = arith.addi %add3A_104, %add3A_93 : vector<16xi32>
      %swap3A = arith.constant 0 : index
      %swap3A_106 = tpu.vector_load %arg5[%swap3A] {strides = array<i32>} : memref<512xi32, #tpu.memory_space<vmem>>, vector<16xi32>,
      %swap3A_107 = vector.shape_cast %swap3A_106 : vector<16xi32> to vector<16xi32>
      %swap3A_108 = vector.shape_cast %add3A_105 : vector<16xi32> to vector<16xi32>
      tpu.vector_store %arg5[%swap3A], %swap3A_108 {strides = array<i32>} : memref<512xi32, #tpu.memory_space<vmem>>, vector<16xi32>,
      %get3A_109 = arith.constant 16 : index
      %get3A_110 = tpu.vector_load %arg5[%get3A_109] {strides = array<i32>} : memref<512xi32, #tpu.memory_space<vmem>>, vector<16xi32>,
      %get3A_111 = vector.shape_cast %get3A_110 : vector<16xi32> to vector<16xi32>
      %ge3A_112 = arith.constant 25600 : i32
      %ge3A_113 = vector.broadcast %ge3A_112 : i32 to vector<16xi32>
      %ge3A_114 = arith.cmpi sge, %get3A_111, %ge3A_113 : vector<16xi32>
      %select_n3A_115 = arith.select %ge3A_114, %broadcast_in_dim3A_51, %broadcast_in_dim3A_53 : vector<16xi1>, vector<16xi32>
      %add3A_116 = arith.addi %broadcast_in_dim3A_53, %select_n3A_115 : vector<16xi32>
      %ge3A_117 = arith.constant 51200 : i32
      %ge3A_118 = vector.broadcast %ge3A_117 : i32 to vector<16xi32>
      %ge3A_119 = arith.cmpi sge, %get3A_111, %ge3A_118 : vector<16xi32>
      %select_n3A_120 = arith.select %ge3A_119, %broadcast_in_dim3A_51, %broadcast_in_dim3A_53 : vector<16xi1>, vector<16xi32>
      %add3A_121 = arith.addi %add3A_116, %select_n3A_120 : vector<16xi32>
      %ge3A_122 = arith.constant 76800 : i32
      %ge3A_123 = vector.broadcast %ge3A_122 : i32 to vector<16xi32>
      %ge3A_124 = arith.cmpi sge, %get3A_111, %ge3A_123 : vector<16xi32>
      %select_n3A_125 = arith.select %ge3A_124, %broadcast_in_dim3A_51, %broadcast_in_dim3A_53 : vector<16xi1>, vector<16xi32>
      %add3A_126 = arith.addi %add3A_121, %select_n3A_125 : vector<16xi32>
      %mul3A_127 = arith.constant 25600 : i32
      %mul3A_128 = vector.broadcast %mul3A_127 : i32 to vector<16xi32>
      %mul3A_129 = arith.muli %add3A_126, %mul3A_128 : vector<16xi32>
      %sub3A_130 = arith.subi %get3A_111, %mul3A_129 : vector<16xi32>
      %ge3A_131 = arith.constant 6400 : i32
      %ge3A_132 = vector.broadcast %ge3A_131 : i32 to vector<16xi32>
      %ge3A_133 = arith.cmpi sge, %sub3A_130, %ge3A_132 : vector<16xi32>
      %select_n3A_134 = arith.select %ge3A_133, %broadcast_in_dim3A_51, %broadcast_in_dim3A_53 : vector<16xi1>, vector<16xi32>
      %ge3A_135 = arith.constant 12800 : i32
      %ge3A_136 = vector.broadcast %ge3A_135 : i32 to vector<16xi32>
      %ge3A_137 = arith.cmpi sge, %sub3A_130, %ge3A_136 : vector<16xi32>
      %select_n3A_138 = arith.select %ge3A_137, %broadcast_in_dim3A_51, %broadcast_in_dim3A_53 : vector<16xi1>, vector<16xi32>
      %add3A_139 = arith.addi %select_n3A_134, %select_n3A_138 : vector<16xi32>
      %ge3A_140 = arith.constant 19200 : i32
      %ge3A_141 = vector.broadcast %ge3A_140 : i32 to vector<16xi32>
      %ge3A_142 = arith.cmpi sge, %sub3A_130, %ge3A_141 : vector<16xi32>
      %select_n3A_143 = arith.select %ge3A_142, %broadcast_in_dim3A_51, %broadcast_in_dim3A_53 : vector<16xi1>, vector<16xi32>
      %add3A_144 = arith.addi %add3A_139, %select_n3A_143 : vector<16xi32>
      %mul3A_145 = arith.constant 25600 : i32
      %mul3A_146 = vector.broadcast %mul3A_145 : i32 to vector<16xi32>
      %mul3A_147 = arith.muli %add3A_126, %mul3A_146 : vector<16xi32>
      %mul3A_148 = arith.constant 6400 : i32
      %mul3A_149 = vector.broadcast %mul3A_148 : i32 to vector<16xi32>
      %mul3A_150 = arith.muli %add3A_144, %mul3A_149 : vector<16xi32>
      %sub3A_151 = arith.subi %sub3A_130, %mul3A_150 : vector<16xi32>
      %mul3A_152 = arith.constant 4 : i32
      %mul3A_153 = vector.broadcast %mul3A_152 : i32 to vector<16xi32>
      %mul3A_154 = arith.muli %sub3A_151, %mul3A_153 : vector<16xi32>
      %add3A_155 = arith.addi %mul3A_147, %mul3A_154 : vector<16xi32>
      %add3A_156 = arith.addi %add3A_155, %add3A_144 : vector<16xi32>
      %swap3A_157 = arith.constant 16 : index
      %swap3A_158 = tpu.vector_load %arg5[%swap3A_157] {strides = array<i32>} : memref<512xi32, #tpu.memory_space<vmem>>, vector<16xi32>,
      %swap3A_159 = vector.shape_cast %swap3A_158 : vector<16xi32> to vector<16xi32>
      %swap3A_160 = vector.shape_cast %add3A_156 : vector<16xi32> to vector<16xi32>
      tpu.vector_store %arg5[%swap3A_157], %swap3A_160 {strides = array<i32>} : memref<512xi32, #tpu.memory_space<vmem>>, vector<16xi32>,
      %get3A_161 = arith.constant 32 : index
      %get3A_162 = tpu.vector_load %arg5[%get3A_161] {strides = array<i32>} : memref<512xi32, #tpu.memory_space<vmem>>, vector<16xi32>,
      %get3A_163 = vector.shape_cast %get3A_162 : vector<16xi32> to vector<16xi32>
      %ge3A_164 = arith.constant 25600 : i32
      %ge3A_165 = vector.broadcast %ge3A_164 : i32 to vector<16xi32>
      %ge3A_166 = arith.cmpi sge, %get3A_163, %ge3A_165 : vector<16xi32>
      %select_n3A_167 = arith.select %ge3A_166, %broadcast_in_dim3A_51, %broadcast_in_dim3A_53 : vector<16xi1>, vector<16xi32>
      %add3A_168 = arith.addi %broadcast_in_dim3A_53, %select_n3A_167 : vector<16xi32>
      %ge3A_169 = arith.constant 51200 : i32
      %ge3A_170 = vector.broadcast %ge3A_169 : i32 to vector<16xi32>
      %ge3A_171 = arith.cmpi sge, %get3A_163, %ge3A_170 : vector<16xi32>
      %select_n3A_172 = arith.select %ge3A_171, %broadcast_in_dim3A_51, %broadcast_in_dim3A_53 : vector<16xi1>, vector<16xi32>
      %add3A_173 = arith.addi %add3A_168, %select_n3A_172 : vector<16xi32>
      %ge3A_174 = arith.constant 76800 : i32
      %ge3A_175 = vector.broadcast %ge3A_174 : i32 to vector<16xi32>
      %ge3A_176 = arith.cmpi sge, %get3A_163, %ge3A_175 : vector<16xi32>
      %select_n3A_177 = arith.select %ge3A_176, %broadcast_in_dim3A_51, %broadcast_in_dim3A_53 : vector<16xi1>, vector<16xi32>
      %add3A_178 = arith.addi %add3A_173, %select_n3A_177 : vector<16xi32>
      %mul3A_179 = arith.constant 25600 : i32
      %mul3A_180 = vector.broadcast %mul3A_179 : i32 to vector<16xi32>
      %mul3A_181 = arith.muli %add3A_178, %mul3A_180 : vector<16xi32>
      %sub3A_182 = arith.subi %get3A_163, %mul3A_181 : vector<16xi32>
      %ge3A_183 = arith.constant 6400 : i32
      %ge3A_184 = vector.broadcast %ge3A_183 : i32 to vector<16xi32>
      %ge3A_185 = arith.cmpi sge, %sub3A_182, %ge3A_184 : vector<16xi32>
      %select_n3A_186 = arith.select %ge3A_185, %broadcast_in_dim3A_51, %broadcast_in_dim3A_53 : vector<16xi1>, vector<16xi32>
      %ge3A_187 = arith.constant 12800 : i32
      %ge3A_188 = vector.broadcast %ge3A_187 : i32 to vector<16xi32>
      %ge3A_189 = arith.cmpi sge, %sub3A_182, %ge3A_188 : vector<16xi32>
      %select_n3A_190 = arith.select %ge3A_189, %broadcast_in_dim3A_51, %broadcast_in_dim3A_53 : vector<16xi1>, vector<16xi32>
      %add3A_191 = arith.addi %select_n3A_186, %select_n3A_190 : vector<16xi32>
      %ge3A_192 = arith.constant 19200 : i32
      %ge3A_193 = vector.broadcast %ge3A_192 : i32 to vector<16xi32>
      %ge3A_194 = arith.cmpi sge, %sub3A_182, %ge3A_193 : vector<16xi32>
      %select_n3A_195 = arith.select %ge3A_194, %broadcast_in_dim3A_51, %broadcast_in_dim3A_53 : vector<16xi1>, vector<16xi32>
      %add3A_196 = arith.addi %add3A_191, %select_n3A_195 : vector<16xi32>
      %mul3A_197 = arith.constant 25600 : i32
      %mul3A_198 = vector.broadcast %mul3A_197 : i32 to vector<16xi32>
      %mul3A_199 = arith.muli %add3A_178, %mul3A_198 : vector<16xi32>
      %mul3A_200 = arith.constant 6400 : i32
      %mul3A_201 = vector.broadcast %mul3A_200 : i32 to vector<16xi32>
      %mul3A_202 = arith.muli %add3A_196, %mul3A_201 : vector<16xi32>
      %sub3A_203 = arith.subi %sub3A_182, %mul3A_202 : vector<16xi32>
      %mul3A_204 = arith.constant 4 : i32
      %mul3A_205 = vector.broadcast %mul3A_204 : i32 to vector<16xi32>
      %mul3A_206 = arith.muli %sub3A_203, %mul3A_205 : vector<16xi32>
      %add3A_207 = arith.addi %mul3A_199, %mul3A_206 : vector<16xi32>
      %add3A_208 = arith.addi %add3A_207, %add3A_196 : vector<16xi32>
      %swap3A_209 = arith.constant 32 : index
      %swap3A_210 = tpu.vector_load %arg5[%swap3A_209] {strides = array<i32>} : memref<512xi32, #tpu.memory_space<vmem>>, vector<16xi32>,
      %swap3A_211 = vector.shape_cast %swap3A_210 : vector<16xi32> to vector<16xi32>
      %swap3A_212 = vector.shape_cast %add3A_208 : vector<16xi32> to vector<16xi32>
      tpu.vector_store %arg5[%swap3A_209], %swap3A_212 {strides = array<i32>} : memref<512xi32, #tpu.memory_space<vmem>>, vector<16xi32>,
      %get3A_213 = arith.constant 48 : index
      %get3A_214 = tpu.vector_load %arg5[%get3A_213] {strides = array<i32>} : memref<512xi32, #tpu.memory_space<vmem>>, vector<16xi32>,
      %get3A_215 = vector.shape_cast %get3A_214 : vector<16xi32> to vector<16xi32>
      %ge3A_216 = arith.constant 25600 : i32
      %ge3A_217 = vector.broadcast %ge3A_216 : i32 to vector<16xi32>
      %ge3A_218 = arith.cmpi sge, %get3A_215, %ge3A_217 : vector<16xi32>
      %select_n3A_219 = arith.select %ge3A_218, %broadcast_in_dim3A_51, %broadcast_in_dim3A_53 : vector<16xi1>, vector<16xi32>
      %add3A_220 = arith.addi %broadcast_in_dim3A_53, %select_n3A_219 : vector<16xi32>
      %ge3A_221 = arith.constant 51200 : i32
      %ge3A_222 = vector.broadcast %ge3A_221 : i32 to vector<16xi32>
      %ge3A_223 = arith.cmpi sge, %get3A_215, %ge3A_222 : vector<16xi32>
      %select_n3A_224 = arith.select %ge3A_223, %broadcast_in_dim3A_51, %broadcast_in_dim3A_53 : vector<16xi1>, vector<16xi32>
      %add3A_225 = arith.addi %add3A_220, %select_n3A_224 : vector<16xi32>
      %ge3A_226 = arith.constant 76800 : i32
      %ge3A_227 = vector.broadcast %ge3A_226 : i32 to vector<16xi32>
      %ge3A_228 = arith.cmpi sge, %get3A_215, %ge3A_227 : vector<16xi32>
      %select_n3A_229 = arith.select %ge3A_228, %broadcast_in_dim3A_51, %broadcast_in_dim3A_53 : vector<16xi1>, vector<16xi32>
      %add3A_230 = arith.addi %add3A_225, %select_n3A_229 : vector<16xi32>
      %mul3A_231 = arith.constant 25600 : i32
      %mul3A_232 = vector.broadcast %mul3A_231 : i32 to vector<16xi32>
      %mul3A_233 = arith.muli %add3A_230, %mul3A_232 : vector<16xi32>
      %sub3A_234 = arith.subi %get3A_215, %mul3A_233 : vector<16xi32>
      %ge3A_235 = arith.constant 6400 : i32
      %ge3A_236 = vector.broadcast %ge3A_235 : i32 to vector<16xi32>
      %ge3A_237 = arith.cmpi sge, %sub3A_234, %ge3A_236 : vector<16xi32>
      %select_n3A_238 = arith.select %ge3A_237, %broadcast_in_dim3A_51, %broadcast_in_dim3A_53 : vector<16xi1>, vector<16xi32>
      %ge3A_239 = arith.constant 12800 : i32
      %ge3A_240 = vector.broadcast %ge3A_239 : i32 to vector<16xi32>
      %ge3A_241 = arith.cmpi sge, %sub3A_234, %ge3A_240 : vector<16xi32>
      %select_n3A_242 = arith.select %ge3A_241, %broadcast_in_dim3A_51, %broadcast_in_dim3A_53 : vector<16xi1>, vector<16xi32>
      %add3A_243 = arith.addi %select_n3A_238, %select_n3A_242 : vector<16xi32>
      %ge3A_244 = arith.constant 19200 : i32
      %ge3A_245 = vector.broadcast %ge3A_244 : i32 to vector<16xi32>
      %ge3A_246 = arith.cmpi sge, %sub3A_234, %ge3A_245 : vector<16xi32>
      %select_n3A_247 = arith.select %ge3A_246, %broadcast_in_dim3A_51, %broadcast_in_dim3A_53 : vector<16xi1>, vector<16xi32>
      %add3A_248 = arith.addi %add3A_243, %select_n3A_247 : vector<16xi32>
      %mul3A_249 = arith.constant 25600 : i32
      %mul3A_250 = vector.broadcast %mul3A_249 : i32 to vector<16xi32>
      %mul3A_251 = arith.muli %add3A_230, %mul3A_250 : vector<16xi32>
      %mul3A_252 = arith.constant 6400 : i32
      %mul3A_253 = vector.broadcast %mul3A_252 : i32 to vector<16xi32>
      %mul3A_254 = arith.muli %add3A_248, %mul3A_253 : vector<16xi32>
      %sub3A_255 = arith.subi %sub3A_234, %mul3A_254 : vector<16xi32>
      %mul3A_256 = arith.constant 4 : i32
      %mul3A_257 = vector.broadcast %mul3A_256 : i32 to vector<16xi32>
      %mul3A_258 = arith.muli %sub3A_255, %mul3A_257 : vector<16xi32>
      %add3A_259 = arith.addi %mul3A_251, %mul3A_258 : vector<16xi32>
      %add3A_260 = arith.addi %add3A_259, %add3A_248 : vector<16xi32>
      %swap3A_261 = arith.constant 48 : index
      %swap3A_262 = tpu.vector_load %arg5[%swap3A_261] {strides = array<i32>} : memref<512xi32, #tpu.memory_space<vmem>>, vector<16xi32>,
      %swap3A_263 = vector.shape_cast %swap3A_262 : vector<16xi32> to vector<16xi32>
      %swap3A_264 = vector.shape_cast %add3A_260 : vector<16xi32> to vector<16xi32>
      tpu.vector_store %arg5[%swap3A_261], %swap3A_264 {strides = array<i32>} : memref<512xi32, #tpu.memory_space<vmem>>, vector<16xi32>,
      %get3A_265 = arith.constant 64 : index
      %get3A_266 = tpu.vector_load %arg5[%get3A_265] {strides = array<i32>} : memref<512xi32, #tpu.memory_space<vmem>>, vector<16xi32>,
      %get3A_267 = vector.shape_cast %get3A_266 : vector<16xi32> to vector<16xi32>
      %ge3A_268 = arith.constant 25600 : i32
      %ge3A_269 = vector.broadcast %ge3A_268 : i32 to vector<16xi32>
      %ge3A_270 = arith.cmpi sge, %get3A_267, %ge3A_269 : vector<16xi32>
      %select_n3A_271 = arith.select %ge3A_270, %broadcast_in_dim3A_51, %broadcast_in_dim3A_53 : vector<16xi1>, vector<16xi32>
      %add3A_272 = arith.addi %broadcast_in_dim3A_53, %select_n3A_271 : vector<16xi32>
      %ge3A_273 = arith.constant 51200 : i32
      %ge3A_274 = vector.broadcast %ge3A_273 : i32 to vector<16xi32>
      %ge3A_275 = arith.cmpi sge, %get3A_267, %ge3A_274 : vector<16xi32>
      %select_n3A_276 = arith.select %ge3A_275, %broadcast_in_dim3A_51, %broadcast_in_dim3A_53 : vector<16xi1>, vector<16xi32>
      %add3A_277 = arith.addi %add3A_272, %select_n3A_276 : vector<16xi32>
      %ge3A_278 = arith.constant 76800 : i32
      %ge3A_279 = vector.broadcast %ge3A_278 : i32 to vector<16xi32>
      %ge3A_280 = arith.cmpi sge, %get3A_267, %ge3A_279 : vector<16xi32>
      %select_n3A_281 = arith.select %ge3A_280, %broadcast_in_dim3A_51, %broadcast_in_dim3A_53 : vector<16xi1>, vector<16xi32>
      %add3A_282 = arith.addi %add3A_277, %select_n3A_281 : vector<16xi32>
      %mul3A_283 = arith.constant 25600 : i32
      %mul3A_284 = vector.broadcast %mul3A_283 : i32 to vector<16xi32>
      %mul3A_285 = arith.muli %add3A_282, %mul3A_284 : vector<16xi32>
      %sub3A_286 = arith.subi %get3A_267, %mul3A_285 : vector<16xi32>
      %ge3A_287 = arith.constant 6400 : i32
      %ge3A_288 = vector.broadcast %ge3A_287 : i32 to vector<16xi32>
      %ge3A_289 = arith.cmpi sge, %sub3A_286, %ge3A_288 : vector<16xi32>
      %select_n3A_290 = arith.select %ge3A_289, %broadcast_in_dim3A_51, %broadcast_in_dim3A_53 : vector<16xi1>, vector<16xi32>
      %ge3A_291 = arith.constant 12800 : i32
      %ge3A_292 = vector.broadcast %ge3A_291 : i32 to vector<16xi32>
      %ge3A_293 = arith.cmpi sge, %sub3A_286, %ge3A_292 : vector<16xi32>
      %select_n3A_294 = arith.select %ge3A_293, %broadcast_in_dim3A_51, %broadcast_in_dim3A_53 : vector<16xi1>, vector<16xi32>
      %add3A_295 = arith.addi %select_n3A_290, %select_n3A_294 : vector<16xi32>
      %ge3A_296 = arith.constant 19200 : i32
      %ge3A_297 = vector.broadcast %ge3A_296 : i32 to vector<16xi32>
      %ge3A_298 = arith.cmpi sge, %sub3A_286, %ge3A_297 : vector<16xi32>
      %select_n3A_299 = arith.select %ge3A_298, %broadcast_in_dim3A_51, %broadcast_in_dim3A_53 : vector<16xi1>, vector<16xi32>
      %add3A_300 = arith.addi %add3A_295, %select_n3A_299 : vector<16xi32>
      %mul3A_301 = arith.constant 25600 : i32
      %mul3A_302 = vector.broadcast %mul3A_301 : i32 to vector<16xi32>
      %mul3A_303 = arith.muli %add3A_282, %mul3A_302 : vector<16xi32>
      %mul3A_304 = arith.constant 6400 : i32
      %mul3A_305 = vector.broadcast %mul3A_304 : i32 to vector<16xi32>
      %mul3A_306 = arith.muli %add3A_300, %mul3A_305 : vector<16xi32>
      %sub3A_307 = arith.subi %sub3A_286, %mul3A_306 : vector<16xi32>
      %mul3A_308 = arith.constant 4 : i32
      %mul3A_309 = vector.broadcast %mul3A_308 : i32 to vector<16xi32>
      %mul3A_310 = arith.muli %sub3A_307, %mul3A_309 : vector<16xi32>
      %add3A_311 = arith.addi %mul3A_303, %mul3A_310 : vector<16xi32>
      %add3A_312 = arith.addi %add3A_311, %add3A_300 : vector<16xi32>
      %swap3A_313 = arith.constant 64 : index
      %swap3A_314 = tpu.vector_load %arg5[%swap3A_313] {strides = array<i32>} : memref<512xi32, #tpu.memory_space<vmem>>, vector<16xi32>,
      %swap3A_315 = vector.shape_cast %swap3A_314 : vector<16xi32> to vector<16xi32>
      %swap3A_316 = vector.shape_cast %add3A_312 : vector<16xi32> to vector<16xi32>
      tpu.vector_store %arg5[%swap3A_313], %swap3A_316 {strides = array<i32>} : memref<512xi32, #tpu.memory_space<vmem>>, vector<16xi32>,
      %get3A_317 = arith.constant 80 : index
      %get3A_318 = tpu.vector_load %arg5[%get3A_317] {strides = array<i32>} : memref<512xi32, #tpu.memory_space<vmem>>, vector<16xi32>,
      %get3A_319 = vector.shape_cast %get3A_318 : vector<16xi32> to vector<16xi32>
      %ge3A_320 = arith.constant 25600 : i32
      %ge3A_321 = vector.broadcast %ge3A_320 : i32 to vector<16xi32>
      %ge3A_322 = arith.cmpi sge, %get3A_319, %ge3A_321 : vector<16xi32>
      %select_n3A_323 = arith.select %ge3A_322, %broadcast_in_dim3A_51, %broadcast_in_dim3A_53 : vector<16xi1>, vector<16xi32>
      %add3A_324 = arith.addi %broadcast_in_dim3A_53, %select_n3A_323 : vector<16xi32>
      %ge3A_325 = arith.constant 51200 : i32
      %ge3A_326 = vector.broadcast %ge3A_325 : i32 to vector<16xi32>
      %ge3A_327 = arith.cmpi sge, %get3A_319, %ge3A_326 : vector<16xi32>
      %select_n3A_328 = arith.select %ge3A_327, %broadcast_in_dim3A_51, %broadcast_in_dim3A_53 : vector<16xi1>, vector<16xi32>
      %add3A_329 = arith.addi %add3A_324, %select_n3A_328 : vector<16xi32>
      %ge3A_330 = arith.constant 76800 : i32
      %ge3A_331 = vector.broadcast %ge3A_330 : i32 to vector<16xi32>
      %ge3A_332 = arith.cmpi sge, %get3A_319, %ge3A_331 : vector<16xi32>
      %select_n3A_333 = arith.select %ge3A_332, %broadcast_in_dim3A_51, %broadcast_in_dim3A_53 : vector<16xi1>, vector<16xi32>
      %add3A_334 = arith.addi %add3A_329, %select_n3A_333 : vector<16xi32>
      %mul3A_335 = arith.constant 25600 : i32
      %mul3A_336 = vector.broadcast %mul3A_335 : i32 to vector<16xi32>
      %mul3A_337 = arith.muli %add3A_334, %mul3A_336 : vector<16xi32>
      %sub3A_338 = arith.subi %get3A_319, %mul3A_337 : vector<16xi32>
      %ge3A_339 = arith.constant 6400 : i32
      %ge3A_340 = vector.broadcast %ge3A_339 : i32 to vector<16xi32>
      %ge3A_341 = arith.cmpi sge, %sub3A_338, %ge3A_340 : vector<16xi32>
      %select_n3A_342 = arith.select %ge3A_341, %broadcast_in_dim3A_51, %broadcast_in_dim3A_53 : vector<16xi1>, vector<16xi32>
      %ge3A_343 = arith.constant 12800 : i32
      %ge3A_344 = vector.broadcast %ge3A_343 : i32 to vector<16xi32>
      %ge3A_345 = arith.cmpi sge, %sub3A_338, %ge3A_344 : vector<16xi32>
      %select_n3A_346 = arith.select %ge3A_345, %broadcast_in_dim3A_51, %broadcast_in_dim3A_53 : vector<16xi1>, vector<16xi32>
      %add3A_347 = arith.addi %select_n3A_342, %select_n3A_346 : vector<16xi32>
      %ge3A_348 = arith.constant 19200 : i32
      %ge3A_349 = vector.broadcast %ge3A_348 : i32 to vector<16xi32>
      %ge3A_350 = arith.cmpi sge, %sub3A_338, %ge3A_349 : vector<16xi32>
      %select_n3A_351 = arith.select %ge3A_350, %broadcast_in_dim3A_51, %broadcast_in_dim3A_53 : vector<16xi1>, vector<16xi32>
      %add3A_352 = arith.addi %add3A_347, %select_n3A_351 : vector<16xi32>
      %mul3A_353 = arith.constant 25600 : i32
      %mul3A_354 = vector.broadcast %mul3A_353 : i32 to vector<16xi32>
      %mul3A_355 = arith.muli %add3A_334, %mul3A_354 : vector<16xi32>
      %mul3A_356 = arith.constant 6400 : i32
      %mul3A_357 = vector.broadcast %mul3A_356 : i32 to vector<16xi32>
      %mul3A_358 = arith.muli %add3A_352, %mul3A_357 : vector<16xi32>
      %sub3A_359 = arith.subi %sub3A_338, %mul3A_358 : vector<16xi32>
      %mul3A_360 = arith.constant 4 : i32
      %mul3A_361 = vector.broadcast %mul3A_360 : i32 to vector<16xi32>
      %mul3A_362 = arith.muli %sub3A_359, %mul3A_361 : vector<16xi32>
      %add3A_363 = arith.addi %mul3A_355, %mul3A_362 : vector<16xi32>
      %add3A_364 = arith.addi %add3A_363, %add3A_352 : vector<16xi32>
      %swap3A_365 = arith.constant 80 : index
      %swap3A_366 = tpu.vector_load %arg5[%swap3A_365] {strides = array<i32>} : memref<512xi32, #tpu.memory_space<vmem>>, vector<16xi32>,
      %swap3A_367 = vector.shape_cast %swap3A_366 : vector<16xi32> to vector<16xi32>
      %swap3A_368 = vector.shape_cast %add3A_364 : vector<16xi32> to vector<16xi32>
      tpu.vector_store %arg5[%swap3A_365], %swap3A_368 {strides = array<i32>} : memref<512xi32, #tpu.memory_space<vmem>>, vector<16xi32>,
      %get3A_369 = arith.constant 96 : index
      %get3A_370 = tpu.vector_load %arg5[%get3A_369] {strides = array<i32>} : memref<512xi32, #tpu.memory_space<vmem>>, vector<16xi32>,
      %get3A_371 = vector.shape_cast %get3A_370 : vector<16xi32> to vector<16xi32>
      %ge3A_372 = arith.constant 25600 : i32
      %ge3A_373 = vector.broadcast %ge3A_372 : i32 to vector<16xi32>
      %ge3A_374 = arith.cmpi sge, %get3A_371, %ge3A_373 : vector<16xi32>
      %select_n3A_375 = arith.select %ge3A_374, %broadcast_in_dim3A_51, %broadcast_in_dim3A_53 : vector<16xi1>, vector<16xi32>
      %add3A_376 = arith.addi %broadcast_in_dim3A_53, %select_n3A_375 : vector<16xi32>
      %ge3A_377 = arith.constant 51200 : i32
      %ge3A_378 = vector.broadcast %ge3A_377 : i32 to vector<16xi32>
      %ge3A_379 = arith.cmpi sge, %get3A_371, %ge3A_378 : vector<16xi32>
      %select_n3A_380 = arith.select %ge3A_379, %broadcast_in_dim3A_51, %broadcast_in_dim3A_53 : vector<16xi1>, vector<16xi32>
      %add3A_381 = arith.addi %add3A_376, %select_n3A_380 : vector<16xi32>
      %ge3A_382 = arith.constant 76800 : i32
      %ge3A_383 = vector.broadcast %ge3A_382 : i32 to vector<16xi32>
      %ge3A_384 = arith.cmpi sge, %get3A_371, %ge3A_383 : vector<16xi32>
      %select_n3A_385 = arith.select %ge3A_384, %broadcast_in_dim3A_51, %broadcast_in_dim3A_53 : vector<16xi1>, vector<16xi32>
      %add3A_386 = arith.addi %add3A_381, %select_n3A_385 : vector<16xi32>
      %mul3A_387 = arith.constant 25600 : i32
      %mul3A_388 = vector.broadcast %mul3A_387 : i32 to vector<16xi32>
      %mul3A_389 = arith.muli %add3A_386, %mul3A_388 : vector<16xi32>
      %sub3A_390 = arith.subi %get3A_371, %mul3A_389 : vector<16xi32>
      %ge3A_391 = arith.constant 6400 : i32
      %ge3A_392 = vector.broadcast %ge3A_391 : i32 to vector<16xi32>
      %ge3A_393 = arith.cmpi sge, %sub3A_390, %ge3A_392 : vector<16xi32>
      %select_n3A_394 = arith.select %ge3A_393, %broadcast_in_dim3A_51, %broadcast_in_dim3A_53 : vector<16xi1>, vector<16xi32>
      %ge3A_395 = arith.constant 12800 : i32
      %ge3A_396 = vector.broadcast %ge3A_395 : i32 to vector<16xi32>
      %ge3A_397 = arith.cmpi sge, %sub3A_390, %ge3A_396 : vector<16xi32>
      %select_n3A_398 = arith.select %ge3A_397, %broadcast_in_dim3A_51, %broadcast_in_dim3A_53 : vector<16xi1>, vector<16xi32>
      %add3A_399 = arith.addi %select_n3A_394, %select_n3A_398 : vector<16xi32>
      %ge3A_400 = arith.constant 19200 : i32
      %ge3A_401 = vector.broadcast %ge3A_400 : i32 to vector<16xi32>
      %ge3A_402 = arith.cmpi sge, %sub3A_390, %ge3A_401 : vector<16xi32>
      %select_n3A_403 = arith.select %ge3A_402, %broadcast_in_dim3A_51, %broadcast_in_dim3A_53 : vector<16xi1>, vector<16xi32>
      %add3A_404 = arith.addi %add3A_399, %select_n3A_403 : vector<16xi32>
      %mul3A_405 = arith.constant 25600 : i32
      %mul3A_406 = vector.broadcast %mul3A_405 : i32 to vector<16xi32>
      %mul3A_407 = arith.muli %add3A_386, %mul3A_406 : vector<16xi32>
      %mul3A_408 = arith.constant 6400 : i32
      %mul3A_409 = vector.broadcast %mul3A_408 : i32 to vector<16xi32>
      %mul3A_410 = arith.muli %add3A_404, %mul3A_409 : vector<16xi32>
      %sub3A_411 = arith.subi %sub3A_390, %mul3A_410 : vector<16xi32>
      %mul3A_412 = arith.constant 4 : i32
      %mul3A_413 = vector.broadcast %mul3A_412 : i32 to vector<16xi32>
      %mul3A_414 = arith.muli %sub3A_411, %mul3A_413 : vector<16xi32>
      %add3A_415 = arith.addi %mul3A_407, %mul3A_414 : vector<16xi32>
      %add3A_416 = arith.addi %add3A_415, %add3A_404 : vector<16xi32>
      %swap3A_417 = arith.constant 96 : index
      %swap3A_418 = tpu.vector_load %arg5[%swap3A_417] {strides = array<i32>} : memref<512xi32, #tpu.memory_space<vmem>>, vector<16xi32>,
      %swap3A_419 = vector.shape_cast %swap3A_418 : vector<16xi32> to vector<16xi32>
      %swap3A_420 = vector.shape_cast %add3A_416 : vector<16xi32> to vector<16xi32>
      tpu.vector_store %arg5[%swap3A_417], %swap3A_420 {strides = array<i32>} : memref<512xi32, #tpu.memory_space<vmem>>, vector<16xi32>,
      %get3A_421 = arith.constant 112 : index
      %get3A_422 = tpu.vector_load %arg5[%get3A_421] {strides = array<i32>} : memref<512xi32, #tpu.memory_space<vmem>>, vector<16xi32>,
      %get3A_423 = vector.shape_cast %get3A_422 : vector<16xi32> to vector<16xi32>
      %ge3A_424 = arith.constant 25600 : i32
      %ge3A_425 = vector.broadcast %ge3A_424 : i32 to vector<16xi32>
      %ge3A_426 = arith.cmpi sge, %get3A_423, %ge3A_425 : vector<16xi32>
      %select_n3A_427 = arith.select %ge3A_426, %broadcast_in_dim3A_51, %broadcast_in_dim3A_53 : vector<16xi1>, vector<16xi32>
      %add3A_428 = arith.addi %broadcast_in_dim3A_53, %select_n3A_427 : vector<16xi32>
      %ge3A_429 = arith.constant 51200 : i32
      %ge3A_430 = vector.broadcast %ge3A_429 : i32 to vector<16xi32>
      %ge3A_431 = arith.cmpi sge, %get3A_423, %ge3A_430 : vector<16xi32>
      %select_n3A_432 = arith.select %ge3A_431, %broadcast_in_dim3A_51, %broadcast_in_dim3A_53 : vector<16xi1>, vector<16xi32>
      %add3A_433 = arith.addi %add3A_428, %select_n3A_432 : vector<16xi32>
      %ge3A_434 = arith.constant 76800 : i32
      %ge3A_435 = vector.broadcast %ge3A_434 : i32 to vector<16xi32>
      %ge3A_436 = arith.cmpi sge, %get3A_423, %ge3A_435 : vector<16xi32>
      %select_n3A_437 = arith.select %ge3A_436, %broadcast_in_dim3A_51, %broadcast_in_dim3A_53 : vector<16xi1>, vector<16xi32>
      %add3A_438 = arith.addi %add3A_433, %select_n3A_437 : vector<16xi32>
      %mul3A_439 = arith.constant 25600 : i32
      %mul3A_440 = vector.broadcast %mul3A_439 : i32 to vector<16xi32>
      %mul3A_441 = arith.muli %add3A_438, %mul3A_440 : vector<16xi32>
      %sub3A_442 = arith.subi %get3A_423, %mul3A_441 : vector<16xi32>
      %ge3A_443 = arith.constant 6400 : i32
      %ge3A_444 = vector.broadcast %ge3A_443 : i32 to vector<16xi32>
      %ge3A_445 = arith.cmpi sge, %sub3A_442, %ge3A_444 : vector<16xi32>
      %select_n3A_446 = arith.select %ge3A_445, %broadcast_in_dim3A_51, %broadcast_in_dim3A_53 : vector<16xi1>, vector<16xi32>
      %ge3A_447 = arith.constant 12800 : i32
      %ge3A_448 = vector.broadcast %ge3A_447 : i32 to vector<16xi32>
      %ge3A_449 = arith.cmpi sge, %sub3A_442, %ge3A_448 : vector<16xi32>
      %select_n3A_450 = arith.select %ge3A_449, %broadcast_in_dim3A_51, %broadcast_in_dim3A_53 : vector<16xi1>, vector<16xi32>
      %add3A_451 = arith.addi %select_n3A_446, %select_n3A_450 : vector<16xi32>
      %ge3A_452 = arith.constant 19200 : i32
      %ge3A_453 = vector.broadcast %ge3A_452 : i32 to vector<16xi32>
      %ge3A_454 = arith.cmpi sge, %sub3A_442, %ge3A_453 : vector<16xi32>
      %select_n3A_455 = arith.select %ge3A_454, %broadcast_in_dim3A_51, %broadcast_in_dim3A_53 : vector<16xi1>, vector<16xi32>
      %add3A_456 = arith.addi %add3A_451, %select_n3A_455 : vector<16xi32>
      %mul3A_457 = arith.constant 25600 : i32
      %mul3A_458 = vector.broadcast %mul3A_457 : i32 to vector<16xi32>
      %mul3A_459 = arith.muli %add3A_438, %mul3A_458 : vector<16xi32>
      %mul3A_460 = arith.constant 6400 : i32
      %mul3A_461 = vector.broadcast %mul3A_460 : i32 to vector<16xi32>
      %mul3A_462 = arith.muli %add3A_456, %mul3A_461 : vector<16xi32>
      %sub3A_463 = arith.subi %sub3A_442, %mul3A_462 : vector<16xi32>
      %mul3A_464 = arith.constant 4 : i32
      %mul3A_465 = vector.broadcast %mul3A_464 : i32 to vector<16xi32>
      %mul3A_466 = arith.muli %sub3A_463, %mul3A_465 : vector<16xi32>
      %add3A_467 = arith.addi %mul3A_459, %mul3A_466 : vector<16xi32>
      %add3A_468 = arith.addi %add3A_467, %add3A_456 : vector<16xi32>
      %swap3A_469 = arith.constant 112 : index
      %swap3A_470 = tpu.vector_load %arg5[%swap3A_469] {strides = array<i32>} : memref<512xi32, #tpu.memory_space<vmem>>, vector<16xi32>,
      %swap3A_471 = vector.shape_cast %swap3A_470 : vector<16xi32> to vector<16xi32>
      %swap3A_472 = vector.shape_cast %add3A_468 : vector<16xi32> to vector<16xi32>
      tpu.vector_store %arg5[%swap3A_469], %swap3A_472 {strides = array<i32>} : memref<512xi32, #tpu.memory_space<vmem>>, vector<16xi32>,
      %get3A_473 = arith.constant 128 : index
      %get3A_474 = tpu.vector_load %arg5[%get3A_473] {strides = array<i32>} : memref<512xi32, #tpu.memory_space<vmem>>, vector<16xi32>,
      %get3A_475 = vector.shape_cast %get3A_474 : vector<16xi32> to vector<16xi32>
      %ge3A_476 = arith.constant 25600 : i32
      %ge3A_477 = vector.broadcast %ge3A_476 : i32 to vector<16xi32>
      %ge3A_478 = arith.cmpi sge, %get3A_475, %ge3A_477 : vector<16xi32>
      %select_n3A_479 = arith.select %ge3A_478, %broadcast_in_dim3A_51, %broadcast_in_dim3A_53 : vector<16xi1>, vector<16xi32>
      %add3A_480 = arith.addi %broadcast_in_dim3A_53, %select_n3A_479 : vector<16xi32>
      %ge3A_481 = arith.constant 51200 : i32
      %ge3A_482 = vector.broadcast %ge3A_481 : i32 to vector<16xi32>
      %ge3A_483 = arith.cmpi sge, %get3A_475, %ge3A_482 : vector<16xi32>
      %select_n3A_484 = arith.select %ge3A_483, %broadcast_in_dim3A_51, %broadcast_in_dim3A_53 : vector<16xi1>, vector<16xi32>
      %add3A_485 = arith.addi %add3A_480, %select_n3A_484 : vector<16xi32>
      %ge3A_486 = arith.constant 76800 : i32
      %ge3A_487 = vector.broadcast %ge3A_486 : i32 to vector<16xi32>
      %ge3A_488 = arith.cmpi sge, %get3A_475, %ge3A_487 : vector<16xi32>
      %select_n3A_489 = arith.select %ge3A_488, %broadcast_in_dim3A_51, %broadcast_in_dim3A_53 : vector<16xi1>, vector<16xi32>
      %add3A_490 = arith.addi %add3A_485, %select_n3A_489 : vector<16xi32>
      %mul3A_491 = arith.constant 25600 : i32
      %mul3A_492 = vector.broadcast %mul3A_491 : i32 to vector<16xi32>
      %mul3A_493 = arith.muli %add3A_490, %mul3A_492 : vector<16xi32>
      %sub3A_494 = arith.subi %get3A_475, %mul3A_493 : vector<16xi32>
      %ge3A_495 = arith.constant 6400 : i32
      %ge3A_496 = vector.broadcast %ge3A_495 : i32 to vector<16xi32>
      %ge3A_497 = arith.cmpi sge, %sub3A_494, %ge3A_496 : vector<16xi32>
      %select_n3A_498 = arith.select %ge3A_497, %broadcast_in_dim3A_51, %broadcast_in_dim3A_53 : vector<16xi1>, vector<16xi32>
      %ge3A_499 = arith.constant 12800 : i32
      %ge3A_500 = vector.broadcast %ge3A_499 : i32 to vector<16xi32>
      %ge3A_501 = arith.cmpi sge, %sub3A_494, %ge3A_500 : vector<16xi32>
      %select_n3A_502 = arith.select %ge3A_501, %broadcast_in_dim3A_51, %broadcast_in_dim3A_53 : vector<16xi1>, vector<16xi32>
      %add3A_503 = arith.addi %select_n3A_498, %select_n3A_502 : vector<16xi32>
      %ge3A_504 = arith.constant 19200 : i32
      %ge3A_505 = vector.broadcast %ge3A_504 : i32 to vector<16xi32>
      %ge3A_506 = arith.cmpi sge, %sub3A_494, %ge3A_505 : vector<16xi32>
      %select_n3A_507 = arith.select %ge3A_506, %broadcast_in_dim3A_51, %broadcast_in_dim3A_53 : vector<16xi1>, vector<16xi32>
      %add3A_508 = arith.addi %add3A_503, %select_n3A_507 : vector<16xi32>
      %mul3A_509 = arith.constant 25600 : i32
      %mul3A_510 = vector.broadcast %mul3A_509 : i32 to vector<16xi32>
      %mul3A_511 = arith.muli %add3A_490, %mul3A_510 : vector<16xi32>
      %mul3A_512 = arith.constant 6400 : i32
      %mul3A_513 = vector.broadcast %mul3A_512 : i32 to vector<16xi32>
      %mul3A_514 = arith.muli %add3A_508, %mul3A_513 : vector<16xi32>
      %sub3A_515 = arith.subi %sub3A_494, %mul3A_514 : vector<16xi32>
      %mul3A_516 = arith.constant 4 : i32
      %mul3A_517 = vector.broadcast %mul3A_516 : i32 to vector<16xi32>
      %mul3A_518 = arith.muli %sub3A_515, %mul3A_517 : vector<16xi32>
      %add3A_519 = arith.addi %mul3A_511, %mul3A_518 : vector<16xi32>
      %add3A_520 = arith.addi %add3A_519, %add3A_508 : vector<16xi32>
      %swap3A_521 = arith.constant 128 : index
      %swap3A_522 = tpu.vector_load %arg5[%swap3A_521] {strides = array<i32>} : memref<512xi32, #tpu.memory_space<vmem>>, vector<16xi32>,
      %swap3A_523 = vector.shape_cast %swap3A_522 : vector<16xi32> to vector<16xi32>
      %swap3A_524 = vector.shape_cast %add3A_520 : vector<16xi32> to vector<16xi32>
      tpu.vector_store %arg5[%swap3A_521], %swap3A_524 {strides = array<i32>} : memref<512xi32, #tpu.memory_space<vmem>>, vector<16xi32>,
      %get3A_525 = arith.constant 144 : index
      %get3A_526 = tpu.vector_load %arg5[%get3A_525] {strides = array<i32>} : memref<512xi32, #tpu.memory_space<vmem>>, vector<16xi32>,
      %get3A_527 = vector.shape_cast %get3A_526 : vector<16xi32> to vector<16xi32>
      %ge3A_528 = arith.constant 25600 : i32
      %ge3A_529 = vector.broadcast %ge3A_528 : i32 to vector<16xi32>
      %ge3A_530 = arith.cmpi sge, %get3A_527, %ge3A_529 : vector<16xi32>
      %select_n3A_531 = arith.select %ge3A_530, %broadcast_in_dim3A_51, %broadcast_in_dim3A_53 : vector<16xi1>, vector<16xi32>
      %add3A_532 = arith.addi %broadcast_in_dim3A_53, %select_n3A_531 : vector<16xi32>
      %ge3A_533 = arith.constant 51200 : i32
      %ge3A_534 = vector.broadcast %ge3A_533 : i32 to vector<16xi32>
      %ge3A_535 = arith.cmpi sge, %get3A_527, %ge3A_534 : vector<16xi32>
      %select_n3A_536 = arith.select %ge3A_535, %broadcast_in_dim3A_51, %broadcast_in_dim3A_53 : vector<16xi1>, vector<16xi32>
      %add3A_537 = arith.addi %add3A_532, %select_n3A_536 : vector<16xi32>
      %ge3A_538 = arith.constant 76800 : i32
      %ge3A_539 = vector.broadcast %ge3A_538 : i32 to vector<16xi32>
      %ge3A_540 = arith.cmpi sge, %get3A_527, %ge3A_539 : vector<16xi32>
      %select_n3A_541 = arith.select %ge3A_540, %broadcast_in_dim3A_51, %broadcast_in_dim3A_53 : vector<16xi1>, vector<16xi32>
      %add3A_542 = arith.addi %add3A_537, %select_n3A_541 : vector<16xi32>
      %mul3A_543 = arith.constant 25600 : i32
      %mul3A_544 = vector.broadcast %mul3A_543 : i32 to vector<16xi32>
      %mul3A_545 = arith.muli %add3A_542, %mul3A_544 : vector<16xi32>
      %sub3A_546 = arith.subi %get3A_527, %mul3A_545 : vector<16xi32>
      %ge3A_547 = arith.constant 6400 : i32
      %ge3A_548 = vector.broadcast %ge3A_547 : i32 to vector<16xi32>
      %ge3A_549 = arith.cmpi sge, %sub3A_546, %ge3A_548 : vector<16xi32>
      %select_n3A_550 = arith.select %ge3A_549, %broadcast_in_dim3A_51, %broadcast_in_dim3A_53 : vector<16xi1>, vector<16xi32>
      %ge3A_551 = arith.constant 12800 : i32
      %ge3A_552 = vector.broadcast %ge3A_551 : i32 to vector<16xi32>
      %ge3A_553 = arith.cmpi sge, %sub3A_546, %ge3A_552 : vector<16xi32>
      %select_n3A_554 = arith.select %ge3A_553, %broadcast_in_dim3A_51, %broadcast_in_dim3A_53 : vector<16xi1>, vector<16xi32>
      %add3A_555 = arith.addi %select_n3A_550, %select_n3A_554 : vector<16xi32>
      %ge3A_556 = arith.constant 19200 : i32
      %ge3A_557 = vector.broadcast %ge3A_556 : i32 to vector<16xi32>
      %ge3A_558 = arith.cmpi sge, %sub3A_546, %ge3A_557 : vector<16xi32>
      %select_n3A_559 = arith.select %ge3A_558, %broadcast_in_dim3A_51, %broadcast_in_dim3A_53 : vector<16xi1>, vector<16xi32>
      %add3A_560 = arith.addi %add3A_555, %select_n3A_559 : vector<16xi32>
      %mul3A_561 = arith.constant 25600 : i32
      %mul3A_562 = vector.broadcast %mul3A_561 : i32 to vector<16xi32>
      %mul3A_563 = arith.muli %add3A_542, %mul3A_562 : vector<16xi32>
      %mul3A_564 = arith.constant 6400 : i32
      %mul3A_565 = vector.broadcast %mul3A_564 : i32 to vector<16xi32>
      %mul3A_566 = arith.muli %add3A_560, %mul3A_565 : vector<16xi32>
      %sub3A_567 = arith.subi %sub3A_546, %mul3A_566 : vector<16xi32>
      %mul3A_568 = arith.constant 4 : i32
      %mul3A_569 = vector.broadcast %mul3A_568 : i32 to vector<16xi32>
      %mul3A_570 = arith.muli %sub3A_567, %mul3A_569 : vector<16xi32>
      %add3A_571 = arith.addi %mul3A_563, %mul3A_570 : vector<16xi32>
      %add3A_572 = arith.addi %add3A_571, %add3A_560 : vector<16xi32>
      %swap3A_573 = arith.constant 144 : index
      %swap3A_574 = tpu.vector_load %arg5[%swap3A_573] {strides = array<i32>} : memref<512xi32, #tpu.memory_space<vmem>>, vector<16xi32>,
      %swap3A_575 = vector.shape_cast %swap3A_574 : vector<16xi32> to vector<16xi32>
      %swap3A_576 = vector.shape_cast %add3A_572 : vector<16xi32> to vector<16xi32>
      tpu.vector_store %arg5[%swap3A_573], %swap3A_576 {strides = array<i32>} : memref<512xi32, #tpu.memory_space<vmem>>, vector<16xi32>,
      %get3A_577 = arith.constant 160 : index
      %get3A_578 = tpu.vector_load %arg5[%get3A_577] {strides = array<i32>} : memref<512xi32, #tpu.memory_space<vmem>>, vector<16xi32>,
      %get3A_579 = vector.shape_cast %get3A_578 : vector<16xi32> to vector<16xi32>
      %ge3A_580 = arith.constant 25600 : i32
      %ge3A_581 = vector.broadcast %ge3A_580 : i32 to vector<16xi32>
      %ge3A_582 = arith.cmpi sge, %get3A_579, %ge3A_581 : vector<16xi32>
      %select_n3A_583 = arith.select %ge3A_582, %broadcast_in_dim3A_51, %broadcast_in_dim3A_53 : vector<16xi1>, vector<16xi32>
      %add3A_584 = arith.addi %broadcast_in_dim3A_53, %select_n3A_583 : vector<16xi32>
      %ge3A_585 = arith.constant 51200 : i32
      %ge3A_586 = vector.broadcast %ge3A_585 : i32 to vector<16xi32>
      %ge3A_587 = arith.cmpi sge, %get3A_579, %ge3A_586 : vector<16xi32>
      %select_n3A_588 = arith.select %ge3A_587, %broadcast_in_dim3A_51, %broadcast_in_dim3A_53 : vector<16xi1>, vector<16xi32>
      %add3A_589 = arith.addi %add3A_584, %select_n3A_588 : vector<16xi32>
      %ge3A_590 = arith.constant 76800 : i32
      %ge3A_591 = vector.broadcast %ge3A_590 : i32 to vector<16xi32>
      %ge3A_592 = arith.cmpi sge, %get3A_579, %ge3A_591 : vector<16xi32>
      %select_n3A_593 = arith.select %ge3A_592, %broadcast_in_dim3A_51, %broadcast_in_dim3A_53 : vector<16xi1>, vector<16xi32>
      %add3A_594 = arith.addi %add3A_589, %select_n3A_593 : vector<16xi32>
      %mul3A_595 = arith.constant 25600 : i32
      %mul3A_596 = vector.broadcast %mul3A_595 : i32 to vector<16xi32>
      %mul3A_597 = arith.muli %add3A_594, %mul3A_596 : vector<16xi32>
      %sub3A_598 = arith.subi %get3A_579, %mul3A_597 : vector<16xi32>
      %ge3A_599 = arith.constant 6400 : i32
      %ge3A_600 = vector.broadcast %ge3A_599 : i32 to vector<16xi32>
      %ge3A_601 = arith.cmpi sge, %sub3A_598, %ge3A_600 : vector<16xi32>
      %select_n3A_602 = arith.select %ge3A_601, %broadcast_in_dim3A_51, %broadcast_in_dim3A_53 : vector<16xi1>, vector<16xi32>
      %ge3A_603 = arith.constant 12800 : i32
      %ge3A_604 = vector.broadcast %ge3A_603 : i32 to vector<16xi32>
      %ge3A_605 = arith.cmpi sge, %sub3A_598, %ge3A_604 : vector<16xi32>
      %select_n3A_606 = arith.select %ge3A_605, %broadcast_in_dim3A_51, %broadcast_in_dim3A_53 : vector<16xi1>, vector<16xi32>
      %add3A_607 = arith.addi %select_n3A_602, %select_n3A_606 : vector<16xi32>
      %ge3A_608 = arith.constant 19200 : i32
      %ge3A_609 = vector.broadcast %ge3A_608 : i32 to vector<16xi32>
      %ge3A_610 = arith.cmpi sge, %sub3A_598, %ge3A_609 : vector<16xi32>
      %select_n3A_611 = arith.select %ge3A_610, %broadcast_in_dim3A_51, %broadcast_in_dim3A_53 : vector<16xi1>, vector<16xi32>
      %add3A_612 = arith.addi %add3A_607, %select_n3A_611 : vector<16xi32>
      %mul3A_613 = arith.constant 25600 : i32
      %mul3A_614 = vector.broadcast %mul3A_613 : i32 to vector<16xi32>
      %mul3A_615 = arith.muli %add3A_594, %mul3A_614 : vector<16xi32>
      %mul3A_616 = arith.constant 6400 : i32
      %mul3A_617 = vector.broadcast %mul3A_616 : i32 to vector<16xi32>
      %mul3A_618 = arith.muli %add3A_612, %mul3A_617 : vector<16xi32>
      %sub3A_619 = arith.subi %sub3A_598, %mul3A_618 : vector<16xi32>
      %mul3A_620 = arith.constant 4 : i32
      %mul3A_621 = vector.broadcast %mul3A_620 : i32 to vector<16xi32>
      %mul3A_622 = arith.muli %sub3A_619, %mul3A_621 : vector<16xi32>
      %add3A_623 = arith.addi %mul3A_615, %mul3A_622 : vector<16xi32>
      %add3A_624 = arith.addi %add3A_623, %add3A_612 : vector<16xi32>
      %swap3A_625 = arith.constant 160 : index
      %swap3A_626 = tpu.vector_load %arg5[%swap3A_625] {strides = array<i32>} : memref<512xi32, #tpu.memory_space<vmem>>, vector<16xi32>,
      %swap3A_627 = vector.shape_cast %swap3A_626 : vector<16xi32> to vector<16xi32>
      %swap3A_628 = vector.shape_cast %add3A_624 : vector<16xi32> to vector<16xi32>
      tpu.vector_store %arg5[%swap3A_625], %swap3A_628 {strides = array<i32>} : memref<512xi32, #tpu.memory_space<vmem>>, vector<16xi32>,
      %get3A_629 = arith.constant 176 : index
      %get3A_630 = tpu.vector_load %arg5[%get3A_629] {strides = array<i32>} : memref<512xi32, #tpu.memory_space<vmem>>, vector<16xi32>,
      %get3A_631 = vector.shape_cast %get3A_630 : vector<16xi32> to vector<16xi32>
      %ge3A_632 = arith.constant 25600 : i32
      %ge3A_633 = vector.broadcast %ge3A_632 : i32 to vector<16xi32>
      %ge3A_634 = arith.cmpi sge, %get3A_631, %ge3A_633 : vector<16xi32>
      %select_n3A_635 = arith.select %ge3A_634, %broadcast_in_dim3A_51, %broadcast_in_dim3A_53 : vector<16xi1>, vector<16xi32>
      %add3A_636 = arith.addi %broadcast_in_dim3A_53, %select_n3A_635 : vector<16xi32>
      %ge3A_637 = arith.constant 51200 : i32
      %ge3A_638 = vector.broadcast %ge3A_637 : i32 to vector<16xi32>
      %ge3A_639 = arith.cmpi sge, %get3A_631, %ge3A_638 : vector<16xi32>
      %select_n3A_640 = arith.select %ge3A_639, %broadcast_in_dim3A_51, %broadcast_in_dim3A_53 : vector<16xi1>, vector<16xi32>
      %add3A_641 = arith.addi %add3A_636, %select_n3A_640 : vector<16xi32>
      %ge3A_642 = arith.constant 76800 : i32
      %ge3A_643 = vector.broadcast %ge3A_642 : i32 to vector<16xi32>
      %ge3A_644 = arith.cmpi sge, %get3A_631, %ge3A_643 : vector<16xi32>
      %select_n3A_645 = arith.select %ge3A_644, %broadcast_in_dim3A_51, %broadcast_in_dim3A_53 : vector<16xi1>, vector<16xi32>
      %add3A_646 = arith.addi %add3A_641, %select_n3A_645 : vector<16xi32>
      %mul3A_647 = arith.constant 25600 : i32
      %mul3A_648 = vector.broadcast %mul3A_647 : i32 to vector<16xi32>
      %mul3A_649 = arith.muli %add3A_646, %mul3A_648 : vector<16xi32>
      %sub3A_650 = arith.subi %get3A_631, %mul3A_649 : vector<16xi32>
      %ge3A_651 = arith.constant 6400 : i32
      %ge3A_652 = vector.broadcast %ge3A_651 : i32 to vector<16xi32>
      %ge3A_653 = arith.cmpi sge, %sub3A_650, %ge3A_652 : vector<16xi32>
      %select_n3A_654 = arith.select %ge3A_653, %broadcast_in_dim3A_51, %broadcast_in_dim3A_53 : vector<16xi1>, vector<16xi32>
      %ge3A_655 = arith.constant 12800 : i32
      %ge3A_656 = vector.broadcast %ge3A_655 : i32 to vector<16xi32>
      %ge3A_657 = arith.cmpi sge, %sub3A_650, %ge3A_656 : vector<16xi32>
      %select_n3A_658 = arith.select %ge3A_657, %broadcast_in_dim3A_51, %broadcast_in_dim3A_53 : vector<16xi1>, vector<16xi32>
      %add3A_659 = arith.addi %select_n3A_654, %select_n3A_658 : vector<16xi32>
      %ge3A_660 = arith.constant 19200 : i32
      %ge3A_661 = vector.broadcast %ge3A_660 : i32 to vector<16xi32>
      %ge3A_662 = arith.cmpi sge, %sub3A_650, %ge3A_661 : vector<16xi32>
      %select_n3A_663 = arith.select %ge3A_662, %broadcast_in_dim3A_51, %broadcast_in_dim3A_53 : vector<16xi1>, vector<16xi32>
      %add3A_664 = arith.addi %add3A_659, %select_n3A_663 : vector<16xi32>
      %mul3A_665 = arith.constant 25600 : i32
      %mul3A_666 = vector.broadcast %mul3A_665 : i32 to vector<16xi32>
      %mul3A_667 = arith.muli %add3A_646, %mul3A_666 : vector<16xi32>
      %mul3A_668 = arith.constant 6400 : i32
      %mul3A_669 = vector.broadcast %mul3A_668 : i32 to vector<16xi32>
      %mul3A_670 = arith.muli %add3A_664, %mul3A_669 : vector<16xi32>
      %sub3A_671 = arith.subi %sub3A_650, %mul3A_670 : vector<16xi32>
      %mul3A_672 = arith.constant 4 : i32
      %mul3A_673 = vector.broadcast %mul3A_672 : i32 to vector<16xi32>
      %mul3A_674 = arith.muli %sub3A_671, %mul3A_673 : vector<16xi32>
      %add3A_675 = arith.addi %mul3A_667, %mul3A_674 : vector<16xi32>
      %add3A_676 = arith.addi %add3A_675, %add3A_664 : vector<16xi32>
      %swap3A_677 = arith.constant 176 : index
      %swap3A_678 = tpu.vector_load %arg5[%swap3A_677] {strides = array<i32>} : memref<512xi32, #tpu.memory_space<vmem>>, vector<16xi32>,
      %swap3A_679 = vector.shape_cast %swap3A_678 : vector<16xi32> to vector<16xi32>
      %swap3A_680 = vector.shape_cast %add3A_676 : vector<16xi32> to vector<16xi32>
      tpu.vector_store %arg5[%swap3A_677], %swap3A_680 {strides = array<i32>} : memref<512xi32, #tpu.memory_space<vmem>>, vector<16xi32>,
      %get3A_681 = arith.constant 192 : index
      %get3A_682 = tpu.vector_load %arg5[%get3A_681] {strides = array<i32>} : memref<512xi32, #tpu.memory_space<vmem>>, vector<16xi32>,
      %get3A_683 = vector.shape_cast %get3A_682 : vector<16xi32> to vector<16xi32>
      %ge3A_684 = arith.constant 25600 : i32
      %ge3A_685 = vector.broadcast %ge3A_684 : i32 to vector<16xi32>
      %ge3A_686 = arith.cmpi sge, %get3A_683, %ge3A_685 : vector<16xi32>
      %select_n3A_687 = arith.select %ge3A_686, %broadcast_in_dim3A_51, %broadcast_in_dim3A_53 : vector<16xi1>, vector<16xi32>
      %add3A_688 = arith.addi %broadcast_in_dim3A_53, %select_n3A_687 : vector<16xi32>
      %ge3A_689 = arith.constant 51200 : i32
      %ge3A_690 = vector.broadcast %ge3A_689 : i32 to vector<16xi32>
      %ge3A_691 = arith.cmpi sge, %get3A_683, %ge3A_690 : vector<16xi32>
      %select_n3A_692 = arith.select %ge3A_691, %broadcast_in_dim3A_51, %broadcast_in_dim3A_53 : vector<16xi1>, vector<16xi32>
      %add3A_693 = arith.addi %add3A_688, %select_n3A_692 : vector<16xi32>
      %ge3A_694 = arith.constant 76800 : i32
      %ge3A_695 = vector.broadcast %ge3A_694 : i32 to vector<16xi32>
      %ge3A_696 = arith.cmpi sge, %get3A_683, %ge3A_695 : vector<16xi32>
      %select_n3A_697 = arith.select %ge3A_696, %broadcast_in_dim3A_51, %broadcast_in_dim3A_53 : vector<16xi1>, vector<16xi32>
      %add3A_698 = arith.addi %add3A_693, %select_n3A_697 : vector<16xi32>
      %mul3A_699 = arith.constant 25600 : i32
      %mul3A_700 = vector.broadcast %mul3A_699 : i32 to vector<16xi32>
      %mul3A_701 = arith.muli %add3A_698, %mul3A_700 : vector<16xi32>
      %sub3A_702 = arith.subi %get3A_683, %mul3A_701 : vector<16xi32>
      %ge3A_703 = arith.constant 6400 : i32
      %ge3A_704 = vector.broadcast %ge3A_703 : i32 to vector<16xi32>
      %ge3A_705 = arith.cmpi sge, %sub3A_702, %ge3A_704 : vector<16xi32>
      %select_n3A_706 = arith.select %ge3A_705, %broadcast_in_dim3A_51, %broadcast_in_dim3A_53 : vector<16xi1>, vector<16xi32>
      %ge3A_707 = arith.constant 12800 : i32
      %ge3A_708 = vector.broadcast %ge3A_707 : i32 to vector<16xi32>
      %ge3A_709 = arith.cmpi sge, %sub3A_702, %ge3A_708 : vector<16xi32>
      %select_n3A_710 = arith.select %ge3A_709, %broadcast_in_dim3A_51, %broadcast_in_dim3A_53 : vector<16xi1>, vector<16xi32>
      %add3A_711 = arith.addi %select_n3A_706, %select_n3A_710 : vector<16xi32>
      %ge3A_712 = arith.constant 19200 : i32
      %ge3A_713 = vector.broadcast %ge3A_712 : i32 to vector<16xi32>
      %ge3A_714 = arith.cmpi sge, %sub3A_702, %ge3A_713 : vector<16xi32>
      %select_n3A_715 = arith.select %ge3A_714, %broadcast_in_dim3A_51, %broadcast_in_dim3A_53 : vector<16xi1>, vector<16xi32>
      %add3A_716 = arith.addi %add3A_711, %select_n3A_715 : vector<16xi32>
      %mul3A_717 = arith.constant 25600 : i32
      %mul3A_718 = vector.broadcast %mul3A_717 : i32 to vector<16xi32>
      %mul3A_719 = arith.muli %add3A_698, %mul3A_718 : vector<16xi32>
      %mul3A_720 = arith.constant 6400 : i32
      %mul3A_721 = vector.broadcast %mul3A_720 : i32 to vector<16xi32>
      %mul3A_722 = arith.muli %add3A_716, %mul3A_721 : vector<16xi32>
      %sub3A_723 = arith.subi %sub3A_702, %mul3A_722 : vector<16xi32>
      %mul3A_724 = arith.constant 4 : i32
      %mul3A_725 = vector.broadcast %mul3A_724 : i32 to vector<16xi32>
      %mul3A_726 = arith.muli %sub3A_723, %mul3A_725 : vector<16xi32>
      %add3A_727 = arith.addi %mul3A_719, %mul3A_726 : vector<16xi32>
      %add3A_728 = arith.addi %add3A_727, %add3A_716 : vector<16xi32>
      %swap3A_729 = arith.constant 192 : index
      %swap3A_730 = tpu.vector_load %arg5[%swap3A_729] {strides = array<i32>} : memref<512xi32, #tpu.memory_space<vmem>>, vector<16xi32>,
      %swap3A_731 = vector.shape_cast %swap3A_730 : vector<16xi32> to vector<16xi32>
      %swap3A_732 = vector.shape_cast %add3A_728 : vector<16xi32> to vector<16xi32>
      tpu.vector_store %arg5[%swap3A_729], %swap3A_732 {strides = array<i32>} : memref<512xi32, #tpu.memory_space<vmem>>, vector<16xi32>,
      %get3A_733 = arith.constant 208 : index
      %get3A_734 = tpu.vector_load %arg5[%get3A_733] {strides = array<i32>} : memref<512xi32, #tpu.memory_space<vmem>>, vector<16xi32>,
      %get3A_735 = vector.shape_cast %get3A_734 : vector<16xi32> to vector<16xi32>
      %ge3A_736 = arith.constant 25600 : i32
      %ge3A_737 = vector.broadcast %ge3A_736 : i32 to vector<16xi32>
      %ge3A_738 = arith.cmpi sge, %get3A_735, %ge3A_737 : vector<16xi32>
      %select_n3A_739 = arith.select %ge3A_738, %broadcast_in_dim3A_51, %broadcast_in_dim3A_53 : vector<16xi1>, vector<16xi32>
      %add3A_740 = arith.addi %broadcast_in_dim3A_53, %select_n3A_739 : vector<16xi32>
      %ge3A_741 = arith.constant 51200 : i32
      %ge3A_742 = vector.broadcast %ge3A_741 : i32 to vector<16xi32>
      %ge3A_743 = arith.cmpi sge, %get3A_735, %ge3A_742 : vector<16xi32>
      %select_n3A_744 = arith.select %ge3A_743, %broadcast_in_dim3A_51, %broadcast_in_dim3A_53 : vector<16xi1>, vector<16xi32>
      %add3A_745 = arith.addi %add3A_740, %select_n3A_744 : vector<16xi32>
      %ge3A_746 = arith.constant 76800 : i32
      %ge3A_747 = vector.broadcast %ge3A_746 : i32 to vector<16xi32>
      %ge3A_748 = arith.cmpi sge, %get3A_735, %ge3A_747 : vector<16xi32>
      %select_n3A_749 = arith.select %ge3A_748, %broadcast_in_dim3A_51, %broadcast_in_dim3A_53 : vector<16xi1>, vector<16xi32>
      %add3A_750 = arith.addi %add3A_745, %select_n3A_749 : vector<16xi32>
      %mul3A_751 = arith.constant 25600 : i32
      %mul3A_752 = vector.broadcast %mul3A_751 : i32 to vector<16xi32>
      %mul3A_753 = arith.muli %add3A_750, %mul3A_752 : vector<16xi32>
      %sub3A_754 = arith.subi %get3A_735, %mul3A_753 : vector<16xi32>
      %ge3A_755 = arith.constant 6400 : i32
      %ge3A_756 = vector.broadcast %ge3A_755 : i32 to vector<16xi32>
      %ge3A_757 = arith.cmpi sge, %sub3A_754, %ge3A_756 : vector<16xi32>
      %select_n3A_758 = arith.select %ge3A_757, %broadcast_in_dim3A_51, %broadcast_in_dim3A_53 : vector<16xi1>, vector<16xi32>
      %ge3A_759 = arith.constant 12800 : i32
      %ge3A_760 = vector.broadcast %ge3A_759 : i32 to vector<16xi32>
      %ge3A_761 = arith.cmpi sge, %sub3A_754, %ge3A_760 : vector<16xi32>
      %select_n3A_762 = arith.select %ge3A_761, %broadcast_in_dim3A_51, %broadcast_in_dim3A_53 : vector<16xi1>, vector<16xi32>
      %add3A_763 = arith.addi %select_n3A_758, %select_n3A_762 : vector<16xi32>
      %ge3A_764 = arith.constant 19200 : i32
      %ge3A_765 = vector.broadcast %ge3A_764 : i32 to vector<16xi32>
      %ge3A_766 = arith.cmpi sge, %sub3A_754, %ge3A_765 : vector<16xi32>
      %select_n3A_767 = arith.select %ge3A_766, %broadcast_in_dim3A_51, %broadcast_in_dim3A_53 : vector<16xi1>, vector<16xi32>
      %add3A_768 = arith.addi %add3A_763, %select_n3A_767 : vector<16xi32>
      %mul3A_769 = arith.constant 25600 : i32
      %mul3A_770 = vector.broadcast %mul3A_769 : i32 to vector<16xi32>
      %mul3A_771 = arith.muli %add3A_750, %mul3A_770 : vector<16xi32>
      %mul3A_772 = arith.constant 6400 : i32
      %mul3A_773 = vector.broadcast %mul3A_772 : i32 to vector<16xi32>
      %mul3A_774 = arith.muli %add3A_768, %mul3A_773 : vector<16xi32>
      %sub3A_775 = arith.subi %sub3A_754, %mul3A_774 : vector<16xi32>
      %mul3A_776 = arith.constant 4 : i32
      %mul3A_777 = vector.broadcast %mul3A_776 : i32 to vector<16xi32>
      %mul3A_778 = arith.muli %sub3A_775, %mul3A_777 : vector<16xi32>
      %add3A_779 = arith.addi %mul3A_771, %mul3A_778 : vector<16xi32>
      %add3A_780 = arith.addi %add3A_779, %add3A_768 : vector<16xi32>
      %swap3A_781 = arith.constant 208 : index
      %swap3A_782 = tpu.vector_load %arg5[%swap3A_781] {strides = array<i32>} : memref<512xi32, #tpu.memory_space<vmem>>, vector<16xi32>,
      %swap3A_783 = vector.shape_cast %swap3A_782 : vector<16xi32> to vector<16xi32>
      %swap3A_784 = vector.shape_cast %add3A_780 : vector<16xi32> to vector<16xi32>
      tpu.vector_store %arg5[%swap3A_781], %swap3A_784 {strides = array<i32>} : memref<512xi32, #tpu.memory_space<vmem>>, vector<16xi32>,
      %get3A_785 = arith.constant 224 : index
      %get3A_786 = tpu.vector_load %arg5[%get3A_785] {strides = array<i32>} : memref<512xi32, #tpu.memory_space<vmem>>, vector<16xi32>,
      %get3A_787 = vector.shape_cast %get3A_786 : vector<16xi32> to vector<16xi32>
      %ge3A_788 = arith.constant 25600 : i32
      %ge3A_789 = vector.broadcast %ge3A_788 : i32 to vector<16xi32>
      %ge3A_790 = arith.cmpi sge, %get3A_787, %ge3A_789 : vector<16xi32>
      %select_n3A_791 = arith.select %ge3A_790, %broadcast_in_dim3A_51, %broadcast_in_dim3A_53 : vector<16xi1>, vector<16xi32>
      %add3A_792 = arith.addi %broadcast_in_dim3A_53, %select_n3A_791 : vector<16xi32>
      %ge3A_793 = arith.constant 51200 : i32
      %ge3A_794 = vector.broadcast %ge3A_793 : i32 to vector<16xi32>
      %ge3A_795 = arith.cmpi sge, %get3A_787, %ge3A_794 : vector<16xi32>
      %select_n3A_796 = arith.select %ge3A_795, %broadcast_in_dim3A_51, %broadcast_in_dim3A_53 : vector<16xi1>, vector<16xi32>
      %add3A_797 = arith.addi %add3A_792, %select_n3A_796 : vector<16xi32>
      %ge3A_798 = arith.constant 76800 : i32
      %ge3A_799 = vector.broadcast %ge3A_798 : i32 to vector<16xi32>
      %ge3A_800 = arith.cmpi sge, %get3A_787, %ge3A_799 : vector<16xi32>
      %select_n3A_801 = arith.select %ge3A_800, %broadcast_in_dim3A_51, %broadcast_in_dim3A_53 : vector<16xi1>, vector<16xi32>
      %add3A_802 = arith.addi %add3A_797, %select_n3A_801 : vector<16xi32>
      %mul3A_803 = arith.constant 25600 : i32
      %mul3A_804 = vector.broadcast %mul3A_803 : i32 to vector<16xi32>
      %mul3A_805 = arith.muli %add3A_802, %mul3A_804 : vector<16xi32>
      %sub3A_806 = arith.subi %get3A_787, %mul3A_805 : vector<16xi32>
      %ge3A_807 = arith.constant 6400 : i32
      %ge3A_808 = vector.broadcast %ge3A_807 : i32 to vector<16xi32>
      %ge3A_809 = arith.cmpi sge, %sub3A_806, %ge3A_808 : vector<16xi32>
      %select_n3A_810 = arith.select %ge3A_809, %broadcast_in_dim3A_51, %broadcast_in_dim3A_53 : vector<16xi1>, vector<16xi32>
      %ge3A_811 = arith.constant 12800 : i32
      %ge3A_812 = vector.broadcast %ge3A_811 : i32 to vector<16xi32>
      %ge3A_813 = arith.cmpi sge, %sub3A_806, %ge3A_812 : vector<16xi32>
      %select_n3A_814 = arith.select %ge3A_813, %broadcast_in_dim3A_51, %broadcast_in_dim3A_53 : vector<16xi1>, vector<16xi32>
      %add3A_815 = arith.addi %select_n3A_810, %select_n3A_814 : vector<16xi32>
      %ge3A_816 = arith.constant 19200 : i32
      %ge3A_817 = vector.broadcast %ge3A_816 : i32 to vector<16xi32>
      %ge3A_818 = arith.cmpi sge, %sub3A_806, %ge3A_817 : vector<16xi32>
      %select_n3A_819 = arith.select %ge3A_818, %broadcast_in_dim3A_51, %broadcast_in_dim3A_53 : vector<16xi1>, vector<16xi32>
      %add3A_820 = arith.addi %add3A_815, %select_n3A_819 : vector<16xi32>
      %mul3A_821 = arith.constant 25600 : i32
      %mul3A_822 = vector.broadcast %mul3A_821 : i32 to vector<16xi32>
      %mul3A_823 = arith.muli %add3A_802, %mul3A_822 : vector<16xi32>
      %mul3A_824 = arith.constant 6400 : i32
      %mul3A_825 = vector.broadcast %mul3A_824 : i32 to vector<16xi32>
      %mul3A_826 = arith.muli %add3A_820, %mul3A_825 : vector<16xi32>
      %sub3A_827 = arith.subi %sub3A_806, %mul3A_826 : vector<16xi32>
      %mul3A_828 = arith.constant 4 : i32
      %mul3A_829 = vector.broadcast %mul3A_828 : i32 to vector<16xi32>
      %mul3A_830 = arith.muli %sub3A_827, %mul3A_829 : vector<16xi32>
      %add3A_831 = arith.addi %mul3A_823, %mul3A_830 : vector<16xi32>
      %add3A_832 = arith.addi %add3A_831, %add3A_820 : vector<16xi32>
      %swap3A_833 = arith.constant 224 : index
      %swap3A_834 = tpu.vector_load %arg5[%swap3A_833] {strides = array<i32>} : memref<512xi32, #tpu.memory_space<vmem>>, vector<16xi32>,
      %swap3A_835 = vector.shape_cast %swap3A_834 : vector<16xi32> to vector<16xi32>
      %swap3A_836 = vector.shape_cast %add3A_832 : vector<16xi32> to vector<16xi32>
      tpu.vector_store %arg5[%swap3A_833], %swap3A_836 {strides = array<i32>} : memref<512xi32, #tpu.memory_space<vmem>>, vector<16xi32>,
      %get3A_837 = arith.constant 240 : index
      %get3A_838 = tpu.vector_load %arg5[%get3A_837] {strides = array<i32>} : memref<512xi32, #tpu.memory_space<vmem>>, vector<16xi32>,
      %get3A_839 = vector.shape_cast %get3A_838 : vector<16xi32> to vector<16xi32>
      %ge3A_840 = arith.constant 25600 : i32
      %ge3A_841 = vector.broadcast %ge3A_840 : i32 to vector<16xi32>
      %ge3A_842 = arith.cmpi sge, %get3A_839, %ge3A_841 : vector<16xi32>
      %select_n3A_843 = arith.select %ge3A_842, %broadcast_in_dim3A_51, %broadcast_in_dim3A_53 : vector<16xi1>, vector<16xi32>
      %add3A_844 = arith.addi %broadcast_in_dim3A_53, %select_n3A_843 : vector<16xi32>
      %ge3A_845 = arith.constant 51200 : i32
      %ge3A_846 = vector.broadcast %ge3A_845 : i32 to vector<16xi32>
      %ge3A_847 = arith.cmpi sge, %get3A_839, %ge3A_846 : vector<16xi32>
      %select_n3A_848 = arith.select %ge3A_847, %broadcast_in_dim3A_51, %broadcast_in_dim3A_53 : vector<16xi1>, vector<16xi32>
      %add3A_849 = arith.addi %add3A_844, %select_n3A_848 : vector<16xi32>
      %ge3A_850 = arith.constant 76800 : i32
      %ge3A_851 = vector.broadcast %ge3A_850 : i32 to vector<16xi32>
      %ge3A_852 = arith.cmpi sge, %get3A_839, %ge3A_851 : vector<16xi32>
      %select_n3A_853 = arith.select %ge3A_852, %broadcast_in_dim3A_51, %broadcast_in_dim3A_53 : vector<16xi1>, vector<16xi32>
      %add3A_854 = arith.addi %add3A_849, %select_n3A_853 : vector<16xi32>
      %mul3A_855 = arith.constant 25600 : i32
      %mul3A_856 = vector.broadcast %mul3A_855 : i32 to vector<16xi32>
      %mul3A_857 = arith.muli %add3A_854, %mul3A_856 : vector<16xi32>
      %sub3A_858 = arith.subi %get3A_839, %mul3A_857 : vector<16xi32>
      %ge3A_859 = arith.constant 6400 : i32
      %ge3A_860 = vector.broadcast %ge3A_859 : i32 to vector<16xi32>
      %ge3A_861 = arith.cmpi sge, %sub3A_858, %ge3A_860 : vector<16xi32>
      %select_n3A_862 = arith.select %ge3A_861, %broadcast_in_dim3A_51, %broadcast_in_dim3A_53 : vector<16xi1>, vector<16xi32>
      %ge3A_863 = arith.constant 12800 : i32
      %ge3A_864 = vector.broadcast %ge3A_863 : i32 to vector<16xi32>
      %ge3A_865 = arith.cmpi sge, %sub3A_858, %ge3A_864 : vector<16xi32>
      %select_n3A_866 = arith.select %ge3A_865, %broadcast_in_dim3A_51, %broadcast_in_dim3A_53 : vector<16xi1>, vector<16xi32>
      %add3A_867 = arith.addi %select_n3A_862, %select_n3A_866 : vector<16xi32>
      %ge3A_868 = arith.constant 19200 : i32
      %ge3A_869 = vector.broadcast %ge3A_868 : i32 to vector<16xi32>
      %ge3A_870 = arith.cmpi sge, %sub3A_858, %ge3A_869 : vector<16xi32>
      %select_n3A_871 = arith.select %ge3A_870, %broadcast_in_dim3A_51, %broadcast_in_dim3A_53 : vector<16xi1>, vector<16xi32>
      %add3A_872 = arith.addi %add3A_867, %select_n3A_871 : vector<16xi32>
      %mul3A_873 = arith.constant 25600 : i32
      %mul3A_874 = vector.broadcast %mul3A_873 : i32 to vector<16xi32>
      %mul3A_875 = arith.muli %add3A_854, %mul3A_874 : vector<16xi32>
      %mul3A_876 = arith.constant 6400 : i32
      %mul3A_877 = vector.broadcast %mul3A_876 : i32 to vector<16xi32>
      %mul3A_878 = arith.muli %add3A_872, %mul3A_877 : vector<16xi32>
      %sub3A_879 = arith.subi %sub3A_858, %mul3A_878 : vector<16xi32>
      %mul3A_880 = arith.constant 4 : i32
      %mul3A_881 = vector.broadcast %mul3A_880 : i32 to vector<16xi32>
      %mul3A_882 = arith.muli %sub3A_879, %mul3A_881 : vector<16xi32>
      %add3A_883 = arith.addi %mul3A_875, %mul3A_882 : vector<16xi32>
      %add3A_884 = arith.addi %add3A_883, %add3A_872 : vector<16xi32>
      %swap3A_885 = arith.constant 240 : index
      %swap3A_886 = tpu.vector_load %arg5[%swap3A_885] {strides = array<i32>} : memref<512xi32, #tpu.memory_space<vmem>>, vector<16xi32>,
      %swap3A_887 = vector.shape_cast %swap3A_886 : vector<16xi32> to vector<16xi32>
      %swap3A_888 = vector.shape_cast %add3A_884 : vector<16xi32> to vector<16xi32>
      tpu.vector_store %arg5[%swap3A_885], %swap3A_888 {strides = array<i32>} : memref<512xi32, #tpu.memory_space<vmem>>, vector<16xi32>,
      %get3A_889 = arith.constant 256 : index
      %get3A_890 = tpu.vector_load %arg5[%get3A_889] {strides = array<i32>} : memref<512xi32, #tpu.memory_space<vmem>>, vector<16xi32>,
      %get3A_891 = vector.shape_cast %get3A_890 : vector<16xi32> to vector<16xi32>
      %ge3A_892 = arith.constant 25600 : i32
      %ge3A_893 = vector.broadcast %ge3A_892 : i32 to vector<16xi32>
      %ge3A_894 = arith.cmpi sge, %get3A_891, %ge3A_893 : vector<16xi32>
      %select_n3A_895 = arith.select %ge3A_894, %broadcast_in_dim3A_51, %broadcast_in_dim3A_53 : vector<16xi1>, vector<16xi32>
      %add3A_896 = arith.addi %broadcast_in_dim3A_53, %select_n3A_895 : vector<16xi32>
      %ge3A_897 = arith.constant 51200 : i32
      %ge3A_898 = vector.broadcast %ge3A_897 : i32 to vector<16xi32>
      %ge3A_899 = arith.cmpi sge, %get3A_891, %ge3A_898 : vector<16xi32>
      %select_n3A_900 = arith.select %ge3A_899, %broadcast_in_dim3A_51, %broadcast_in_dim3A_53 : vector<16xi1>, vector<16xi32>
      %add3A_901 = arith.addi %add3A_896, %select_n3A_900 : vector<16xi32>
      %ge3A_902 = arith.constant 76800 : i32
      %ge3A_903 = vector.broadcast %ge3A_902 : i32 to vector<16xi32>
      %ge3A_904 = arith.cmpi sge, %get3A_891, %ge3A_903 : vector<16xi32>
      %select_n3A_905 = arith.select %ge3A_904, %broadcast_in_dim3A_51, %broadcast_in_dim3A_53 : vector<16xi1>, vector<16xi32>
      %add3A_906 = arith.addi %add3A_901, %select_n3A_905 : vector<16xi32>
      %mul3A_907 = arith.constant 25600 : i32
      %mul3A_908 = vector.broadcast %mul3A_907 : i32 to vector<16xi32>
      %mul3A_909 = arith.muli %add3A_906, %mul3A_908 : vector<16xi32>
      %sub3A_910 = arith.subi %get3A_891, %mul3A_909 : vector<16xi32>
      %ge3A_911 = arith.constant 6400 : i32
      %ge3A_912 = vector.broadcast %ge3A_911 : i32 to vector<16xi32>
      %ge3A_913 = arith.cmpi sge, %sub3A_910, %ge3A_912 : vector<16xi32>
      %select_n3A_914 = arith.select %ge3A_913, %broadcast_in_dim3A_51, %broadcast_in_dim3A_53 : vector<16xi1>, vector<16xi32>
      %ge3A_915 = arith.constant 12800 : i32
      %ge3A_916 = vector.broadcast %ge3A_915 : i32 to vector<16xi32>
      %ge3A_917 = arith.cmpi sge, %sub3A_910, %ge3A_916 : vector<16xi32>
      %select_n3A_918 = arith.select %ge3A_917, %broadcast_in_dim3A_51, %broadcast_in_dim3A_53 : vector<16xi1>, vector<16xi32>
      %add3A_919 = arith.addi %select_n3A_914, %select_n3A_918 : vector<16xi32>
      %ge3A_920 = arith.constant 19200 : i32
      %ge3A_921 = vector.broadcast %ge3A_920 : i32 to vector<16xi32>
      %ge3A_922 = arith.cmpi sge, %sub3A_910, %ge3A_921 : vector<16xi32>
      %select_n3A_923 = arith.select %ge3A_922, %broadcast_in_dim3A_51, %broadcast_in_dim3A_53 : vector<16xi1>, vector<16xi32>
      %add3A_924 = arith.addi %add3A_919, %select_n3A_923 : vector<16xi32>
      %mul3A_925 = arith.constant 25600 : i32
      %mul3A_926 = vector.broadcast %mul3A_925 : i32 to vector<16xi32>
      %mul3A_927 = arith.muli %add3A_906, %mul3A_926 : vector<16xi32>
      %mul3A_928 = arith.constant 6400 : i32
      %mul3A_929 = vector.broadcast %mul3A_928 : i32 to vector<16xi32>
      %mul3A_930 = arith.muli %add3A_924, %mul3A_929 : vector<16xi32>
      %sub3A_931 = arith.subi %sub3A_910, %mul3A_930 : vector<16xi32>
      %mul3A_932 = arith.constant 4 : i32
      %mul3A_933 = vector.broadcast %mul3A_932 : i32 to vector<16xi32>
      %mul3A_934 = arith.muli %sub3A_931, %mul3A_933 : vector<16xi32>
      %add3A_935 = arith.addi %mul3A_927, %mul3A_934 : vector<16xi32>
      %add3A_936 = arith.addi %add3A_935, %add3A_924 : vector<16xi32>
      %swap3A_937 = arith.constant 256 : index
      %swap3A_938 = tpu.vector_load %arg5[%swap3A_937] {strides = array<i32>} : memref<512xi32, #tpu.memory_space<vmem>>, vector<16xi32>,
      %swap3A_939 = vector.shape_cast %swap3A_938 : vector<16xi32> to vector<16xi32>
      %swap3A_940 = vector.shape_cast %add3A_936 : vector<16xi32> to vector<16xi32>
      tpu.vector_store %arg5[%swap3A_937], %swap3A_940 {strides = array<i32>} : memref<512xi32, #tpu.memory_space<vmem>>, vector<16xi32>,
      %get3A_941 = arith.constant 272 : index
      %get3A_942 = tpu.vector_load %arg5[%get3A_941] {strides = array<i32>} : memref<512xi32, #tpu.memory_space<vmem>>, vector<16xi32>,
      %get3A_943 = vector.shape_cast %get3A_942 : vector<16xi32> to vector<16xi32>
      %ge3A_944 = arith.constant 25600 : i32
      %ge3A_945 = vector.broadcast %ge3A_944 : i32 to vector<16xi32>
      %ge3A_946 = arith.cmpi sge, %get3A_943, %ge3A_945 : vector<16xi32>
      %select_n3A_947 = arith.select %ge3A_946, %broadcast_in_dim3A_51, %broadcast_in_dim3A_53 : vector<16xi1>, vector<16xi32>
      %add3A_948 = arith.addi %broadcast_in_dim3A_53, %select_n3A_947 : vector<16xi32>
      %ge3A_949 = arith.constant 51200 : i32
      %ge3A_950 = vector.broadcast %ge3A_949 : i32 to vector<16xi32>
      %ge3A_951 = arith.cmpi sge, %get3A_943, %ge3A_950 : vector<16xi32>
      %select_n3A_952 = arith.select %ge3A_951, %broadcast_in_dim3A_51, %broadcast_in_dim3A_53 : vector<16xi1>, vector<16xi32>
      %add3A_953 = arith.addi %add3A_948, %select_n3A_952 : vector<16xi32>
      %ge3A_954 = arith.constant 76800 : i32
      %ge3A_955 = vector.broadcast %ge3A_954 : i32 to vector<16xi32>
      %ge3A_956 = arith.cmpi sge, %get3A_943, %ge3A_955 : vector<16xi32>
      %select_n3A_957 = arith.select %ge3A_956, %broadcast_in_dim3A_51, %broadcast_in_dim3A_53 : vector<16xi1>, vector<16xi32>
      %add3A_958 = arith.addi %add3A_953, %select_n3A_957 : vector<16xi32>
      %mul3A_959 = arith.constant 25600 : i32
      %mul3A_960 = vector.broadcast %mul3A_959 : i32 to vector<16xi32>
      %mul3A_961 = arith.muli %add3A_958, %mul3A_960 : vector<16xi32>
      %sub3A_962 = arith.subi %get3A_943, %mul3A_961 : vector<16xi32>
      %ge3A_963 = arith.constant 6400 : i32
      %ge3A_964 = vector.broadcast %ge3A_963 : i32 to vector<16xi32>
      %ge3A_965 = arith.cmpi sge, %sub3A_962, %ge3A_964 : vector<16xi32>
      %select_n3A_966 = arith.select %ge3A_965, %broadcast_in_dim3A_51, %broadcast_in_dim3A_53 : vector<16xi1>, vector<16xi32>
      %ge3A_967 = arith.constant 12800 : i32
      %ge3A_968 = vector.broadcast %ge3A_967 : i32 to vector<16xi32>
      %ge3A_969 = arith.cmpi sge, %sub3A_962, %ge3A_968 : vector<16xi32>
      %select_n3A_970 = arith.select %ge3A_969, %broadcast_in_dim3A_51, %broadcast_in_dim3A_53 : vector<16xi1>, vector<16xi32>
      %add3A_971 = arith.addi %select_n3A_966, %select_n3A_970 : vector<16xi32>
      %ge3A_972 = arith.constant 19200 : i32
      %ge3A_973 = vector.broadcast %ge3A_972 : i32 to vector<16xi32>
      %ge3A_974 = arith.cmpi sge, %sub3A_962, %ge3A_973 : vector<16xi32>
      %select_n3A_975 = arith.select %ge3A_974, %broadcast_in_dim3A_51, %broadcast_in_dim3A_53 : vector<16xi1>, vector<16xi32>
      %add3A_976 = arith.addi %add3A_971, %select_n3A_975 : vector<16xi32>
      %mul3A_977 = arith.constant 25600 : i32
      %mul3A_978 = vector.broadcast %mul3A_977 : i32 to vector<16xi32>
      %mul3A_979 = arith.muli %add3A_958, %mul3A_978 : vector<16xi32>
      %mul3A_980 = arith.constant 6400 : i32
      %mul3A_981 = vector.broadcast %mul3A_980 : i32 to vector<16xi32>
      %mul3A_982 = arith.muli %add3A_976, %mul3A_981 : vector<16xi32>
      %sub3A_983 = arith.subi %sub3A_962, %mul3A_982 : vector<16xi32>
      %mul3A_984 = arith.constant 4 : i32
      %mul3A_985 = vector.broadcast %mul3A_984 : i32 to vector<16xi32>
      %mul3A_986 = arith.muli %sub3A_983, %mul3A_985 : vector<16xi32>
      %add3A_987 = arith.addi %mul3A_979, %mul3A_986 : vector<16xi32>
      %add3A_988 = arith.addi %add3A_987, %add3A_976 : vector<16xi32>
      %swap3A_989 = arith.constant 272 : index
      %swap3A_990 = tpu.vector_load %arg5[%swap3A_989] {strides = array<i32>} : memref<512xi32, #tpu.memory_space<vmem>>, vector<16xi32>,
      %swap3A_991 = vector.shape_cast %swap3A_990 : vector<16xi32> to vector<16xi32>
      %swap3A_992 = vector.shape_cast %add3A_988 : vector<16xi32> to vector<16xi32>
      tpu.vector_store %arg5[%swap3A_989], %swap3A_992 {strides = array<i32>} : memref<512xi32, #tpu.memory_space<vmem>>, vector<16xi32>,
      %get3A_993 = arith.constant 288 : index
      %get3A_994 = tpu.vector_load %arg5[%get3A_993] {strides = array<i32>} : memref<512xi32, #tpu.memory_space<vmem>>, vector<16xi32>,
      %get3A_995 = vector.shape_cast %get3A_994 : vector<16xi32> to vector<16xi32>
      %ge3A_996 = arith.constant 25600 : i32
      %ge3A_997 = vector.broadcast %ge3A_996 : i32 to vector<16xi32>
      %ge3A_998 = arith.cmpi sge, %get3A_995, %ge3A_997 : vector<16xi32>
      %select_n3A_999 = arith.select %ge3A_998, %broadcast_in_dim3A_51, %broadcast_in_dim3A_53 : vector<16xi1>, vector<16xi32>
      %add3A_1000 = arith.addi %broadcast_in_dim3A_53, %select_n3A_999 : vector<16xi32>
      %ge3A_1001 = arith.constant 51200 : i32
      %ge3A_1002 = vector.broadcast %ge3A_1001 : i32 to vector<16xi32>
      %ge3A_1003 = arith.cmpi sge, %get3A_995, %ge3A_1002 : vector<16xi32>
      %select_n3A_1004 = arith.select %ge3A_1003, %broadcast_in_dim3A_51, %broadcast_in_dim3A_53 : vector<16xi1>, vector<16xi32>
      %add3A_1005 = arith.addi %add3A_1000, %select_n3A_1004 : vector<16xi32>
      %ge3A_1006 = arith.constant 76800 : i32
      %ge3A_1007 = vector.broadcast %ge3A_1006 : i32 to vector<16xi32>
      %ge3A_1008 = arith.cmpi sge, %get3A_995, %ge3A_1007 : vector<16xi32>
      %select_n3A_1009 = arith.select %ge3A_1008, %broadcast_in_dim3A_51, %broadcast_in_dim3A_53 : vector<16xi1>, vector<16xi32>
      %add3A_1010 = arith.addi %add3A_1005, %select_n3A_1009 : vector<16xi32>
      %mul3A_1011 = arith.constant 25600 : i32
      %mul3A_1012 = vector.broadcast %mul3A_1011 : i32 to vector<16xi32>
      %mul3A_1013 = arith.muli %add3A_1010, %mul3A_1012 : vector<16xi32>
      %sub3A_1014 = arith.subi %get3A_995, %mul3A_1013 : vector<16xi32>
      %ge3A_1015 = arith.constant 6400 : i32
      %ge3A_1016 = vector.broadcast %ge3A_1015 : i32 to vector<16xi32>
      %ge3A_1017 = arith.cmpi sge, %sub3A_1014, %ge3A_1016 : vector<16xi32>
      %select_n3A_1018 = arith.select %ge3A_1017, %broadcast_in_dim3A_51, %broadcast_in_dim3A_53 : vector<16xi1>, vector<16xi32>
      %ge3A_1019 = arith.constant 12800 : i32
      %ge3A_1020 = vector.broadcast %ge3A_1019 : i32 to vector<16xi32>
      %ge3A_1021 = arith.cmpi sge, %sub3A_1014, %ge3A_1020 : vector<16xi32>
      %select_n3A_1022 = arith.select %ge3A_1021, %broadcast_in_dim3A_51, %broadcast_in_dim3A_53 : vector<16xi1>, vector<16xi32>
      %add3A_1023 = arith.addi %select_n3A_1018, %select_n3A_1022 : vector<16xi32>
      %ge3A_1024 = arith.constant 19200 : i32
      %ge3A_1025 = vector.broadcast %ge3A_1024 : i32 to vector<16xi32>
      %ge3A_1026 = arith.cmpi sge, %sub3A_1014, %ge3A_1025 : vector<16xi32>
      %select_n3A_1027 = arith.select %ge3A_1026, %broadcast_in_dim3A_51, %broadcast_in_dim3A_53 : vector<16xi1>, vector<16xi32>
      %add3A_1028 = arith.addi %add3A_1023, %select_n3A_1027 : vector<16xi32>
      %mul3A_1029 = arith.constant 25600 : i32
      %mul3A_1030 = vector.broadcast %mul3A_1029 : i32 to vector<16xi32>
      %mul3A_1031 = arith.muli %add3A_1010, %mul3A_1030 : vector<16xi32>
      %mul3A_1032 = arith.constant 6400 : i32
      %mul3A_1033 = vector.broadcast %mul3A_1032 : i32 to vector<16xi32>
      %mul3A_1034 = arith.muli %add3A_1028, %mul3A_1033 : vector<16xi32>
      %sub3A_1035 = arith.subi %sub3A_1014, %mul3A_1034 : vector<16xi32>
      %mul3A_1036 = arith.constant 4 : i32
      %mul3A_1037 = vector.broadcast %mul3A_1036 : i32 to vector<16xi32>
      %mul3A_1038 = arith.muli %sub3A_1035, %mul3A_1037 : vector<16xi32>
      %add3A_1039 = arith.addi %mul3A_1031, %mul3A_1038 : vector<16xi32>
      %add3A_1040 = arith.addi %add3A_1039, %add3A_1028 : vector<16xi32>
      %swap3A_1041 = arith.constant 288 : index
      %swap3A_1042 = tpu.vector_load %arg5[%swap3A_1041] {strides = array<i32>} : memref<512xi32, #tpu.memory_space<vmem>>, vector<16xi32>,
      %swap3A_1043 = vector.shape_cast %swap3A_1042 : vector<16xi32> to vector<16xi32>
      %swap3A_1044 = vector.shape_cast %add3A_1040 : vector<16xi32> to vector<16xi32>
      tpu.vector_store %arg5[%swap3A_1041], %swap3A_1044 {strides = array<i32>} : memref<512xi32, #tpu.memory_space<vmem>>, vector<16xi32>,
      %get3A_1045 = arith.constant 304 : index
      %get3A_1046 = tpu.vector_load %arg5[%get3A_1045] {strides = array<i32>} : memref<512xi32, #tpu.memory_space<vmem>>, vector<16xi32>,
      %get3A_1047 = vector.shape_cast %get3A_1046 : vector<16xi32> to vector<16xi32>
      %ge3A_1048 = arith.constant 25600 : i32
      %ge3A_1049 = vector.broadcast %ge3A_1048 : i32 to vector<16xi32>
      %ge3A_1050 = arith.cmpi sge, %get3A_1047, %ge3A_1049 : vector<16xi32>
      %select_n3A_1051 = arith.select %ge3A_1050, %broadcast_in_dim3A_51, %broadcast_in_dim3A_53 : vector<16xi1>, vector<16xi32>
      %add3A_1052 = arith.addi %broadcast_in_dim3A_53, %select_n3A_1051 : vector<16xi32>
      %ge3A_1053 = arith.constant 51200 : i32
      %ge3A_1054 = vector.broadcast %ge3A_1053 : i32 to vector<16xi32>
      %ge3A_1055 = arith.cmpi sge, %get3A_1047, %ge3A_1054 : vector<16xi32>
      %select_n3A_1056 = arith.select %ge3A_1055, %broadcast_in_dim3A_51, %broadcast_in_dim3A_53 : vector<16xi1>, vector<16xi32>
      %add3A_1057 = arith.addi %add3A_1052, %select_n3A_1056 : vector<16xi32>
      %ge3A_1058 = arith.constant 76800 : i32
      %ge3A_1059 = vector.broadcast %ge3A_1058 : i32 to vector<16xi32>
      %ge3A_1060 = arith.cmpi sge, %get3A_1047, %ge3A_1059 : vector<16xi32>
      %select_n3A_1061 = arith.select %ge3A_1060, %broadcast_in_dim3A_51, %broadcast_in_dim3A_53 : vector<16xi1>, vector<16xi32>
      %add3A_1062 = arith.addi %add3A_1057, %select_n3A_1061 : vector<16xi32>
      %mul3A_1063 = arith.constant 25600 : i32
      %mul3A_1064 = vector.broadcast %mul3A_1063 : i32 to vector<16xi32>
      %mul3A_1065 = arith.muli %add3A_1062, %mul3A_1064 : vector<16xi32>
      %sub3A_1066 = arith.subi %get3A_1047, %mul3A_1065 : vector<16xi32>
      %ge3A_1067 = arith.constant 6400 : i32
      %ge3A_1068 = vector.broadcast %ge3A_1067 : i32 to vector<16xi32>
      %ge3A_1069 = arith.cmpi sge, %sub3A_1066, %ge3A_1068 : vector<16xi32>
      %select_n3A_1070 = arith.select %ge3A_1069, %broadcast_in_dim3A_51, %broadcast_in_dim3A_53 : vector<16xi1>, vector<16xi32>
      %ge3A_1071 = arith.constant 12800 : i32
      %ge3A_1072 = vector.broadcast %ge3A_1071 : i32 to vector<16xi32>
      %ge3A_1073 = arith.cmpi sge, %sub3A_1066, %ge3A_1072 : vector<16xi32>
      %select_n3A_1074 = arith.select %ge3A_1073, %broadcast_in_dim3A_51, %broadcast_in_dim3A_53 : vector<16xi1>, vector<16xi32>
      %add3A_1075 = arith.addi %select_n3A_1070, %select_n3A_1074 : vector<16xi32>
      %ge3A_1076 = arith.constant 19200 : i32
      %ge3A_1077 = vector.broadcast %ge3A_1076 : i32 to vector<16xi32>
      %ge3A_1078 = arith.cmpi sge, %sub3A_1066, %ge3A_1077 : vector<16xi32>
      %select_n3A_1079 = arith.select %ge3A_1078, %broadcast_in_dim3A_51, %broadcast_in_dim3A_53 : vector<16xi1>, vector<16xi32>
      %add3A_1080 = arith.addi %add3A_1075, %select_n3A_1079 : vector<16xi32>
      %mul3A_1081 = arith.constant 25600 : i32
      %mul3A_1082 = vector.broadcast %mul3A_1081 : i32 to vector<16xi32>
      %mul3A_1083 = arith.muli %add3A_1062, %mul3A_1082 : vector<16xi32>
      %mul3A_1084 = arith.constant 6400 : i32
      %mul3A_1085 = vector.broadcast %mul3A_1084 : i32 to vector<16xi32>
      %mul3A_1086 = arith.muli %add3A_1080, %mul3A_1085 : vector<16xi32>
      %sub3A_1087 = arith.subi %sub3A_1066, %mul3A_1086 : vector<16xi32>
      %mul3A_1088 = arith.constant 4 : i32
      %mul3A_1089 = vector.broadcast %mul3A_1088 : i32 to vector<16xi32>
      %mul3A_1090 = arith.muli %sub3A_1087, %mul3A_1089 : vector<16xi32>
      %add3A_1091 = arith.addi %mul3A_1083, %mul3A_1090 : vector<16xi32>
      %add3A_1092 = arith.addi %add3A_1091, %add3A_1080 : vector<16xi32>
      %swap3A_1093 = arith.constant 304 : index
      %swap3A_1094 = tpu.vector_load %arg5[%swap3A_1093] {strides = array<i32>} : memref<512xi32, #tpu.memory_space<vmem>>, vector<16xi32>,
      %swap3A_1095 = vector.shape_cast %swap3A_1094 : vector<16xi32> to vector<16xi32>
      %swap3A_1096 = vector.shape_cast %add3A_1092 : vector<16xi32> to vector<16xi32>
      tpu.vector_store %arg5[%swap3A_1093], %swap3A_1096 {strides = array<i32>} : memref<512xi32, #tpu.memory_space<vmem>>, vector<16xi32>,
      %get3A_1097 = arith.constant 320 : index
      %get3A_1098 = tpu.vector_load %arg5[%get3A_1097] {strides = array<i32>} : memref<512xi32, #tpu.memory_space<vmem>>, vector<16xi32>,
      %get3A_1099 = vector.shape_cast %get3A_1098 : vector<16xi32> to vector<16xi32>
      %ge3A_1100 = arith.constant 25600 : i32
      %ge3A_1101 = vector.broadcast %ge3A_1100 : i32 to vector<16xi32>
      %ge3A_1102 = arith.cmpi sge, %get3A_1099, %ge3A_1101 : vector<16xi32>
      %select_n3A_1103 = arith.select %ge3A_1102, %broadcast_in_dim3A_51, %broadcast_in_dim3A_53 : vector<16xi1>, vector<16xi32>
      %add3A_1104 = arith.addi %broadcast_in_dim3A_53, %select_n3A_1103 : vector<16xi32>
      %ge3A_1105 = arith.constant 51200 : i32
      %ge3A_1106 = vector.broadcast %ge3A_1105 : i32 to vector<16xi32>
      %ge3A_1107 = arith.cmpi sge, %get3A_1099, %ge3A_1106 : vector<16xi32>
      %select_n3A_1108 = arith.select %ge3A_1107, %broadcast_in_dim3A_51, %broadcast_in_dim3A_53 : vector<16xi1>, vector<16xi32>
      %add3A_1109 = arith.addi %add3A_1104, %select_n3A_1108 : vector<16xi32>
      %ge3A_1110 = arith.constant 76800 : i32
      %ge3A_1111 = vector.broadcast %ge3A_1110 : i32 to vector<16xi32>
      %ge3A_1112 = arith.cmpi sge, %get3A_1099, %ge3A_1111 : vector<16xi32>
      %select_n3A_1113 = arith.select %ge3A_1112, %broadcast_in_dim3A_51, %broadcast_in_dim3A_53 : vector<16xi1>, vector<16xi32>
      %add3A_1114 = arith.addi %add3A_1109, %select_n3A_1113 : vector<16xi32>
      %mul3A_1115 = arith.constant 25600 : i32
      %mul3A_1116 = vector.broadcast %mul3A_1115 : i32 to vector<16xi32>
      %mul3A_1117 = arith.muli %add3A_1114, %mul3A_1116 : vector<16xi32>
      %sub3A_1118 = arith.subi %get3A_1099, %mul3A_1117 : vector<16xi32>
      %ge3A_1119 = arith.constant 6400 : i32
      %ge3A_1120 = vector.broadcast %ge3A_1119 : i32 to vector<16xi32>
      %ge3A_1121 = arith.cmpi sge, %sub3A_1118, %ge3A_1120 : vector<16xi32>
      %select_n3A_1122 = arith.select %ge3A_1121, %broadcast_in_dim3A_51, %broadcast_in_dim3A_53 : vector<16xi1>, vector<16xi32>
      %ge3A_1123 = arith.constant 12800 : i32
      %ge3A_1124 = vector.broadcast %ge3A_1123 : i32 to vector<16xi32>
      %ge3A_1125 = arith.cmpi sge, %sub3A_1118, %ge3A_1124 : vector<16xi32>
      %select_n3A_1126 = arith.select %ge3A_1125, %broadcast_in_dim3A_51, %broadcast_in_dim3A_53 : vector<16xi1>, vector<16xi32>
      %add3A_1127 = arith.addi %select_n3A_1122, %select_n3A_1126 : vector<16xi32>
      %ge3A_1128 = arith.constant 19200 : i32
      %ge3A_1129 = vector.broadcast %ge3A_1128 : i32 to vector<16xi32>
      %ge3A_1130 = arith.cmpi sge, %sub3A_1118, %ge3A_1129 : vector<16xi32>
      %select_n3A_1131 = arith.select %ge3A_1130, %broadcast_in_dim3A_51, %broadcast_in_dim3A_53 : vector<16xi1>, vector<16xi32>
      %add3A_1132 = arith.addi %add3A_1127, %select_n3A_1131 : vector<16xi32>
      %mul3A_1133 = arith.constant 25600 : i32
      %mul3A_1134 = vector.broadcast %mul3A_1133 : i32 to vector<16xi32>
      %mul3A_1135 = arith.muli %add3A_1114, %mul3A_1134 : vector<16xi32>
      %mul3A_1136 = arith.constant 6400 : i32
      %mul3A_1137 = vector.broadcast %mul3A_1136 : i32 to vector<16xi32>
      %mul3A_1138 = arith.muli %add3A_1132, %mul3A_1137 : vector<16xi32>
      %sub3A_1139 = arith.subi %sub3A_1118, %mul3A_1138 : vector<16xi32>
      %mul3A_1140 = arith.constant 4 : i32
      %mul3A_1141 = vector.broadcast %mul3A_1140 : i32 to vector<16xi32>
      %mul3A_1142 = arith.muli %sub3A_1139, %mul3A_1141 : vector<16xi32>
      %add3A_1143 = arith.addi %mul3A_1135, %mul3A_1142 : vector<16xi32>
      %add3A_1144 = arith.addi %add3A_1143, %add3A_1132 : vector<16xi32>
      %swap3A_1145 = arith.constant 320 : index
      %swap3A_1146 = tpu.vector_load %arg5[%swap3A_1145] {strides = array<i32>} : memref<512xi32, #tpu.memory_space<vmem>>, vector<16xi32>,
      %swap3A_1147 = vector.shape_cast %swap3A_1146 : vector<16xi32> to vector<16xi32>
      %swap3A_1148 = vector.shape_cast %add3A_1144 : vector<16xi32> to vector<16xi32>
      tpu.vector_store %arg5[%swap3A_1145], %swap3A_1148 {strides = array<i32>} : memref<512xi32, #tpu.memory_space<vmem>>, vector<16xi32>,
      %get3A_1149 = arith.constant 336 : index
      %get3A_1150 = tpu.vector_load %arg5[%get3A_1149] {strides = array<i32>} : memref<512xi32, #tpu.memory_space<vmem>>, vector<16xi32>,
      %get3A_1151 = vector.shape_cast %get3A_1150 : vector<16xi32> to vector<16xi32>
      %ge3A_1152 = arith.constant 25600 : i32
      %ge3A_1153 = vector.broadcast %ge3A_1152 : i32 to vector<16xi32>
      %ge3A_1154 = arith.cmpi sge, %get3A_1151, %ge3A_1153 : vector<16xi32>
      %select_n3A_1155 = arith.select %ge3A_1154, %broadcast_in_dim3A_51, %broadcast_in_dim3A_53 : vector<16xi1>, vector<16xi32>
      %add3A_1156 = arith.addi %broadcast_in_dim3A_53, %select_n3A_1155 : vector<16xi32>
      %ge3A_1157 = arith.constant 51200 : i32
      %ge3A_1158 = vector.broadcast %ge3A_1157 : i32 to vector<16xi32>
      %ge3A_1159 = arith.cmpi sge, %get3A_1151, %ge3A_1158 : vector<16xi32>
      %select_n3A_1160 = arith.select %ge3A_1159, %broadcast_in_dim3A_51, %broadcast_in_dim3A_53 : vector<16xi1>, vector<16xi32>
      %add3A_1161 = arith.addi %add3A_1156, %select_n3A_1160 : vector<16xi32>
      %ge3A_1162 = arith.constant 76800 : i32
      %ge3A_1163 = vector.broadcast %ge3A_1162 : i32 to vector<16xi32>
      %ge3A_1164 = arith.cmpi sge, %get3A_1151, %ge3A_1163 : vector<16xi32>
      %select_n3A_1165 = arith.select %ge3A_1164, %broadcast_in_dim3A_51, %broadcast_in_dim3A_53 : vector<16xi1>, vector<16xi32>
      %add3A_1166 = arith.addi %add3A_1161, %select_n3A_1165 : vector<16xi32>
      %mul3A_1167 = arith.constant 25600 : i32
      %mul3A_1168 = vector.broadcast %mul3A_1167 : i32 to vector<16xi32>
      %mul3A_1169 = arith.muli %add3A_1166, %mul3A_1168 : vector<16xi32>
      %sub3A_1170 = arith.subi %get3A_1151, %mul3A_1169 : vector<16xi32>
      %ge3A_1171 = arith.constant 6400 : i32
      %ge3A_1172 = vector.broadcast %ge3A_1171 : i32 to vector<16xi32>
      %ge3A_1173 = arith.cmpi sge, %sub3A_1170, %ge3A_1172 : vector<16xi32>
      %select_n3A_1174 = arith.select %ge3A_1173, %broadcast_in_dim3A_51, %broadcast_in_dim3A_53 : vector<16xi1>, vector<16xi32>
      %ge3A_1175 = arith.constant 12800 : i32
      %ge3A_1176 = vector.broadcast %ge3A_1175 : i32 to vector<16xi32>
      %ge3A_1177 = arith.cmpi sge, %sub3A_1170, %ge3A_1176 : vector<16xi32>
      %select_n3A_1178 = arith.select %ge3A_1177, %broadcast_in_dim3A_51, %broadcast_in_dim3A_53 : vector<16xi1>, vector<16xi32>
      %add3A_1179 = arith.addi %select_n3A_1174, %select_n3A_1178 : vector<16xi32>
      %ge3A_1180 = arith.constant 19200 : i32
      %ge3A_1181 = vector.broadcast %ge3A_1180 : i32 to vector<16xi32>
      %ge3A_1182 = arith.cmpi sge, %sub3A_1170, %ge3A_1181 : vector<16xi32>
      %select_n3A_1183 = arith.select %ge3A_1182, %broadcast_in_dim3A_51, %broadcast_in_dim3A_53 : vector<16xi1>, vector<16xi32>
      %add3A_1184 = arith.addi %add3A_1179, %select_n3A_1183 : vector<16xi32>
      %mul3A_1185 = arith.constant 25600 : i32
      %mul3A_1186 = vector.broadcast %mul3A_1185 : i32 to vector<16xi32>
      %mul3A_1187 = arith.muli %add3A_1166, %mul3A_1186 : vector<16xi32>
      %mul3A_1188 = arith.constant 6400 : i32
      %mul3A_1189 = vector.broadcast %mul3A_1188 : i32 to vector<16xi32>
      %mul3A_1190 = arith.muli %add3A_1184, %mul3A_1189 : vector<16xi32>
      %sub3A_1191 = arith.subi %sub3A_1170, %mul3A_1190 : vector<16xi32>
      %mul3A_1192 = arith.constant 4 : i32
      %mul3A_1193 = vector.broadcast %mul3A_1192 : i32 to vector<16xi32>
      %mul3A_1194 = arith.muli %sub3A_1191, %mul3A_1193 : vector<16xi32>
      %add3A_1195 = arith.addi %mul3A_1187, %mul3A_1194 : vector<16xi32>
      %add3A_1196 = arith.addi %add3A_1195, %add3A_1184 : vector<16xi32>
      %swap3A_1197 = arith.constant 336 : index
      %swap3A_1198 = tpu.vector_load %arg5[%swap3A_1197] {strides = array<i32>} : memref<512xi32, #tpu.memory_space<vmem>>, vector<16xi32>,
      %swap3A_1199 = vector.shape_cast %swap3A_1198 : vector<16xi32> to vector<16xi32>
      %swap3A_1200 = vector.shape_cast %add3A_1196 : vector<16xi32> to vector<16xi32>
      tpu.vector_store %arg5[%swap3A_1197], %swap3A_1200 {strides = array<i32>} : memref<512xi32, #tpu.memory_space<vmem>>, vector<16xi32>,
      %get3A_1201 = arith.constant 352 : index
      %get3A_1202 = tpu.vector_load %arg5[%get3A_1201] {strides = array<i32>} : memref<512xi32, #tpu.memory_space<vmem>>, vector<16xi32>,
      %get3A_1203 = vector.shape_cast %get3A_1202 : vector<16xi32> to vector<16xi32>
      %ge3A_1204 = arith.constant 25600 : i32
      %ge3A_1205 = vector.broadcast %ge3A_1204 : i32 to vector<16xi32>
      %ge3A_1206 = arith.cmpi sge, %get3A_1203, %ge3A_1205 : vector<16xi32>
      %select_n3A_1207 = arith.select %ge3A_1206, %broadcast_in_dim3A_51, %broadcast_in_dim3A_53 : vector<16xi1>, vector<16xi32>
      %add3A_1208 = arith.addi %broadcast_in_dim3A_53, %select_n3A_1207 : vector<16xi32>
      %ge3A_1209 = arith.constant 51200 : i32
      %ge3A_1210 = vector.broadcast %ge3A_1209 : i32 to vector<16xi32>
      %ge3A_1211 = arith.cmpi sge, %get3A_1203, %ge3A_1210 : vector<16xi32>
      %select_n3A_1212 = arith.select %ge3A_1211, %broadcast_in_dim3A_51, %broadcast_in_dim3A_53 : vector<16xi1>, vector<16xi32>
      %add3A_1213 = arith.addi %add3A_1208, %select_n3A_1212 : vector<16xi32>
      %ge3A_1214 = arith.constant 76800 : i32
      %ge3A_1215 = vector.broadcast %ge3A_1214 : i32 to vector<16xi32>
      %ge3A_1216 = arith.cmpi sge, %get3A_1203, %ge3A_1215 : vector<16xi32>
      %select_n3A_1217 = arith.select %ge3A_1216, %broadcast_in_dim3A_51, %broadcast_in_dim3A_53 : vector<16xi1>, vector<16xi32>
      %add3A_1218 = arith.addi %add3A_1213, %select_n3A_1217 : vector<16xi32>
      %mul3A_1219 = arith.constant 25600 : i32
      %mul3A_1220 = vector.broadcast %mul3A_1219 : i32 to vector<16xi32>
      %mul3A_1221 = arith.muli %add3A_1218, %mul3A_1220 : vector<16xi32>
      %sub3A_1222 = arith.subi %get3A_1203, %mul3A_1221 : vector<16xi32>
      %ge3A_1223 = arith.constant 6400 : i32
      %ge3A_1224 = vector.broadcast %ge3A_1223 : i32 to vector<16xi32>
      %ge3A_1225 = arith.cmpi sge, %sub3A_1222, %ge3A_1224 : vector<16xi32>
      %select_n3A_1226 = arith.select %ge3A_1225, %broadcast_in_dim3A_51, %broadcast_in_dim3A_53 : vector<16xi1>, vector<16xi32>
      %ge3A_1227 = arith.constant 12800 : i32
      %ge3A_1228 = vector.broadcast %ge3A_1227 : i32 to vector<16xi32>
      %ge3A_1229 = arith.cmpi sge, %sub3A_1222, %ge3A_1228 : vector<16xi32>
      %select_n3A_1230 = arith.select %ge3A_1229, %broadcast_in_dim3A_51, %broadcast_in_dim3A_53 : vector<16xi1>, vector<16xi32>
      %add3A_1231 = arith.addi %select_n3A_1226, %select_n3A_1230 : vector<16xi32>
      %ge3A_1232 = arith.constant 19200 : i32
      %ge3A_1233 = vector.broadcast %ge3A_1232 : i32 to vector<16xi32>
      %ge3A_1234 = arith.cmpi sge, %sub3A_1222, %ge3A_1233 : vector<16xi32>
      %select_n3A_1235 = arith.select %ge3A_1234, %broadcast_in_dim3A_51, %broadcast_in_dim3A_53 : vector<16xi1>, vector<16xi32>
      %add3A_1236 = arith.addi %add3A_1231, %select_n3A_1235 : vector<16xi32>
      %mul3A_1237 = arith.constant 25600 : i32
      %mul3A_1238 = vector.broadcast %mul3A_1237 : i32 to vector<16xi32>
      %mul3A_1239 = arith.muli %add3A_1218, %mul3A_1238 : vector<16xi32>
      %mul3A_1240 = arith.constant 6400 : i32
      %mul3A_1241 = vector.broadcast %mul3A_1240 : i32 to vector<16xi32>
      %mul3A_1242 = arith.muli %add3A_1236, %mul3A_1241 : vector<16xi32>
      %sub3A_1243 = arith.subi %sub3A_1222, %mul3A_1242 : vector<16xi32>
      %mul3A_1244 = arith.constant 4 : i32
      %mul3A_1245 = vector.broadcast %mul3A_1244 : i32 to vector<16xi32>
      %mul3A_1246 = arith.muli %sub3A_1243, %mul3A_1245 : vector<16xi32>
      %add3A_1247 = arith.addi %mul3A_1239, %mul3A_1246 : vector<16xi32>
      %add3A_1248 = arith.addi %add3A_1247, %add3A_1236 : vector<16xi32>
      %swap3A_1249 = arith.constant 352 : index
      %swap3A_1250 = tpu.vector_load %arg5[%swap3A_1249] {strides = array<i32>} : memref<512xi32, #tpu.memory_space<vmem>>, vector<16xi32>,
      %swap3A_1251 = vector.shape_cast %swap3A_1250 : vector<16xi32> to vector<16xi32>
      %swap3A_1252 = vector.shape_cast %add3A_1248 : vector<16xi32> to vector<16xi32>
      tpu.vector_store %arg5[%swap3A_1249], %swap3A_1252 {strides = array<i32>} : memref<512xi32, #tpu.memory_space<vmem>>, vector<16xi32>,
      %get3A_1253 = arith.constant 368 : index
      %get3A_1254 = tpu.vector_load %arg5[%get3A_1253] {strides = array<i32>} : memref<512xi32, #tpu.memory_space<vmem>>, vector<16xi32>,
      %get3A_1255 = vector.shape_cast %get3A_1254 : vector<16xi32> to vector<16xi32>
      %ge3A_1256 = arith.constant 25600 : i32
      %ge3A_1257 = vector.broadcast %ge3A_1256 : i32 to vector<16xi32>
      %ge3A_1258 = arith.cmpi sge, %get3A_1255, %ge3A_1257 : vector<16xi32>
      %select_n3A_1259 = arith.select %ge3A_1258, %broadcast_in_dim3A_51, %broadcast_in_dim3A_53 : vector<16xi1>, vector<16xi32>
      %add3A_1260 = arith.addi %broadcast_in_dim3A_53, %select_n3A_1259 : vector<16xi32>
      %ge3A_1261 = arith.constant 51200 : i32
      %ge3A_1262 = vector.broadcast %ge3A_1261 : i32 to vector<16xi32>
      %ge3A_1263 = arith.cmpi sge, %get3A_1255, %ge3A_1262 : vector<16xi32>
      %select_n3A_1264 = arith.select %ge3A_1263, %broadcast_in_dim3A_51, %broadcast_in_dim3A_53 : vector<16xi1>, vector<16xi32>
      %add3A_1265 = arith.addi %add3A_1260, %select_n3A_1264 : vector<16xi32>
      %ge3A_1266 = arith.constant 76800 : i32
      %ge3A_1267 = vector.broadcast %ge3A_1266 : i32 to vector<16xi32>
      %ge3A_1268 = arith.cmpi sge, %get3A_1255, %ge3A_1267 : vector<16xi32>
      %select_n3A_1269 = arith.select %ge3A_1268, %broadcast_in_dim3A_51, %broadcast_in_dim3A_53 : vector<16xi1>, vector<16xi32>
      %add3A_1270 = arith.addi %add3A_1265, %select_n3A_1269 : vector<16xi32>
      %mul3A_1271 = arith.constant 25600 : i32
      %mul3A_1272 = vector.broadcast %mul3A_1271 : i32 to vector<16xi32>
      %mul3A_1273 = arith.muli %add3A_1270, %mul3A_1272 : vector<16xi32>
      %sub3A_1274 = arith.subi %get3A_1255, %mul3A_1273 : vector<16xi32>
      %ge3A_1275 = arith.constant 6400 : i32
      %ge3A_1276 = vector.broadcast %ge3A_1275 : i32 to vector<16xi32>
      %ge3A_1277 = arith.cmpi sge, %sub3A_1274, %ge3A_1276 : vector<16xi32>
      %select_n3A_1278 = arith.select %ge3A_1277, %broadcast_in_dim3A_51, %broadcast_in_dim3A_53 : vector<16xi1>, vector<16xi32>
      %ge3A_1279 = arith.constant 12800 : i32
      %ge3A_1280 = vector.broadcast %ge3A_1279 : i32 to vector<16xi32>
      %ge3A_1281 = arith.cmpi sge, %sub3A_1274, %ge3A_1280 : vector<16xi32>
      %select_n3A_1282 = arith.select %ge3A_1281, %broadcast_in_dim3A_51, %broadcast_in_dim3A_53 : vector<16xi1>, vector<16xi32>
      %add3A_1283 = arith.addi %select_n3A_1278, %select_n3A_1282 : vector<16xi32>
      %ge3A_1284 = arith.constant 19200 : i32
      %ge3A_1285 = vector.broadcast %ge3A_1284 : i32 to vector<16xi32>
      %ge3A_1286 = arith.cmpi sge, %sub3A_1274, %ge3A_1285 : vector<16xi32>
      %select_n3A_1287 = arith.select %ge3A_1286, %broadcast_in_dim3A_51, %broadcast_in_dim3A_53 : vector<16xi1>, vector<16xi32>
      %add3A_1288 = arith.addi %add3A_1283, %select_n3A_1287 : vector<16xi32>
      %mul3A_1289 = arith.constant 25600 : i32
      %mul3A_1290 = vector.broadcast %mul3A_1289 : i32 to vector<16xi32>
      %mul3A_1291 = arith.muli %add3A_1270, %mul3A_1290 : vector<16xi32>
      %mul3A_1292 = arith.constant 6400 : i32
      %mul3A_1293 = vector.broadcast %mul3A_1292 : i32 to vector<16xi32>
      %mul3A_1294 = arith.muli %add3A_1288, %mul3A_1293 : vector<16xi32>
      %sub3A_1295 = arith.subi %sub3A_1274, %mul3A_1294 : vector<16xi32>
      %mul3A_1296 = arith.constant 4 : i32
      %mul3A_1297 = vector.broadcast %mul3A_1296 : i32 to vector<16xi32>
      %mul3A_1298 = arith.muli %sub3A_1295, %mul3A_1297 : vector<16xi32>
      %add3A_1299 = arith.addi %mul3A_1291, %mul3A_1298 : vector<16xi32>
      %add3A_1300 = arith.addi %add3A_1299, %add3A_1288 : vector<16xi32>
      %swap3A_1301 = arith.constant 368 : index
      %swap3A_1302 = tpu.vector_load %arg5[%swap3A_1301] {strides = array<i32>} : memref<512xi32, #tpu.memory_space<vmem>>, vector<16xi32>,
      %swap3A_1303 = vector.shape_cast %swap3A_1302 : vector<16xi32> to vector<16xi32>
      %swap3A_1304 = vector.shape_cast %add3A_1300 : vector<16xi32> to vector<16xi32>
      tpu.vector_store %arg5[%swap3A_1301], %swap3A_1304 {strides = array<i32>} : memref<512xi32, #tpu.memory_space<vmem>>, vector<16xi32>,
      %get3A_1305 = arith.constant 384 : index
      %get3A_1306 = tpu.vector_load %arg5[%get3A_1305] {strides = array<i32>} : memref<512xi32, #tpu.memory_space<vmem>>, vector<16xi32>,
      %get3A_1307 = vector.shape_cast %get3A_1306 : vector<16xi32> to vector<16xi32>
      %ge3A_1308 = arith.constant 25600 : i32
      %ge3A_1309 = vector.broadcast %ge3A_1308 : i32 to vector<16xi32>
      %ge3A_1310 = arith.cmpi sge, %get3A_1307, %ge3A_1309 : vector<16xi32>
      %select_n3A_1311 = arith.select %ge3A_1310, %broadcast_in_dim3A_51, %broadcast_in_dim3A_53 : vector<16xi1>, vector<16xi32>
      %add3A_1312 = arith.addi %broadcast_in_dim3A_53, %select_n3A_1311 : vector<16xi32>
      %ge3A_1313 = arith.constant 51200 : i32
      %ge3A_1314 = vector.broadcast %ge3A_1313 : i32 to vector<16xi32>
      %ge3A_1315 = arith.cmpi sge, %get3A_1307, %ge3A_1314 : vector<16xi32>
      %select_n3A_1316 = arith.select %ge3A_1315, %broadcast_in_dim3A_51, %broadcast_in_dim3A_53 : vector<16xi1>, vector<16xi32>
      %add3A_1317 = arith.addi %add3A_1312, %select_n3A_1316 : vector<16xi32>
      %ge3A_1318 = arith.constant 76800 : i32
      %ge3A_1319 = vector.broadcast %ge3A_1318 : i32 to vector<16xi32>
      %ge3A_1320 = arith.cmpi sge, %get3A_1307, %ge3A_1319 : vector<16xi32>
      %select_n3A_1321 = arith.select %ge3A_1320, %broadcast_in_dim3A_51, %broadcast_in_dim3A_53 : vector<16xi1>, vector<16xi32>
      %add3A_1322 = arith.addi %add3A_1317, %select_n3A_1321 : vector<16xi32>
      %mul3A_1323 = arith.constant 25600 : i32
      %mul3A_1324 = vector.broadcast %mul3A_1323 : i32 to vector<16xi32>
      %mul3A_1325 = arith.muli %add3A_1322, %mul3A_1324 : vector<16xi32>
      %sub3A_1326 = arith.subi %get3A_1307, %mul3A_1325 : vector<16xi32>
      %ge3A_1327 = arith.constant 6400 : i32
      %ge3A_1328 = vector.broadcast %ge3A_1327 : i32 to vector<16xi32>
      %ge3A_1329 = arith.cmpi sge, %sub3A_1326, %ge3A_1328 : vector<16xi32>
      %select_n3A_1330 = arith.select %ge3A_1329, %broadcast_in_dim3A_51, %broadcast_in_dim3A_53 : vector<16xi1>, vector<16xi32>
      %ge3A_1331 = arith.constant 12800 : i32
      %ge3A_1332 = vector.broadcast %ge3A_1331 : i32 to vector<16xi32>
      %ge3A_1333 = arith.cmpi sge, %sub3A_1326, %ge3A_1332 : vector<16xi32>
      %select_n3A_1334 = arith.select %ge3A_1333, %broadcast_in_dim3A_51, %broadcast_in_dim3A_53 : vector<16xi1>, vector<16xi32>
      %add3A_1335 = arith.addi %select_n3A_1330, %select_n3A_1334 : vector<16xi32>
      %ge3A_1336 = arith.constant 19200 : i32
      %ge3A_1337 = vector.broadcast %ge3A_1336 : i32 to vector<16xi32>
      %ge3A_1338 = arith.cmpi sge, %sub3A_1326, %ge3A_1337 : vector<16xi32>
      %select_n3A_1339 = arith.select %ge3A_1338, %broadcast_in_dim3A_51, %broadcast_in_dim3A_53 : vector<16xi1>, vector<16xi32>
      %add3A_1340 = arith.addi %add3A_1335, %select_n3A_1339 : vector<16xi32>
      %mul3A_1341 = arith.constant 25600 : i32
      %mul3A_1342 = vector.broadcast %mul3A_1341 : i32 to vector<16xi32>
      %mul3A_1343 = arith.muli %add3A_1322, %mul3A_1342 : vector<16xi32>
      %mul3A_1344 = arith.constant 6400 : i32
      %mul3A_1345 = vector.broadcast %mul3A_1344 : i32 to vector<16xi32>
      %mul3A_1346 = arith.muli %add3A_1340, %mul3A_1345 : vector<16xi32>
      %sub3A_1347 = arith.subi %sub3A_1326, %mul3A_1346 : vector<16xi32>
      %mul3A_1348 = arith.constant 4 : i32
      %mul3A_1349 = vector.broadcast %mul3A_1348 : i32 to vector<16xi32>
      %mul3A_1350 = arith.muli %sub3A_1347, %mul3A_1349 : vector<16xi32>
      %add3A_1351 = arith.addi %mul3A_1343, %mul3A_1350 : vector<16xi32>
      %add3A_1352 = arith.addi %add3A_1351, %add3A_1340 : vector<16xi32>
      %swap3A_1353 = arith.constant 384 : index
      %swap3A_1354 = tpu.vector_load %arg5[%swap3A_1353] {strides = array<i32>} : memref<512xi32, #tpu.memory_space<vmem>>, vector<16xi32>,
      %swap3A_1355 = vector.shape_cast %swap3A_1354 : vector<16xi32> to vector<16xi32>
      %swap3A_1356 = vector.shape_cast %add3A_1352 : vector<16xi32> to vector<16xi32>
      tpu.vector_store %arg5[%swap3A_1353], %swap3A_1356 {strides = array<i32>} : memref<512xi32, #tpu.memory_space<vmem>>, vector<16xi32>,
      %get3A_1357 = arith.constant 400 : index
      %get3A_1358 = tpu.vector_load %arg5[%get3A_1357] {strides = array<i32>} : memref<512xi32, #tpu.memory_space<vmem>>, vector<16xi32>,
      %get3A_1359 = vector.shape_cast %get3A_1358 : vector<16xi32> to vector<16xi32>
      %ge3A_1360 = arith.constant 25600 : i32
      %ge3A_1361 = vector.broadcast %ge3A_1360 : i32 to vector<16xi32>
      %ge3A_1362 = arith.cmpi sge, %get3A_1359, %ge3A_1361 : vector<16xi32>
      %select_n3A_1363 = arith.select %ge3A_1362, %broadcast_in_dim3A_51, %broadcast_in_dim3A_53 : vector<16xi1>, vector<16xi32>
      %add3A_1364 = arith.addi %broadcast_in_dim3A_53, %select_n3A_1363 : vector<16xi32>
      %ge3A_1365 = arith.constant 51200 : i32
      %ge3A_1366 = vector.broadcast %ge3A_1365 : i32 to vector<16xi32>
      %ge3A_1367 = arith.cmpi sge, %get3A_1359, %ge3A_1366 : vector<16xi32>
      %select_n3A_1368 = arith.select %ge3A_1367, %broadcast_in_dim3A_51, %broadcast_in_dim3A_53 : vector<16xi1>, vector<16xi32>
      %add3A_1369 = arith.addi %add3A_1364, %select_n3A_1368 : vector<16xi32>
      %ge3A_1370 = arith.constant 76800 : i32
      %ge3A_1371 = vector.broadcast %ge3A_1370 : i32 to vector<16xi32>
      %ge3A_1372 = arith.cmpi sge, %get3A_1359, %ge3A_1371 : vector<16xi32>
      %select_n3A_1373 = arith.select %ge3A_1372, %broadcast_in_dim3A_51, %broadcast_in_dim3A_53 : vector<16xi1>, vector<16xi32>
      %add3A_1374 = arith.addi %add3A_1369, %select_n3A_1373 : vector<16xi32>
      %mul3A_1375 = arith.constant 25600 : i32
      %mul3A_1376 = vector.broadcast %mul3A_1375 : i32 to vector<16xi32>
      %mul3A_1377 = arith.muli %add3A_1374, %mul3A_1376 : vector<16xi32>
      %sub3A_1378 = arith.subi %get3A_1359, %mul3A_1377 : vector<16xi32>
      %ge3A_1379 = arith.constant 6400 : i32
      %ge3A_1380 = vector.broadcast %ge3A_1379 : i32 to vector<16xi32>
      %ge3A_1381 = arith.cmpi sge, %sub3A_1378, %ge3A_1380 : vector<16xi32>
      %select_n3A_1382 = arith.select %ge3A_1381, %broadcast_in_dim3A_51, %broadcast_in_dim3A_53 : vector<16xi1>, vector<16xi32>
      %ge3A_1383 = arith.constant 12800 : i32
      %ge3A_1384 = vector.broadcast %ge3A_1383 : i32 to vector<16xi32>
      %ge3A_1385 = arith.cmpi sge, %sub3A_1378, %ge3A_1384 : vector<16xi32>
      %select_n3A_1386 = arith.select %ge3A_1385, %broadcast_in_dim3A_51, %broadcast_in_dim3A_53 : vector<16xi1>, vector<16xi32>
      %add3A_1387 = arith.addi %select_n3A_1382, %select_n3A_1386 : vector<16xi32>
      %ge3A_1388 = arith.constant 19200 : i32
      %ge3A_1389 = vector.broadcast %ge3A_1388 : i32 to vector<16xi32>
      %ge3A_1390 = arith.cmpi sge, %sub3A_1378, %ge3A_1389 : vector<16xi32>
      %select_n3A_1391 = arith.select %ge3A_1390, %broadcast_in_dim3A_51, %broadcast_in_dim3A_53 : vector<16xi1>, vector<16xi32>
      %add3A_1392 = arith.addi %add3A_1387, %select_n3A_1391 : vector<16xi32>
      %mul3A_1393 = arith.constant 25600 : i32
      %mul3A_1394 = vector.broadcast %mul3A_1393 : i32 to vector<16xi32>
      %mul3A_1395 = arith.muli %add3A_1374, %mul3A_1394 : vector<16xi32>
      %mul3A_1396 = arith.constant 6400 : i32
      %mul3A_1397 = vector.broadcast %mul3A_1396 : i32 to vector<16xi32>
      %mul3A_1398 = arith.muli %add3A_1392, %mul3A_1397 : vector<16xi32>
      %sub3A_1399 = arith.subi %sub3A_1378, %mul3A_1398 : vector<16xi32>
      %mul3A_1400 = arith.constant 4 : i32
      %mul3A_1401 = vector.broadcast %mul3A_1400 : i32 to vector<16xi32>
      %mul3A_1402 = arith.muli %sub3A_1399, %mul3A_1401 : vector<16xi32>
      %add3A_1403 = arith.addi %mul3A_1395, %mul3A_1402 : vector<16xi32>
      %add3A_1404 = arith.addi %add3A_1403, %add3A_1392 : vector<16xi32>
      %swap3A_1405 = arith.constant 400 : index
      %swap3A_1406 = tpu.vector_load %arg5[%swap3A_1405] {strides = array<i32>} : memref<512xi32, #tpu.memory_space<vmem>>, vector<16xi32>,
      %swap3A_1407 = vector.shape_cast %swap3A_1406 : vector<16xi32> to vector<16xi32>
      %swap3A_1408 = vector.shape_cast %add3A_1404 : vector<16xi32> to vector<16xi32>
      tpu.vector_store %arg5[%swap3A_1405], %swap3A_1408 {strides = array<i32>} : memref<512xi32, #tpu.memory_space<vmem>>, vector<16xi32>,
      %get3A_1409 = arith.constant 416 : index
      %get3A_1410 = tpu.vector_load %arg5[%get3A_1409] {strides = array<i32>} : memref<512xi32, #tpu.memory_space<vmem>>, vector<16xi32>,
      %get3A_1411 = vector.shape_cast %get3A_1410 : vector<16xi32> to vector<16xi32>
      %ge3A_1412 = arith.constant 25600 : i32
      %ge3A_1413 = vector.broadcast %ge3A_1412 : i32 to vector<16xi32>
      %ge3A_1414 = arith.cmpi sge, %get3A_1411, %ge3A_1413 : vector<16xi32>
      %select_n3A_1415 = arith.select %ge3A_1414, %broadcast_in_dim3A_51, %broadcast_in_dim3A_53 : vector<16xi1>, vector<16xi32>
      %add3A_1416 = arith.addi %broadcast_in_dim3A_53, %select_n3A_1415 : vector<16xi32>
      %ge3A_1417 = arith.constant 51200 : i32
      %ge3A_1418 = vector.broadcast %ge3A_1417 : i32 to vector<16xi32>
      %ge3A_1419 = arith.cmpi sge, %get3A_1411, %ge3A_1418 : vector<16xi32>
      %select_n3A_1420 = arith.select %ge3A_1419, %broadcast_in_dim3A_51, %broadcast_in_dim3A_53 : vector<16xi1>, vector<16xi32>
      %add3A_1421 = arith.addi %add3A_1416, %select_n3A_1420 : vector<16xi32>
      %ge3A_1422 = arith.constant 76800 : i32
      %ge3A_1423 = vector.broadcast %ge3A_1422 : i32 to vector<16xi32>
      %ge3A_1424 = arith.cmpi sge, %get3A_1411, %ge3A_1423 : vector<16xi32>
      %select_n3A_1425 = arith.select %ge3A_1424, %broadcast_in_dim3A_51, %broadcast_in_dim3A_53 : vector<16xi1>, vector<16xi32>
      %add3A_1426 = arith.addi %add3A_1421, %select_n3A_1425 : vector<16xi32>
      %mul3A_1427 = arith.constant 25600 : i32
      %mul3A_1428 = vector.broadcast %mul3A_1427 : i32 to vector<16xi32>
      %mul3A_1429 = arith.muli %add3A_1426, %mul3A_1428 : vector<16xi32>
      %sub3A_1430 = arith.subi %get3A_1411, %mul3A_1429 : vector<16xi32>
      %ge3A_1431 = arith.constant 6400 : i32
      %ge3A_1432 = vector.broadcast %ge3A_1431 : i32 to vector<16xi32>
      %ge3A_1433 = arith.cmpi sge, %sub3A_1430, %ge3A_1432 : vector<16xi32>
      %select_n3A_1434 = arith.select %ge3A_1433, %broadcast_in_dim3A_51, %broadcast_in_dim3A_53 : vector<16xi1>, vector<16xi32>
      %ge3A_1435 = arith.constant 12800 : i32
      %ge3A_1436 = vector.broadcast %ge3A_1435 : i32 to vector<16xi32>
      %ge3A_1437 = arith.cmpi sge, %sub3A_1430, %ge3A_1436 : vector<16xi32>
      %select_n3A_1438 = arith.select %ge3A_1437, %broadcast_in_dim3A_51, %broadcast_in_dim3A_53 : vector<16xi1>, vector<16xi32>
      %add3A_1439 = arith.addi %select_n3A_1434, %select_n3A_1438 : vector<16xi32>
      %ge3A_1440 = arith.constant 19200 : i32
      %ge3A_1441 = vector.broadcast %ge3A_1440 : i32 to vector<16xi32>
      %ge3A_1442 = arith.cmpi sge, %sub3A_1430, %ge3A_1441 : vector<16xi32>
      %select_n3A_1443 = arith.select %ge3A_1442, %broadcast_in_dim3A_51, %broadcast_in_dim3A_53 : vector<16xi1>, vector<16xi32>
      %add3A_1444 = arith.addi %add3A_1439, %select_n3A_1443 : vector<16xi32>
      %mul3A_1445 = arith.constant 25600 : i32
      %mul3A_1446 = vector.broadcast %mul3A_1445 : i32 to vector<16xi32>
      %mul3A_1447 = arith.muli %add3A_1426, %mul3A_1446 : vector<16xi32>
      %mul3A_1448 = arith.constant 6400 : i32
      %mul3A_1449 = vector.broadcast %mul3A_1448 : i32 to vector<16xi32>
      %mul3A_1450 = arith.muli %add3A_1444, %mul3A_1449 : vector<16xi32>
      %sub3A_1451 = arith.subi %sub3A_1430, %mul3A_1450 : vector<16xi32>
      %mul3A_1452 = arith.constant 4 : i32
      %mul3A_1453 = vector.broadcast %mul3A_1452 : i32 to vector<16xi32>
      %mul3A_1454 = arith.muli %sub3A_1451, %mul3A_1453 : vector<16xi32>
      %add3A_1455 = arith.addi %mul3A_1447, %mul3A_1454 : vector<16xi32>
      %add3A_1456 = arith.addi %add3A_1455, %add3A_1444 : vector<16xi32>
      %swap3A_1457 = arith.constant 416 : index
      %swap3A_1458 = tpu.vector_load %arg5[%swap3A_1457] {strides = array<i32>} : memref<512xi32, #tpu.memory_space<vmem>>, vector<16xi32>,
      %swap3A_1459 = vector.shape_cast %swap3A_1458 : vector<16xi32> to vector<16xi32>
      %swap3A_1460 = vector.shape_cast %add3A_1456 : vector<16xi32> to vector<16xi32>
      tpu.vector_store %arg5[%swap3A_1457], %swap3A_1460 {strides = array<i32>} : memref<512xi32, #tpu.memory_space<vmem>>, vector<16xi32>,
      %get3A_1461 = arith.constant 432 : index
      %get3A_1462 = tpu.vector_load %arg5[%get3A_1461] {strides = array<i32>} : memref<512xi32, #tpu.memory_space<vmem>>, vector<16xi32>,
      %get3A_1463 = vector.shape_cast %get3A_1462 : vector<16xi32> to vector<16xi32>
      %ge3A_1464 = arith.constant 25600 : i32
      %ge3A_1465 = vector.broadcast %ge3A_1464 : i32 to vector<16xi32>
      %ge3A_1466 = arith.cmpi sge, %get3A_1463, %ge3A_1465 : vector<16xi32>
      %select_n3A_1467 = arith.select %ge3A_1466, %broadcast_in_dim3A_51, %broadcast_in_dim3A_53 : vector<16xi1>, vector<16xi32>
      %add3A_1468 = arith.addi %broadcast_in_dim3A_53, %select_n3A_1467 : vector<16xi32>
      %ge3A_1469 = arith.constant 51200 : i32
      %ge3A_1470 = vector.broadcast %ge3A_1469 : i32 to vector<16xi32>
      %ge3A_1471 = arith.cmpi sge, %get3A_1463, %ge3A_1470 : vector<16xi32>
      %select_n3A_1472 = arith.select %ge3A_1471, %broadcast_in_dim3A_51, %broadcast_in_dim3A_53 : vector<16xi1>, vector<16xi32>
      %add3A_1473 = arith.addi %add3A_1468, %select_n3A_1472 : vector<16xi32>
      %ge3A_1474 = arith.constant 76800 : i32
      %ge3A_1475 = vector.broadcast %ge3A_1474 : i32 to vector<16xi32>
      %ge3A_1476 = arith.cmpi sge, %get3A_1463, %ge3A_1475 : vector<16xi32>
      %select_n3A_1477 = arith.select %ge3A_1476, %broadcast_in_dim3A_51, %broadcast_in_dim3A_53 : vector<16xi1>, vector<16xi32>
      %add3A_1478 = arith.addi %add3A_1473, %select_n3A_1477 : vector<16xi32>
      %mul3A_1479 = arith.constant 25600 : i32
      %mul3A_1480 = vector.broadcast %mul3A_1479 : i32 to vector<16xi32>
      %mul3A_1481 = arith.muli %add3A_1478, %mul3A_1480 : vector<16xi32>
      %sub3A_1482 = arith.subi %get3A_1463, %mul3A_1481 : vector<16xi32>
      %ge3A_1483 = arith.constant 6400 : i32
      %ge3A_1484 = vector.broadcast %ge3A_1483 : i32 to vector<16xi32>
      %ge3A_1485 = arith.cmpi sge, %sub3A_1482, %ge3A_1484 : vector<16xi32>
      %select_n3A_1486 = arith.select %ge3A_1485, %broadcast_in_dim3A_51, %broadcast_in_dim3A_53 : vector<16xi1>, vector<16xi32>
      %ge3A_1487 = arith.constant 12800 : i32
      %ge3A_1488 = vector.broadcast %ge3A_1487 : i32 to vector<16xi32>
      %ge3A_1489 = arith.cmpi sge, %sub3A_1482, %ge3A_1488 : vector<16xi32>
      %select_n3A_1490 = arith.select %ge3A_1489, %broadcast_in_dim3A_51, %broadcast_in_dim3A_53 : vector<16xi1>, vector<16xi32>
      %add3A_1491 = arith.addi %select_n3A_1486, %select_n3A_1490 : vector<16xi32>
      %ge3A_1492 = arith.constant 19200 : i32
      %ge3A_1493 = vector.broadcast %ge3A_1492 : i32 to vector<16xi32>
      %ge3A_1494 = arith.cmpi sge, %sub3A_1482, %ge3A_1493 : vector<16xi32>
      %select_n3A_1495 = arith.select %ge3A_1494, %broadcast_in_dim3A_51, %broadcast_in_dim3A_53 : vector<16xi1>, vector<16xi32>
      %add3A_1496 = arith.addi %add3A_1491, %select_n3A_1495 : vector<16xi32>
      %mul3A_1497 = arith.constant 25600 : i32
      %mul3A_1498 = vector.broadcast %mul3A_1497 : i32 to vector<16xi32>
      %mul3A_1499 = arith.muli %add3A_1478, %mul3A_1498 : vector<16xi32>
      %mul3A_1500 = arith.constant 6400 : i32
      %mul3A_1501 = vector.broadcast %mul3A_1500 : i32 to vector<16xi32>
      %mul3A_1502 = arith.muli %add3A_1496, %mul3A_1501 : vector<16xi32>
      %sub3A_1503 = arith.subi %sub3A_1482, %mul3A_1502 : vector<16xi32>
      %mul3A_1504 = arith.constant 4 : i32
      %mul3A_1505 = vector.broadcast %mul3A_1504 : i32 to vector<16xi32>
      %mul3A_1506 = arith.muli %sub3A_1503, %mul3A_1505 : vector<16xi32>
      %add3A_1507 = arith.addi %mul3A_1499, %mul3A_1506 : vector<16xi32>
      %add3A_1508 = arith.addi %add3A_1507, %add3A_1496 : vector<16xi32>
      %swap3A_1509 = arith.constant 432 : index
      %swap3A_1510 = tpu.vector_load %arg5[%swap3A_1509] {strides = array<i32>} : memref<512xi32, #tpu.memory_space<vmem>>, vector<16xi32>,
      %swap3A_1511 = vector.shape_cast %swap3A_1510 : vector<16xi32> to vector<16xi32>
      %swap3A_1512 = vector.shape_cast %add3A_1508 : vector<16xi32> to vector<16xi32>
      tpu.vector_store %arg5[%swap3A_1509], %swap3A_1512 {strides = array<i32>} : memref<512xi32, #tpu.memory_space<vmem>>, vector<16xi32>,
      %get3A_1513 = arith.constant 448 : index
      %get3A_1514 = tpu.vector_load %arg5[%get3A_1513] {strides = array<i32>} : memref<512xi32, #tpu.memory_space<vmem>>, vector<16xi32>,
      %get3A_1515 = vector.shape_cast %get3A_1514 : vector<16xi32> to vector<16xi32>
      %ge3A_1516 = arith.constant 25600 : i32
      %ge3A_1517 = vector.broadcast %ge3A_1516 : i32 to vector<16xi32>
      %ge3A_1518 = arith.cmpi sge, %get3A_1515, %ge3A_1517 : vector<16xi32>
      %select_n3A_1519 = arith.select %ge3A_1518, %broadcast_in_dim3A_51, %broadcast_in_dim3A_53 : vector<16xi1>, vector<16xi32>
      %add3A_1520 = arith.addi %broadcast_in_dim3A_53, %select_n3A_1519 : vector<16xi32>
      %ge3A_1521 = arith.constant 51200 : i32
      %ge3A_1522 = vector.broadcast %ge3A_1521 : i32 to vector<16xi32>
      %ge3A_1523 = arith.cmpi sge, %get3A_1515, %ge3A_1522 : vector<16xi32>
      %select_n3A_1524 = arith.select %ge3A_1523, %broadcast_in_dim3A_51, %broadcast_in_dim3A_53 : vector<16xi1>, vector<16xi32>
      %add3A_1525 = arith.addi %add3A_1520, %select_n3A_1524 : vector<16xi32>
      %ge3A_1526 = arith.constant 76800 : i32
      %ge3A_1527 = vector.broadcast %ge3A_1526 : i32 to vector<16xi32>
      %ge3A_1528 = arith.cmpi sge, %get3A_1515, %ge3A_1527 : vector<16xi32>
      %select_n3A_1529 = arith.select %ge3A_1528, %broadcast_in_dim3A_51, %broadcast_in_dim3A_53 : vector<16xi1>, vector<16xi32>
      %add3A_1530 = arith.addi %add3A_1525, %select_n3A_1529 : vector<16xi32>
      %mul3A_1531 = arith.constant 25600 : i32
      %mul3A_1532 = vector.broadcast %mul3A_1531 : i32 to vector<16xi32>
      %mul3A_1533 = arith.muli %add3A_1530, %mul3A_1532 : vector<16xi32>
      %sub3A_1534 = arith.subi %get3A_1515, %mul3A_1533 : vector<16xi32>
      %ge3A_1535 = arith.constant 6400 : i32
      %ge3A_1536 = vector.broadcast %ge3A_1535 : i32 to vector<16xi32>
      %ge3A_1537 = arith.cmpi sge, %sub3A_1534, %ge3A_1536 : vector<16xi32>
      %select_n3A_1538 = arith.select %ge3A_1537, %broadcast_in_dim3A_51, %broadcast_in_dim3A_53 : vector<16xi1>, vector<16xi32>
      %ge3A_1539 = arith.constant 12800 : i32
      %ge3A_1540 = vector.broadcast %ge3A_1539 : i32 to vector<16xi32>
      %ge3A_1541 = arith.cmpi sge, %sub3A_1534, %ge3A_1540 : vector<16xi32>
      %select_n3A_1542 = arith.select %ge3A_1541, %broadcast_in_dim3A_51, %broadcast_in_dim3A_53 : vector<16xi1>, vector<16xi32>
      %add3A_1543 = arith.addi %select_n3A_1538, %select_n3A_1542 : vector<16xi32>
      %ge3A_1544 = arith.constant 19200 : i32
      %ge3A_1545 = vector.broadcast %ge3A_1544 : i32 to vector<16xi32>
      %ge3A_1546 = arith.cmpi sge, %sub3A_1534, %ge3A_1545 : vector<16xi32>
      %select_n3A_1547 = arith.select %ge3A_1546, %broadcast_in_dim3A_51, %broadcast_in_dim3A_53 : vector<16xi1>, vector<16xi32>
      %add3A_1548 = arith.addi %add3A_1543, %select_n3A_1547 : vector<16xi32>
      %mul3A_1549 = arith.constant 25600 : i32
      %mul3A_1550 = vector.broadcast %mul3A_1549 : i32 to vector<16xi32>
      %mul3A_1551 = arith.muli %add3A_1530, %mul3A_1550 : vector<16xi32>
      %mul3A_1552 = arith.constant 6400 : i32
      %mul3A_1553 = vector.broadcast %mul3A_1552 : i32 to vector<16xi32>
      %mul3A_1554 = arith.muli %add3A_1548, %mul3A_1553 : vector<16xi32>
      %sub3A_1555 = arith.subi %sub3A_1534, %mul3A_1554 : vector<16xi32>
      %mul3A_1556 = arith.constant 4 : i32
      %mul3A_1557 = vector.broadcast %mul3A_1556 : i32 to vector<16xi32>
      %mul3A_1558 = arith.muli %sub3A_1555, %mul3A_1557 : vector<16xi32>
      %add3A_1559 = arith.addi %mul3A_1551, %mul3A_1558 : vector<16xi32>
      %add3A_1560 = arith.addi %add3A_1559, %add3A_1548 : vector<16xi32>
      %swap3A_1561 = arith.constant 448 : index
      %swap3A_1562 = tpu.vector_load %arg5[%swap3A_1561] {strides = array<i32>} : memref<512xi32, #tpu.memory_space<vmem>>, vector<16xi32>,
      %swap3A_1563 = vector.shape_cast %swap3A_1562 : vector<16xi32> to vector<16xi32>
      %swap3A_1564 = vector.shape_cast %add3A_1560 : vector<16xi32> to vector<16xi32>
      tpu.vector_store %arg5[%swap3A_1561], %swap3A_1564 {strides = array<i32>} : memref<512xi32, #tpu.memory_space<vmem>>, vector<16xi32>,
      %get3A_1565 = arith.constant 464 : index
      %get3A_1566 = tpu.vector_load %arg5[%get3A_1565] {strides = array<i32>} : memref<512xi32, #tpu.memory_space<vmem>>, vector<16xi32>,
      %get3A_1567 = vector.shape_cast %get3A_1566 : vector<16xi32> to vector<16xi32>
      %ge3A_1568 = arith.constant 25600 : i32
      %ge3A_1569 = vector.broadcast %ge3A_1568 : i32 to vector<16xi32>
      %ge3A_1570 = arith.cmpi sge, %get3A_1567, %ge3A_1569 : vector<16xi32>
      %select_n3A_1571 = arith.select %ge3A_1570, %broadcast_in_dim3A_51, %broadcast_in_dim3A_53 : vector<16xi1>, vector<16xi32>
      %add3A_1572 = arith.addi %broadcast_in_dim3A_53, %select_n3A_1571 : vector<16xi32>
      %ge3A_1573 = arith.constant 51200 : i32
      %ge3A_1574 = vector.broadcast %ge3A_1573 : i32 to vector<16xi32>
      %ge3A_1575 = arith.cmpi sge, %get3A_1567, %ge3A_1574 : vector<16xi32>
      %select_n3A_1576 = arith.select %ge3A_1575, %broadcast_in_dim3A_51, %broadcast_in_dim3A_53 : vector<16xi1>, vector<16xi32>
      %add3A_1577 = arith.addi %add3A_1572, %select_n3A_1576 : vector<16xi32>
      %ge3A_1578 = arith.constant 76800 : i32
      %ge3A_1579 = vector.broadcast %ge3A_1578 : i32 to vector<16xi32>
      %ge3A_1580 = arith.cmpi sge, %get3A_1567, %ge3A_1579 : vector<16xi32>
      %select_n3A_1581 = arith.select %ge3A_1580, %broadcast_in_dim3A_51, %broadcast_in_dim3A_53 : vector<16xi1>, vector<16xi32>
      %add3A_1582 = arith.addi %add3A_1577, %select_n3A_1581 : vector<16xi32>
      %mul3A_1583 = arith.constant 25600 : i32
      %mul3A_1584 = vector.broadcast %mul3A_1583 : i32 to vector<16xi32>
      %mul3A_1585 = arith.muli %add3A_1582, %mul3A_1584 : vector<16xi32>
      %sub3A_1586 = arith.subi %get3A_1567, %mul3A_1585 : vector<16xi32>
      %ge3A_1587 = arith.constant 6400 : i32
      %ge3A_1588 = vector.broadcast %ge3A_1587 : i32 to vector<16xi32>
      %ge3A_1589 = arith.cmpi sge, %sub3A_1586, %ge3A_1588 : vector<16xi32>
      %select_n3A_1590 = arith.select %ge3A_1589, %broadcast_in_dim3A_51, %broadcast_in_dim3A_53 : vector<16xi1>, vector<16xi32>
      %ge3A_1591 = arith.constant 12800 : i32
      %ge3A_1592 = vector.broadcast %ge3A_1591 : i32 to vector<16xi32>
      %ge3A_1593 = arith.cmpi sge, %sub3A_1586, %ge3A_1592 : vector<16xi32>
      %select_n3A_1594 = arith.select %ge3A_1593, %broadcast_in_dim3A_51, %broadcast_in_dim3A_53 : vector<16xi1>, vector<16xi32>
      %add3A_1595 = arith.addi %select_n3A_1590, %select_n3A_1594 : vector<16xi32>
      %ge3A_1596 = arith.constant 19200 : i32
      %ge3A_1597 = vector.broadcast %ge3A_1596 : i32 to vector<16xi32>
      %ge3A_1598 = arith.cmpi sge, %sub3A_1586, %ge3A_1597 : vector<16xi32>
      %select_n3A_1599 = arith.select %ge3A_1598, %broadcast_in_dim3A_51, %broadcast_in_dim3A_53 : vector<16xi1>, vector<16xi32>
      %add3A_1600 = arith.addi %add3A_1595, %select_n3A_1599 : vector<16xi32>
      %mul3A_1601 = arith.constant 25600 : i32
      %mul3A_1602 = vector.broadcast %mul3A_1601 : i32 to vector<16xi32>
      %mul3A_1603 = arith.muli %add3A_1582, %mul3A_1602 : vector<16xi32>
      %mul3A_1604 = arith.constant 6400 : i32
      %mul3A_1605 = vector.broadcast %mul3A_1604 : i32 to vector<16xi32>
      %mul3A_1606 = arith.muli %add3A_1600, %mul3A_1605 : vector<16xi32>
      %sub3A_1607 = arith.subi %sub3A_1586, %mul3A_1606 : vector<16xi32>
      %mul3A_1608 = arith.constant 4 : i32
      %mul3A_1609 = vector.broadcast %mul3A_1608 : i32 to vector<16xi32>
      %mul3A_1610 = arith.muli %sub3A_1607, %mul3A_1609 : vector<16xi32>
      %add3A_1611 = arith.addi %mul3A_1603, %mul3A_1610 : vector<16xi32>
      %add3A_1612 = arith.addi %add3A_1611, %add3A_1600 : vector<16xi32>
      %swap3A_1613 = arith.constant 464 : index
      %swap3A_1614 = tpu.vector_load %arg5[%swap3A_1613] {strides = array<i32>} : memref<512xi32, #tpu.memory_space<vmem>>, vector<16xi32>,
      %swap3A_1615 = vector.shape_cast %swap3A_1614 : vector<16xi32> to vector<16xi32>
      %swap3A_1616 = vector.shape_cast %add3A_1612 : vector<16xi32> to vector<16xi32>
      tpu.vector_store %arg5[%swap3A_1613], %swap3A_1616 {strides = array<i32>} : memref<512xi32, #tpu.memory_space<vmem>>, vector<16xi32>,
      %get3A_1617 = arith.constant 480 : index
      %get3A_1618 = tpu.vector_load %arg5[%get3A_1617] {strides = array<i32>} : memref<512xi32, #tpu.memory_space<vmem>>, vector<16xi32>,
      %get3A_1619 = vector.shape_cast %get3A_1618 : vector<16xi32> to vector<16xi32>
      %ge3A_1620 = arith.constant 25600 : i32
      %ge3A_1621 = vector.broadcast %ge3A_1620 : i32 to vector<16xi32>
      %ge3A_1622 = arith.cmpi sge, %get3A_1619, %ge3A_1621 : vector<16xi32>
      %select_n3A_1623 = arith.select %ge3A_1622, %broadcast_in_dim3A_51, %broadcast_in_dim3A_53 : vector<16xi1>, vector<16xi32>
      %add3A_1624 = arith.addi %broadcast_in_dim3A_53, %select_n3A_1623 : vector<16xi32>
      %ge3A_1625 = arith.constant 51200 : i32
      %ge3A_1626 = vector.broadcast %ge3A_1625 : i32 to vector<16xi32>
      %ge3A_1627 = arith.cmpi sge, %get3A_1619, %ge3A_1626 : vector<16xi32>
      %select_n3A_1628 = arith.select %ge3A_1627, %broadcast_in_dim3A_51, %broadcast_in_dim3A_53 : vector<16xi1>, vector<16xi32>
      %add3A_1629 = arith.addi %add3A_1624, %select_n3A_1628 : vector<16xi32>
      %ge3A_1630 = arith.constant 76800 : i32
      %ge3A_1631 = vector.broadcast %ge3A_1630 : i32 to vector<16xi32>
      %ge3A_1632 = arith.cmpi sge, %get3A_1619, %ge3A_1631 : vector<16xi32>
      %select_n3A_1633 = arith.select %ge3A_1632, %broadcast_in_dim3A_51, %broadcast_in_dim3A_53 : vector<16xi1>, vector<16xi32>
      %add3A_1634 = arith.addi %add3A_1629, %select_n3A_1633 : vector<16xi32>
      %mul3A_1635 = arith.constant 25600 : i32
      %mul3A_1636 = vector.broadcast %mul3A_1635 : i32 to vector<16xi32>
      %mul3A_1637 = arith.muli %add3A_1634, %mul3A_1636 : vector<16xi32>
      %sub3A_1638 = arith.subi %get3A_1619, %mul3A_1637 : vector<16xi32>
      %ge3A_1639 = arith.constant 6400 : i32
      %ge3A_1640 = vector.broadcast %ge3A_1639 : i32 to vector<16xi32>
      %ge3A_1641 = arith.cmpi sge, %sub3A_1638, %ge3A_1640 : vector<16xi32>
      %select_n3A_1642 = arith.select %ge3A_1641, %broadcast_in_dim3A_51, %broadcast_in_dim3A_53 : vector<16xi1>, vector<16xi32>
      %ge3A_1643 = arith.constant 12800 : i32
      %ge3A_1644 = vector.broadcast %ge3A_1643 : i32 to vector<16xi32>
      %ge3A_1645 = arith.cmpi sge, %sub3A_1638, %ge3A_1644 : vector<16xi32>
      %select_n3A_1646 = arith.select %ge3A_1645, %broadcast_in_dim3A_51, %broadcast_in_dim3A_53 : vector<16xi1>, vector<16xi32>
      %add3A_1647 = arith.addi %select_n3A_1642, %select_n3A_1646 : vector<16xi32>
      %ge3A_1648 = arith.constant 19200 : i32
      %ge3A_1649 = vector.broadcast %ge3A_1648 : i32 to vector<16xi32>
      %ge3A_1650 = arith.cmpi sge, %sub3A_1638, %ge3A_1649 : vector<16xi32>
      %select_n3A_1651 = arith.select %ge3A_1650, %broadcast_in_dim3A_51, %broadcast_in_dim3A_53 : vector<16xi1>, vector<16xi32>
      %add3A_1652 = arith.addi %add3A_1647, %select_n3A_1651 : vector<16xi32>
      %mul3A_1653 = arith.constant 25600 : i32
      %mul3A_1654 = vector.broadcast %mul3A_1653 : i32 to vector<16xi32>
      %mul3A_1655 = arith.muli %add3A_1634, %mul3A_1654 : vector<16xi32>
      %mul3A_1656 = arith.constant 6400 : i32
      %mul3A_1657 = vector.broadcast %mul3A_1656 : i32 to vector<16xi32>
      %mul3A_1658 = arith.muli %add3A_1652, %mul3A_1657 : vector<16xi32>
      %sub3A_1659 = arith.subi %sub3A_1638, %mul3A_1658 : vector<16xi32>
      %mul3A_1660 = arith.constant 4 : i32
      %mul3A_1661 = vector.broadcast %mul3A_1660 : i32 to vector<16xi32>
      %mul3A_1662 = arith.muli %sub3A_1659, %mul3A_1661 : vector<16xi32>
      %add3A_1663 = arith.addi %mul3A_1655, %mul3A_1662 : vector<16xi32>
      %add3A_1664 = arith.addi %add3A_1663, %add3A_1652 : vector<16xi32>
      %swap3A_1665 = arith.constant 480 : index
      %swap3A_1666 = tpu.vector_load %arg5[%swap3A_1665] {strides = array<i32>} : memref<512xi32, #tpu.memory_space<vmem>>, vector<16xi32>,
      %swap3A_1667 = vector.shape_cast %swap3A_1666 : vector<16xi32> to vector<16xi32>
      %swap3A_1668 = vector.shape_cast %add3A_1664 : vector<16xi32> to vector<16xi32>
      tpu.vector_store %arg5[%swap3A_1665], %swap3A_1668 {strides = array<i32>} : memref<512xi32, #tpu.memory_space<vmem>>, vector<16xi32>,
      %get3A_1669 = arith.constant 496 : index
      %get3A_1670 = tpu.vector_load %arg5[%get3A_1669] {strides = array<i32>} : memref<512xi32, #tpu.memory_space<vmem>>, vector<16xi32>,
      %get3A_1671 = vector.shape_cast %get3A_1670 : vector<16xi32> to vector<16xi32>
      %ge3A_1672 = arith.constant 25600 : i32
      %ge3A_1673 = vector.broadcast %ge3A_1672 : i32 to vector<16xi32>
      %ge3A_1674 = arith.cmpi sge, %get3A_1671, %ge3A_1673 : vector<16xi32>
      %select_n3A_1675 = arith.select %ge3A_1674, %broadcast_in_dim3A_51, %broadcast_in_dim3A_53 : vector<16xi1>, vector<16xi32>
      %add3A_1676 = arith.addi %broadcast_in_dim3A_53, %select_n3A_1675 : vector<16xi32>
      %ge3A_1677 = arith.constant 51200 : i32
      %ge3A_1678 = vector.broadcast %ge3A_1677 : i32 to vector<16xi32>
      %ge3A_1679 = arith.cmpi sge, %get3A_1671, %ge3A_1678 : vector<16xi32>
      %select_n3A_1680 = arith.select %ge3A_1679, %broadcast_in_dim3A_51, %broadcast_in_dim3A_53 : vector<16xi1>, vector<16xi32>
      %add3A_1681 = arith.addi %add3A_1676, %select_n3A_1680 : vector<16xi32>
      %ge3A_1682 = arith.constant 76800 : i32
      %ge3A_1683 = vector.broadcast %ge3A_1682 : i32 to vector<16xi32>
      %ge3A_1684 = arith.cmpi sge, %get3A_1671, %ge3A_1683 : vector<16xi32>
      %select_n3A_1685 = arith.select %ge3A_1684, %broadcast_in_dim3A_51, %broadcast_in_dim3A_53 : vector<16xi1>, vector<16xi32>
      %add3A_1686 = arith.addi %add3A_1681, %select_n3A_1685 : vector<16xi32>
      %mul3A_1687 = arith.constant 25600 : i32
      %mul3A_1688 = vector.broadcast %mul3A_1687 : i32 to vector<16xi32>
      %mul3A_1689 = arith.muli %add3A_1686, %mul3A_1688 : vector<16xi32>
      %sub3A_1690 = arith.subi %get3A_1671, %mul3A_1689 : vector<16xi32>
      %ge3A_1691 = arith.constant 6400 : i32
      %ge3A_1692 = vector.broadcast %ge3A_1691 : i32 to vector<16xi32>
      %ge3A_1693 = arith.cmpi sge, %sub3A_1690, %ge3A_1692 : vector<16xi32>
      %select_n3A_1694 = arith.select %ge3A_1693, %broadcast_in_dim3A_51, %broadcast_in_dim3A_53 : vector<16xi1>, vector<16xi32>
      %ge3A_1695 = arith.constant 12800 : i32
      %ge3A_1696 = vector.broadcast %ge3A_1695 : i32 to vector<16xi32>
      %ge3A_1697 = arith.cmpi sge, %sub3A_1690, %ge3A_1696 : vector<16xi32>
      %select_n3A_1698 = arith.select %ge3A_1697, %broadcast_in_dim3A_51, %broadcast_in_dim3A_53 : vector<16xi1>, vector<16xi32>
      %add3A_1699 = arith.addi %select_n3A_1694, %select_n3A_1698 : vector<16xi32>
      %ge3A_1700 = arith.constant 19200 : i32
      %ge3A_1701 = vector.broadcast %ge3A_1700 : i32 to vector<16xi32>
      %ge3A_1702 = arith.cmpi sge, %sub3A_1690, %ge3A_1701 : vector<16xi32>
      %select_n3A_1703 = arith.select %ge3A_1702, %broadcast_in_dim3A_51, %broadcast_in_dim3A_53 : vector<16xi1>, vector<16xi32>
      %add3A_1704 = arith.addi %add3A_1699, %select_n3A_1703 : vector<16xi32>
      %mul3A_1705 = arith.constant 25600 : i32
      %mul3A_1706 = vector.broadcast %mul3A_1705 : i32 to vector<16xi32>
      %mul3A_1707 = arith.muli %add3A_1686, %mul3A_1706 : vector<16xi32>
      %mul3A_1708 = arith.constant 6400 : i32
      %mul3A_1709 = vector.broadcast %mul3A_1708 : i32 to vector<16xi32>
      %mul3A_1710 = arith.muli %add3A_1704, %mul3A_1709 : vector<16xi32>
      %sub3A_1711 = arith.subi %sub3A_1690, %mul3A_1710 : vector<16xi32>
      %mul3A_1712 = arith.constant 4 : i32
      %mul3A_1713 = vector.broadcast %mul3A_1712 : i32 to vector<16xi32>
      %mul3A_1714 = arith.muli %sub3A_1711, %mul3A_1713 : vector<16xi32>
      %add3A_1715 = arith.addi %mul3A_1707, %mul3A_1714 : vector<16xi32>
      %add3A_1716 = arith.addi %add3A_1715, %add3A_1704 : vector<16xi32>
      %swap3A_1717 = arith.constant 496 : index
      %swap3A_1718 = tpu.vector_load %arg5[%swap3A_1717] {strides = array<i32>} : memref<512xi32, #tpu.memory_space<vmem>>, vector<16xi32>,
      %swap3A_1719 = vector.shape_cast %swap3A_1718 : vector<16xi32> to vector<16xi32>
      %swap3A_1720 = vector.shape_cast %add3A_1716 : vector<16xi32> to vector<16xi32>
      tpu.vector_store %arg5[%swap3A_1717], %swap3A_1720 {strides = array<i32>} : memref<512xi32, #tpu.memory_space<vmem>>, vector<16xi32>,
      %dma_start3A = arith.constant 0 : i32
      %dma_start3A_1721 = arith.constant 0 : i32
      %dma_start3A_1722 = tpu.memref_slice %arg6[%dma_start3A, %dma_start3A_1721] : memref<512x32xf32, #tpu.memory_space<vmem>> -> memref<128x32xf32, #tpu.memory_space<vmem>>
      %dma_start3A_1723 = arith.constant 0 : i32
      %dma_start3A_1724 = tpu.memref_slice %arg5[%dma_start3A_1723] : memref<512xi32, #tpu.memory_space<vmem>> -> memref<128xi32, #tpu.memory_space<vmem>>
      %dma_start3A_1725 = arith.constant 0 : i32
      %dma_start3A_1726 = arith.constant 0 : i32
      %dma_start3A_1727 = tpu.memref_slice %arg3[%scan3A_59, %dma_start3A_1725, %dma_start3A_1726] : memref<26x102400x32xf32, #tpu.memory_space<hbm>> -> memref<1x102400x32xf32, #tpu.memory_space<hbm>>
      %dma_start3A_1728 = tpu.memref_squeeze %dma_start3A_1727 : memref<1x102400x32xf32, #tpu.memory_space<hbm>> -> memref<102400x32xf32, #tpu.memory_space<hbm>>
      %dma_start3A_1729 = arith.constant 0 : i32
      %dma_start3A_1730 = arith.constant 0 : i32
      %dma_start3A_1731 = tpu.memref_slice %dma_start3A_1728[%dma_start3A_1729, %dma_start3A_1730] : memref<102400x32xf32, #tpu.memory_space<hbm>> -> memref<102400x32xf32, #tpu.memory_space<hbm>>
      tpu.enqueue_indirect_dma source(%dma_start3A_1731 : memref<102400x32xf32, #tpu.memory_space<hbm>>) target(%dma_start3A_1722 : memref<128x32xf32, #tpu.memory_space<vmem>>) offsets(%dma_start3A_1724 : memref<128xi32, #tpu.memory_space<vmem>>) semaphore(%arg7 : memref<!tpu.dma_semaphore, #tpu.memory_space<semaphore_mem>>)
      %dma_start3A_1732 = arith.constant 128 : i32
      %dma_start3A_1733 = arith.constant 0 : i32
      %dma_start3A_1734 = tpu.memref_slice %arg6[%dma_start3A_1732, %dma_start3A_1733] : memref<512x32xf32, #tpu.memory_space<vmem>> -> memref<128x32xf32, #tpu.memory_space<vmem>>
      %dma_start3A_1735 = arith.constant 128 : i32
      %dma_start3A_1736 = tpu.memref_slice %arg5[%dma_start3A_1735] : memref<512xi32, #tpu.memory_space<vmem>> -> memref<128xi32, #tpu.memory_space<vmem>>
      %dma_start3A_1737 = arith.constant 0 : i32
      %dma_start3A_1738 = arith.constant 0 : i32
      %dma_start3A_1739 = tpu.memref_slice %arg3[%scan3A_59, %dma_start3A_1737, %dma_start3A_1738] : memref<26x102400x32xf32, #tpu.memory_space<hbm>> -> memref<1x102400x32xf32, #tpu.memory_space<hbm>>
      %dma_start3A_1740 = tpu.memref_squeeze %dma_start3A_1739 : memref<1x102400x32xf32, #tpu.memory_space<hbm>> -> memref<102400x32xf32, #tpu.memory_space<hbm>>
      %dma_start3A_1741 = arith.constant 0 : i32
      %dma_start3A_1742 = arith.constant 0 : i32
      %dma_start3A_1743 = tpu.memref_slice %dma_start3A_1740[%dma_start3A_1741, %dma_start3A_1742] : memref<102400x32xf32, #tpu.memory_space<hbm>> -> memref<102400x32xf32, #tpu.memory_space<hbm>>
      tpu.enqueue_indirect_dma source(%dma_start3A_1743 : memref<102400x32xf32, #tpu.memory_space<hbm>>) target(%dma_start3A_1734 : memref<128x32xf32, #tpu.memory_space<vmem>>) offsets(%dma_start3A_1736 : memref<128xi32, #tpu.memory_space<vmem>>) semaphore(%arg7 : memref<!tpu.dma_semaphore, #tpu.memory_space<semaphore_mem>>)
      %dma_start3A_1744 = arith.constant 256 : i32
      %dma_start3A_1745 = arith.constant 0 : i32
      %dma_start3A_1746 = tpu.memref_slice %arg6[%dma_start3A_1744, %dma_start3A_1745] : memref<512x32xf32, #tpu.memory_space<vmem>> -> memref<128x32xf32, #tpu.memory_space<vmem>>
      %dma_start3A_1747 = arith.constant 256 : i32
      %dma_start3A_1748 = tpu.memref_slice %arg5[%dma_start3A_1747] : memref<512xi32, #tpu.memory_space<vmem>> -> memref<128xi32, #tpu.memory_space<vmem>>
      %dma_start3A_1749 = arith.constant 0 : i32
      %dma_start3A_1750 = arith.constant 0 : i32
      %dma_start3A_1751 = tpu.memref_slice %arg3[%scan3A_59, %dma_start3A_1749, %dma_start3A_1750] : memref<26x102400x32xf32, #tpu.memory_space<hbm>> -> memref<1x102400x32xf32, #tpu.memory_space<hbm>>
      %dma_start3A_1752 = tpu.memref_squeeze %dma_start3A_1751 : memref<1x102400x32xf32, #tpu.memory_space<hbm>> -> memref<102400x32xf32, #tpu.memory_space<hbm>>
      %dma_start3A_1753 = arith.constant 0 : i32
      %dma_start3A_1754 = arith.constant 0 : i32
      %dma_start3A_1755 = tpu.memref_slice %dma_start3A_1752[%dma_start3A_1753, %dma_start3A_1754] : memref<102400x32xf32, #tpu.memory_space<hbm>> -> memref<102400x32xf32, #tpu.memory_space<hbm>>
      tpu.enqueue_indirect_dma source(%dma_start3A_1755 : memref<102400x32xf32, #tpu.memory_space<hbm>>) target(%dma_start3A_1746 : memref<128x32xf32, #tpu.memory_space<vmem>>) offsets(%dma_start3A_1748 : memref<128xi32, #tpu.memory_space<vmem>>) semaphore(%arg7 : memref<!tpu.dma_semaphore, #tpu.memory_space<semaphore_mem>>)
      %dma_start3A_1756 = arith.constant 384 : i32
      %dma_start3A_1757 = arith.constant 0 : i32
      %dma_start3A_1758 = tpu.memref_slice %arg6[%dma_start3A_1756, %dma_start3A_1757] : memref<512x32xf32, #tpu.memory_space<vmem>> -> memref<128x32xf32, #tpu.memory_space<vmem>>
      %dma_start3A_1759 = arith.constant 384 : i32
      %dma_start3A_1760 = tpu.memref_slice %arg5[%dma_start3A_1759] : memref<512xi32, #tpu.memory_space<vmem>> -> memref<128xi32, #tpu.memory_space<vmem>>
      %dma_start3A_1761 = arith.constant 0 : i32
      %dma_start3A_1762 = arith.constant 0 : i32
      %dma_start3A_1763 = tpu.memref_slice %arg3[%scan3A_59, %dma_start3A_1761, %dma_start3A_1762] : memref<26x102400x32xf32, #tpu.memory_space<hbm>> -> memref<1x102400x32xf32, #tpu.memory_space<hbm>>
      %dma_start3A_1764 = tpu.memref_squeeze %dma_start3A_1763 : memref<1x102400x32xf32, #tpu.memory_space<hbm>> -> memref<102400x32xf32, #tpu.memory_space<hbm>>
      %dma_start3A_1765 = arith.constant 0 : i32
      %dma_start3A_1766 = arith.constant 0 : i32
      %dma_start3A_1767 = tpu.memref_slice %dma_start3A_1764[%dma_start3A_1765, %dma_start3A_1766] : memref<102400x32xf32, #tpu.memory_space<hbm>> -> memref<102400x32xf32, #tpu.memory_space<hbm>>
      tpu.enqueue_indirect_dma source(%dma_start3A_1767 : memref<102400x32xf32, #tpu.memory_space<hbm>>) target(%dma_start3A_1758 : memref<128x32xf32, #tpu.memory_space<vmem>>) offsets(%dma_start3A_1760 : memref<128xi32, #tpu.memory_space<vmem>>) semaphore(%arg7 : memref<!tpu.dma_semaphore, #tpu.memory_space<semaphore_mem>>)
      %dma_wait3A = arith.constant 0 : i32
      %dma_wait3A_1768 = arith.constant 0 : i32
      %dma_wait3A_1769 = tpu.memref_slice %arg6[%dma_wait3A, %dma_wait3A_1768] : memref<512x32xf32, #tpu.memory_space<vmem>> -> memref<128x32xf32, #tpu.memory_space<vmem>>
      %dma_wait3A_1770 = arith.constant 0 : i32
      %dma_wait3A_1771 = tpu.memref_slice %arg5[%dma_wait3A_1770] : memref<512xi32, #tpu.memory_space<vmem>> -> memref<128xi32, #tpu.memory_space<vmem>>
      %dma_wait3A_1772 = arith.constant 0 : i32
      %dma_wait3A_1773 = arith.constant 0 : i32
      %dma_wait3A_1774 = tpu.memref_slice %arg3[%scan3A_59, %dma_wait3A_1772, %dma_wait3A_1773] : memref<26x102400x32xf32, #tpu.memory_space<hbm>> -> memref<1x102400x32xf32, #tpu.memory_space<hbm>>
      %dma_wait3A_1775 = tpu.memref_squeeze %dma_wait3A_1774 : memref<1x102400x32xf32, #tpu.memory_space<hbm>> -> memref<102400x32xf32, #tpu.memory_space<hbm>>
      %dma_wait3A_1776 = arith.constant 0 : i32
      %dma_wait3A_1777 = arith.constant 0 : i32
      %dma_wait3A_1778 = tpu.memref_slice %dma_wait3A_1775[%dma_wait3A_1776, %dma_wait3A_1777] : memref<102400x32xf32, #tpu.memory_space<hbm>> -> memref<102400x32xf32, #tpu.memory_space<hbm>>
      tpu.wait_indirect_dma semaphore(%arg7 : memref<!tpu.dma_semaphore, #tpu.memory_space<semaphore_mem>>) src(%dma_wait3A_1778 : memref<102400x32xf32, #tpu.memory_space<hbm>>) dst(%dma_wait3A_1769 : memref<128x32xf32, #tpu.memory_space<vmem>>)
      %dma_wait3A_1779 = arith.constant 128 : i32
      %dma_wait3A_1780 = arith.constant 0 : i32
      %dma_wait3A_1781 = tpu.memref_slice %arg6[%dma_wait3A_1779, %dma_wait3A_1780] : memref<512x32xf32, #tpu.memory_space<vmem>> -> memref<128x32xf32, #tpu.memory_space<vmem>>
      %dma_wait3A_1782 = arith.constant 128 : i32
      %dma_wait3A_1783 = tpu.memref_slice %arg5[%dma_wait3A_1782] : memref<512xi32, #tpu.memory_space<vmem>> -> memref<128xi32, #tpu.memory_space<vmem>>
      %dma_wait3A_1784 = arith.constant 0 : i32
      %dma_wait3A_1785 = arith.constant 0 : i32
      %dma_wait3A_1786 = tpu.memref_slice %arg3[%scan3A_59, %dma_wait3A_1784, %dma_wait3A_1785] : memref<26x102400x32xf32, #tpu.memory_space<hbm>> -> memref<1x102400x32xf32, #tpu.memory_space<hbm>>
      %dma_wait3A_1787 = tpu.memref_squeeze %dma_wait3A_1786 : memref<1x102400x32xf32, #tpu.memory_space<hbm>> -> memref<102400x32xf32, #tpu.memory_space<hbm>>
      %dma_wait3A_1788 = arith.constant 0 : i32
      %dma_wait3A_1789 = arith.constant 0 : i32
      %dma_wait3A_1790 = tpu.memref_slice %dma_wait3A_1787[%dma_wait3A_1788, %dma_wait3A_1789] : memref<102400x32xf32, #tpu.memory_space<hbm>> -> memref<102400x32xf32, #tpu.memory_space<hbm>>
      tpu.wait_indirect_dma semaphore(%arg7 : memref<!tpu.dma_semaphore, #tpu.memory_space<semaphore_mem>>) src(%dma_wait3A_1790 : memref<102400x32xf32, #tpu.memory_space<hbm>>) dst(%dma_wait3A_1781 : memref<128x32xf32, #tpu.memory_space<vmem>>)
      %dma_wait3A_1791 = arith.constant 256 : i32
      %dma_wait3A_1792 = arith.constant 0 : i32
      %dma_wait3A_1793 = tpu.memref_slice %arg6[%dma_wait3A_1791, %dma_wait3A_1792] : memref<512x32xf32, #tpu.memory_space<vmem>> -> memref<128x32xf32, #tpu.memory_space<vmem>>
      %dma_wait3A_1794 = arith.constant 256 : i32
      %dma_wait3A_1795 = tpu.memref_slice %arg5[%dma_wait3A_1794] : memref<512xi32, #tpu.memory_space<vmem>> -> memref<128xi32, #tpu.memory_space<vmem>>
      %dma_wait3A_1796 = arith.constant 0 : i32
      %dma_wait3A_1797 = arith.constant 0 : i32
      %dma_wait3A_1798 = tpu.memref_slice %arg3[%scan3A_59, %dma_wait3A_1796, %dma_wait3A_1797] : memref<26x102400x32xf32, #tpu.memory_space<hbm>> -> memref<1x102400x32xf32, #tpu.memory_space<hbm>>
      %dma_wait3A_1799 = tpu.memref_squeeze %dma_wait3A_1798 : memref<1x102400x32xf32, #tpu.memory_space<hbm>> -> memref<102400x32xf32, #tpu.memory_space<hbm>>
      %dma_wait3A_1800 = arith.constant 0 : i32
      %dma_wait3A_1801 = arith.constant 0 : i32
      %dma_wait3A_1802 = tpu.memref_slice %dma_wait3A_1799[%dma_wait3A_1800, %dma_wait3A_1801] : memref<102400x32xf32, #tpu.memory_space<hbm>> -> memref<102400x32xf32, #tpu.memory_space<hbm>>
      tpu.wait_indirect_dma semaphore(%arg7 : memref<!tpu.dma_semaphore, #tpu.memory_space<semaphore_mem>>) src(%dma_wait3A_1802 : memref<102400x32xf32, #tpu.memory_space<hbm>>) dst(%dma_wait3A_1793 : memref<128x32xf32, #tpu.memory_space<vmem>>)
      %dma_wait3A_1803 = arith.constant 384 : i32
      %dma_wait3A_1804 = arith.constant 0 : i32
      %dma_wait3A_1805 = tpu.memref_slice %arg6[%dma_wait3A_1803, %dma_wait3A_1804] : memref<512x32xf32, #tpu.memory_space<vmem>> -> memref<128x32xf32, #tpu.memory_space<vmem>>
      %dma_wait3A_1806 = arith.constant 384 : i32
      %dma_wait3A_1807 = tpu.memref_slice %arg5[%dma_wait3A_1806] : memref<512xi32, #tpu.memory_space<vmem>> -> memref<128xi32, #tpu.memory_space<vmem>>
      %dma_wait3A_1808 = arith.constant 0 : i32
      %dma_wait3A_1809 = arith.constant 0 : i32
      %dma_wait3A_1810 = tpu.memref_slice %arg3[%scan3A_59, %dma_wait3A_1808, %dma_wait3A_1809] : memref<26x102400x32xf32, #tpu.memory_space<hbm>> -> memref<1x102400x32xf32, #tpu.memory_space<hbm>>
      %dma_wait3A_1811 = tpu.memref_squeeze %dma_wait3A_1810 : memref<1x102400x32xf32, #tpu.memory_space<hbm>> -> memref<102400x32xf32, #tpu.memory_space<hbm>>
      %dma_wait3A_1812 = arith.constant 0 : i32
      %dma_wait3A_1813 = arith.constant 0 : i32
      %dma_wait3A_1814 = tpu.memref_slice %dma_wait3A_1811[%dma_wait3A_1812, %dma_wait3A_1813] : memref<102400x32xf32, #tpu.memory_space<hbm>> -> memref<102400x32xf32, #tpu.memory_space<hbm>>
      tpu.wait_indirect_dma semaphore(%arg7 : memref<!tpu.dma_semaphore, #tpu.memory_space<semaphore_mem>>) src(%dma_wait3A_1814 : memref<102400x32xf32, #tpu.memory_space<hbm>>) dst(%dma_wait3A_1805 : memref<128x32xf32, #tpu.memory_space<vmem>>)
      "tpu.region"() ({
        %run_scoped3A = tpu.sem_alloc : memref<!tpu.dma_semaphore, #tpu.memory_space<semaphore_mem>>
        %dma_start3A_1815 = arith.constant 0 : i32
        %dma_start3A_1816 = tpu.memref_slice %arg4[%scan3A_59, %select_n3A, %mul3A_50, %select_n3A_45, %dma_start3A_1815] : memref<26x2x2048x4x32xf32, #tpu.memory_space<hbm>> -> memref<1x1x512x1x32xf32, #tpu.memory_space<hbm>>
        %dma_start3A_1817 = tpu.memref_squeeze %dma_start3A_1816 : memref<1x1x512x1x32xf32, #tpu.memory_space<hbm>> -> memref<512x32xf32, #tpu.memory_space<hbm>>
        %dma_start3A_1818 = arith.constant 0 : i32
        %dma_start3A_1819 = tpu.memref_slice %arg4[%scan3A_59, %select_n3A, %mul3A_50, %select_n3A_45, %dma_start3A_1818] : memref<26x2x2048x4x32xf32, #tpu.memory_space<hbm>> -> memref<1x1x512x1x32xf32, #tpu.memory_space<hbm>>
        %dma_start3A_1820 = tpu.memref_squeeze %dma_start3A_1819 : memref<1x1x512x1x32xf32, #tpu.memory_space<hbm>> -> memref<512x32xf32, #tpu.memory_space<hbm>>
        tpu.enqueue_dma source(%arg6 : memref<512x32xf32, #tpu.memory_space<vmem>>) target(%dma_start3A_1820 : memref<512x32xf32, #tpu.memory_space<hbm>>) target_semaphore(%run_scoped3A : memref<!tpu.dma_semaphore, #tpu.memory_space<semaphore_mem>>)
        %dma_wait3A_1821 = arith.constant 0 : i32
        %dma_wait3A_1822 = tpu.memref_slice %arg4[%scan3A_59, %select_n3A, %mul3A_50, %select_n3A_45, %dma_wait3A_1821] : memref<26x2x2048x4x32xf32, #tpu.memory_space<hbm>> -> memref<1x1x512x1x32xf32, #tpu.memory_space<hbm>>
        %dma_wait3A_1823 = tpu.memref_squeeze %dma_wait3A_1822 : memref<1x1x512x1x32xf32, #tpu.memory_space<hbm>> -> memref<512x32xf32, #tpu.memory_space<hbm>>
        %dma_wait3A_1824 = arith.constant 0 : i32
        %dma_wait3A_1825 = tpu.memref_slice %arg4[%scan3A_59, %select_n3A, %mul3A_50, %select_n3A_45, %dma_wait3A_1824] : memref<26x2x2048x4x32xf32, #tpu.memory_space<hbm>> -> memref<1x1x512x1x32xf32, #tpu.memory_space<hbm>>
        %dma_wait3A_1826 = tpu.memref_squeeze %dma_wait3A_1825 : memref<1x1x512x1x32xf32, #tpu.memory_space<hbm>> -> memref<512x32xf32, #tpu.memory_space<hbm>>
        tpu.wait_dma2 semaphore(%run_scoped3A : memref<!tpu.dma_semaphore, #tpu.memory_space<semaphore_mem>>) src(%arg6 : memref<512x32xf32, #tpu.memory_space<vmem>>) dst(%dma_wait3A_1826 : memref<512x32xf32, #tpu.memory_space<hbm>>)
        tpu.yield
      }) : () -> ()
    }
    %scan3A_58 = arith.constant 26 : i32
    return
  }
}

module attributes {stable_mosaic.version = 14 : i64} {
  func.func @_rows_body(%arg0: i32, %arg1: i32, %arg2: memref<1x32x25600xf32, #tpu.memory_space<vmem>>, %arg3: memref<6400x128xf32, #tpu.memory_space<vmem>>) attributes {dimension_semantics = [#tpu.dimension_semantics<arbitrary>, #tpu.dimension_semantics<arbitrary>], iteration_bounds = array<i64: 26, 4>, scalar_prefetch = 0 : i64, scratch_operands = 0 : i64, tpu.core_type = #tpu.core_type<tc>, window_params = [{transform_indices = @transform_0, window_bounds = array<i64: 1, 32, 25600>}, {transform_indices = @transform_1, window_bounds = array<i64: 6400, 128>}]} {
    %iota3A = tpu.iota {dimensions = array<i32: 0>} : vector<32x32xi32>
    %iota3A_0 = tpu.iota {dimensions = array<i32: 1>} : vector<32x32xi32>
    %eq3A = arith.cmpi eq, %iota3A, %iota3A_0 : vector<32x32xi32>
    %jit3A = arith.constant 1.000000e+00 : f32
    %jit3A_1 = arith.constant 0.000000e+00 : f32
    %broadcast_in_dim3A = vector.broadcast %jit3A : f32 to vector<32x32xf32>
    %broadcast_in_dim3A_2 = vector.broadcast %jit3A_1 : f32 to vector<32x32xf32>
    %select_n3A = arith.select %eq3A, %broadcast_in_dim3A, %broadcast_in_dim3A_2 : vector<32x32xi1>, vector<32x32xf32>
    %get3A = arith.constant 0 : index
    %get3A_3 = arith.constant 0 : index
    %get3A_4 = arith.constant 0 : index
    %get3A_5 = vector.load %arg2[%get3A, %get3A_3, %get3A_4] : memref<1x32x25600xf32, #tpu.memory_space<vmem>>, vector<1x32x6400xf32>
    %get3A_6 = vector.shape_cast %get3A_5 : vector<1x32x6400xf32> to vector<32x6400xf32>
    %dot_general3A = arith.constant dense<0.000000e+00> : vector<6400x32xf32>
    %dot_general3A_7 = tpu.matmul %get3A_6, %select_n3A, %dot_general3A {dimension_numbers = #tpu.dot_dimension_numbers<[0], [0], [1], [1], [0, 1, 1, 1], [], []>, transpose_lhs_hint = true} : vector<32x6400xf32>, vector<32x32xf32>, vector<6400x32xf32> -> vector<6400x32xf32>
    %swap3A = arith.constant 0 : index
    %swap3A_8 = arith.constant 0 : index
    %swap3A_9 = vector.load %arg3[%swap3A, %swap3A_8] : memref<6400x128xf32, #tpu.memory_space<vmem>>, vector<6400x32xf32>
    tpu.vector_store %arg3[%swap3A, %swap3A_8], %dot_general3A_7 {strides = array<i32>} : memref<6400x128xf32, #tpu.memory_space<vmem>>, vector<6400x32xf32>,
    %get3A_10 = arith.constant 0 : index
    %get3A_11 = arith.constant 0 : index
    %get3A_12 = arith.constant 6400 : index
    %get3A_13 = vector.load %arg2[%get3A_10, %get3A_11, %get3A_12] : memref<1x32x25600xf32, #tpu.memory_space<vmem>>, vector<1x32x6400xf32>
    %get3A_14 = vector.shape_cast %get3A_13 : vector<1x32x6400xf32> to vector<32x6400xf32>
    %dot_general3A_15 = arith.constant dense<0.000000e+00> : vector<6400x32xf32>
    %dot_general3A_16 = tpu.matmul %get3A_14, %select_n3A, %dot_general3A_15 {dimension_numbers = #tpu.dot_dimension_numbers<[0], [0], [1], [1], [0, 1, 1, 1], [], []>, transpose_lhs_hint = true} : vector<32x6400xf32>, vector<32x32xf32>, vector<6400x32xf32> -> vector<6400x32xf32>
    %swap3A_17 = arith.constant 0 : index
    %swap3A_18 = arith.constant 32 : index
    %swap3A_19 = vector.load %arg3[%swap3A_17, %swap3A_18] : memref<6400x128xf32, #tpu.memory_space<vmem>>, vector<6400x32xf32>
    tpu.vector_store %arg3[%swap3A_17, %swap3A_18], %dot_general3A_16 {strides = array<i32>} : memref<6400x128xf32, #tpu.memory_space<vmem>>, vector<6400x32xf32>,
    %get3A_20 = arith.constant 0 : index
    %get3A_21 = arith.constant 0 : index
    %get3A_22 = arith.constant 12800 : index
    %get3A_23 = vector.load %arg2[%get3A_20, %get3A_21, %get3A_22] : memref<1x32x25600xf32, #tpu.memory_space<vmem>>, vector<1x32x6400xf32>
    %get3A_24 = vector.shape_cast %get3A_23 : vector<1x32x6400xf32> to vector<32x6400xf32>
    %dot_general3A_25 = arith.constant dense<0.000000e+00> : vector<6400x32xf32>
    %dot_general3A_26 = tpu.matmul %get3A_24, %select_n3A, %dot_general3A_25 {dimension_numbers = #tpu.dot_dimension_numbers<[0], [0], [1], [1], [0, 1, 1, 1], [], []>, transpose_lhs_hint = true} : vector<32x6400xf32>, vector<32x32xf32>, vector<6400x32xf32> -> vector<6400x32xf32>
    %swap3A_27 = arith.constant 0 : index
    %swap3A_28 = arith.constant 64 : index
    %swap3A_29 = vector.load %arg3[%swap3A_27, %swap3A_28] : memref<6400x128xf32, #tpu.memory_space<vmem>>, vector<6400x32xf32>
    tpu.vector_store %arg3[%swap3A_27, %swap3A_28], %dot_general3A_26 {strides = array<i32>} : memref<6400x128xf32, #tpu.memory_space<vmem>>, vector<6400x32xf32>,
    %get3A_30 = arith.constant 0 : index
    %get3A_31 = arith.constant 0 : index
    %get3A_32 = arith.constant 19200 : index
    %get3A_33 = vector.load %arg2[%get3A_30, %get3A_31, %get3A_32] : memref<1x32x25600xf32, #tpu.memory_space<vmem>>, vector<1x32x6400xf32>
    %get3A_34 = vector.shape_cast %get3A_33 : vector<1x32x6400xf32> to vector<32x6400xf32>
    %dot_general3A_35 = arith.constant dense<0.000000e+00> : vector<6400x32xf32>
    %dot_general3A_36 = tpu.matmul %get3A_34, %select_n3A, %dot_general3A_35 {dimension_numbers = #tpu.dot_dimension_numbers<[0], [0], [1], [1], [0, 1, 1, 1], [], []>, transpose_lhs_hint = true} : vector<32x6400xf32>, vector<32x32xf32>, vector<6400x32xf32> -> vector<6400x32xf32>
    %swap3A_37 = arith.constant 0 : index
    %swap3A_38 = arith.constant 96 : index
    %swap3A_39 = vector.load %arg3[%swap3A_37, %swap3A_38] : memref<6400x128xf32, #tpu.memory_space<vmem>>, vector<6400x32xf32>
    tpu.vector_store %arg3[%swap3A_37, %swap3A_38], %dot_general3A_36 {strides = array<i32>} : memref<6400x128xf32, #tpu.memory_space<vmem>>, vector<6400x32xf32>,
    return
  }
  func.func @transform_0(%arg0: i32, %arg1: i32) -> (i32, i32, i32) {
    %c0_i32 = arith.constant 0 : i32
    %c0_i32_0 = arith.constant 0 : i32
    return %arg0, %c0_i32, %arg1 : i32, i32, i32
  }
  func.func @transform_1(%arg0: i32, %arg1: i32) -> (i32, i32) {
    %mul3A = arith.constant 4 : i32
    %mul3A_0 = arith.muli %arg0, %mul3A : i32
    %add3A = arith.addi %mul3A_0, %arg1 : i32
    %c0_i32 = arith.constant 0 : i32
    %c0_i32_1 = arith.constant 0 : i32
    return %add3A, %c0_i32 : i32, i32
  }
}

module attributes {stable_mosaic.version = 14 : i64} {
  func.func @_out_body(%arg0: i32, %arg1: i32, %arg2: memref<1x2048x128xf32, #tpu.memory_space<vmem>>, %arg3: memref<1x32x8192xf32, #tpu.memory_space<vmem>>) attributes {dimension_semantics = [#tpu.dimension_semantics<arbitrary>, #tpu.dimension_semantics<arbitrary>], iteration_bounds = array<i64: 26, 2>, scalar_prefetch = 0 : i64, scratch_operands = 0 : i64, tpu.core_type = #tpu.core_type<tc>, window_params = [{transform_indices = @transform_0, window_bounds = array<i64: 1, 2048, 128>}, {transform_indices = @transform_1, window_bounds = array<i64: 1, 32, 8192>}]} {
    %iota3A = tpu.iota {dimensions = array<i32: 0>} : vector<32x32xi32>
    %iota3A_0 = tpu.iota {dimensions = array<i32: 1>} : vector<32x32xi32>
    %eq3A = arith.cmpi eq, %iota3A, %iota3A_0 : vector<32x32xi32>
    %jit3A = arith.constant 1.000000e+00 : f32
    %jit3A_1 = arith.constant 0.000000e+00 : f32
    %broadcast_in_dim3A = vector.broadcast %jit3A : f32 to vector<32x32xf32>
    %broadcast_in_dim3A_2 = vector.broadcast %jit3A_1 : f32 to vector<32x32xf32>
    %select_n3A = arith.select %eq3A, %broadcast_in_dim3A, %broadcast_in_dim3A_2 : vector<32x32xi1>, vector<32x32xf32>
    %get3A = arith.constant 0 : index
    %get3A_3 = arith.constant 0 : index
    %get3A_4 = arith.constant 0 : index
    %get3A_5 = vector.load %arg2[%get3A, %get3A_3, %get3A_4] : memref<1x2048x128xf32, #tpu.memory_space<vmem>>, vector<1x2048x32xf32>
    %get3A_6 = vector.shape_cast %get3A_5 : vector<1x2048x32xf32> to vector<2048x32xf32>
    %dot_general3A = arith.constant dense<0.000000e+00> : vector<32x2048xf32>
    %dot_general3A_7 = tpu.matmul %select_n3A, %get3A_6, %dot_general3A {dimension_numbers = #tpu.dot_dimension_numbers<[1], [1], [0], [0], [0, 0, 1, 0], [], []>, transpose_lhs_hint = false} : vector<32x32xf32>, vector<2048x32xf32>, vector<32x2048xf32> -> vector<32x2048xf32>
    %swap3A = arith.constant 0 : index
    %swap3A_8 = arith.constant 0 : index
    %swap3A_9 = arith.constant 0 : index
    %swap3A_10 = vector.load %arg3[%swap3A, %swap3A_8, %swap3A_9] : memref<1x32x8192xf32, #tpu.memory_space<vmem>>, vector<1x32x2048xf32>
    %swap3A_11 = vector.shape_cast %swap3A_10 : vector<1x32x2048xf32> to vector<32x2048xf32>
    %swap3A_12 = vector.shape_cast %dot_general3A_7 : vector<32x2048xf32> to vector<1x32x2048xf32>
    tpu.vector_store %arg3[%swap3A, %swap3A_8, %swap3A_9], %swap3A_12 {strides = array<i32>} : memref<1x32x8192xf32, #tpu.memory_space<vmem>>, vector<1x32x2048xf32>,
    %get3A_13 = arith.constant 0 : index
    %get3A_14 = arith.constant 0 : index
    %get3A_15 = arith.constant 32 : index
    %get3A_16 = vector.load %arg2[%get3A_13, %get3A_14, %get3A_15] : memref<1x2048x128xf32, #tpu.memory_space<vmem>>, vector<1x2048x32xf32>
    %get3A_17 = vector.shape_cast %get3A_16 : vector<1x2048x32xf32> to vector<2048x32xf32>
    %dot_general3A_18 = arith.constant dense<0.000000e+00> : vector<32x2048xf32>
    %dot_general3A_19 = tpu.matmul %select_n3A, %get3A_17, %dot_general3A_18 {dimension_numbers = #tpu.dot_dimension_numbers<[1], [1], [0], [0], [0, 0, 1, 0], [], []>, transpose_lhs_hint = false} : vector<32x32xf32>, vector<2048x32xf32>, vector<32x2048xf32> -> vector<32x2048xf32>
    %swap3A_20 = arith.constant 0 : index
    %swap3A_21 = arith.constant 0 : index
    %swap3A_22 = arith.constant 2048 : index
    %swap3A_23 = vector.load %arg3[%swap3A_20, %swap3A_21, %swap3A_22] : memref<1x32x8192xf32, #tpu.memory_space<vmem>>, vector<1x32x2048xf32>
    %swap3A_24 = vector.shape_cast %swap3A_23 : vector<1x32x2048xf32> to vector<32x2048xf32>
    %swap3A_25 = vector.shape_cast %dot_general3A_19 : vector<32x2048xf32> to vector<1x32x2048xf32>
    tpu.vector_store %arg3[%swap3A_20, %swap3A_21, %swap3A_22], %swap3A_25 {strides = array<i32>} : memref<1x32x8192xf32, #tpu.memory_space<vmem>>, vector<1x32x2048xf32>,
    %get3A_26 = arith.constant 0 : index
    %get3A_27 = arith.constant 0 : index
    %get3A_28 = arith.constant 64 : index
    %get3A_29 = vector.load %arg2[%get3A_26, %get3A_27, %get3A_28] : memref<1x2048x128xf32, #tpu.memory_space<vmem>>, vector<1x2048x32xf32>
    %get3A_30 = vector.shape_cast %get3A_29 : vector<1x2048x32xf32> to vector<2048x32xf32>
    %dot_general3A_31 = arith.constant dense<0.000000e+00> : vector<32x2048xf32>
    %dot_general3A_32 = tpu.matmul %select_n3A, %get3A_30, %dot_general3A_31 {dimension_numbers = #tpu.dot_dimension_numbers<[1], [1], [0], [0], [0, 0, 1, 0], [], []>, transpose_lhs_hint = false} : vector<32x32xf32>, vector<2048x32xf32>, vector<32x2048xf32> -> vector<32x2048xf32>
    %swap3A_33 = arith.constant 0 : index
    %swap3A_34 = arith.constant 0 : index
    %swap3A_35 = arith.constant 4096 : index
    %swap3A_36 = vector.load %arg3[%swap3A_33, %swap3A_34, %swap3A_35] : memref<1x32x8192xf32, #tpu.memory_space<vmem>>, vector<1x32x2048xf32>
    %swap3A_37 = vector.shape_cast %swap3A_36 : vector<1x32x2048xf32> to vector<32x2048xf32>
    %swap3A_38 = vector.shape_cast %dot_general3A_32 : vector<32x2048xf32> to vector<1x32x2048xf32>
    tpu.vector_store %arg3[%swap3A_33, %swap3A_34, %swap3A_35], %swap3A_38 {strides = array<i32>} : memref<1x32x8192xf32, #tpu.memory_space<vmem>>, vector<1x32x2048xf32>,
    %get3A_39 = arith.constant 0 : index
    %get3A_40 = arith.constant 0 : index
    %get3A_41 = arith.constant 96 : index
    %get3A_42 = vector.load %arg2[%get3A_39, %get3A_40, %get3A_41] : memref<1x2048x128xf32, #tpu.memory_space<vmem>>, vector<1x2048x32xf32>
    %get3A_43 = vector.shape_cast %get3A_42 : vector<1x2048x32xf32> to vector<2048x32xf32>
    %dot_general3A_44 = arith.constant dense<0.000000e+00> : vector<32x2048xf32>
    %dot_general3A_45 = tpu.matmul %select_n3A, %get3A_43, %dot_general3A_44 {dimension_numbers = #tpu.dot_dimension_numbers<[1], [1], [0], [0], [0, 0, 1, 0], [], []>, transpose_lhs_hint = false} : vector<32x32xf32>, vector<2048x32xf32>, vector<32x2048xf32> -> vector<32x2048xf32>
    %swap3A_46 = arith.constant 0 : index
    %swap3A_47 = arith.constant 0 : index
    %swap3A_48 = arith.constant 6144 : index
    %swap3A_49 = vector.load %arg3[%swap3A_46, %swap3A_47, %swap3A_48] : memref<1x32x8192xf32, #tpu.memory_space<vmem>>, vector<1x32x2048xf32>
    %swap3A_50 = vector.shape_cast %swap3A_49 : vector<1x32x2048xf32> to vector<32x2048xf32>
    %swap3A_51 = vector.shape_cast %dot_general3A_45 : vector<32x2048xf32> to vector<1x32x2048xf32>
    tpu.vector_store %arg3[%swap3A_46, %swap3A_47, %swap3A_48], %swap3A_51 {strides = array<i32>} : memref<1x32x8192xf32, #tpu.memory_space<vmem>>, vector<1x32x2048xf32>,
    return
  }
  func.func @transform_0(%arg0: i32, %arg1: i32) -> (i32, i32, i32) {
    %c0_i32 = arith.constant 0 : i32
    %c0_i32_0 = arith.constant 0 : i32
    return %arg0, %arg1, %c0_i32 : i32, i32, i32
  }
  func.func @transform_1(%arg0: i32, %arg1: i32) -> (i32, i32, i32) {
    %c0_i32 = arith.constant 0 : i32
    %c0_i32_0 = arith.constant 0 : i32
    return %arg0, %c0_i32, %arg1 : i32, i32, i32
  }
}

</mosaic_0001>

<sc_bundles>
// kernel: kernel.5.cloned.1.call-start
scs
__scs_entry_jumppad:
0x0: {  	(pc) =	sbr.rel $0x88, $3  }
0x1: {  	(tag) =	ssettag $0x0;
	lr =	simm.s32 $0x1  }
0x2: {  	[smem:$0x3F9F] =	sst lr;
	_ =	strace $0xD0000000  }
0x3: {  	_ = 	snop  }
0x4: {  	_ = 	snop  }
0x5: {  	_ = 	snop  }
0x6: {  	_ = 	snop  }
0x7: {  	_ = 	snop  }
__scs_overlays_trampoline_lowered:
0x8: {  	[smem:$0x3FAE] =	sst s0  }
0x9: {  	[smem:$0x3FAF] =	sst s1  }
0xa: {  	[smem:$0x3FB0] =	sst s2  }
0xb: {  	[smem:$0x3FB1] =	sst s3  }
0xc: {  	[smem:$0x3FB2] =	sst s4  }
0xd: {  	[smem:$0x3FB3] =	sst s5  }
0xe: {  	[smem:$0x3FB4] =	sst s6  }
0xf: {  	[smem:$0x3FB5] =	sst s7  }
0x10: {  	[smem:$0x3FB6] =	sst s8  }
0x11: {  	[smem:$0x3FB7] =	sst s9;
	s0 =	simm.s32 @!p0 $0x0  }
0x12: {  	s1 =	sld [smem:$0x3F9D];
	s0 =	simm.s32 @p0 $0x1  }
0x13: {  	[smem:$0x3FB8] =	sst s0;
	s0 =	simm.s32 @!p1 $0x0  }
0x14: {  	s2 =	sld [smem:$0x3F9C];
	s0 =	simm.s32 @p1 $0x1  }
0x15: {  	[smem:$0x3FB9] =	sst s0;
	s0 =	simm.s32 @!p2 $0x0  }
0x16: {  	s3 =	sld [smem:$0x3FDB];
	s0 =	simm.s32 @p2 $0x1  }
0x17: {  	s4 =	simm.s32 $0x1BF5;
	[smem:$0x3FBB] =	sst s0  }
0x18: {  	s0 =	sld [smem:$0x3F9E];
	_ =	swait.ge [sflag:s4], $0x0  }
0x19: {  	s7 =	sld [smem:$0x3F9F]  }
0x1a: {  	s8 =	sadd.s32 $0xFFFFE003, lr  }
0x1b: {  	s9 =	sadd.s32 $0xFFFFFEF7, lr;
	s5 =	simm.s32 $0xFFFFFFFF;
	p2 =	slt.u32 s8, $0xFFFFF086  }
0x1c: {  	p1 =	slt.u32 s9, $0xF7A;
	s5 =	simm.s32 @!p2 $0x0  }
0x1d: {  	s5 =	simm.s32 @p1 $0x1;
	p0 =	seq.s32 s7, s2  }
0x1e: {  	s7 =	smul.u32 @!p0 $0xF7A, s2;
	p2 =	seq.s32 @!p0 s5, $0x0  }
0x1f: {  	s9 =	smul.u32 $0xF7A, s1;
	s8 =	simm.s32 @!p0 $0x1BF5;
	p2 =	por !p2, p0  }
0x20: {  	[sflag:s8] =	ssyncset.s32 @!p0 $0xFFFFF086;
	s6 =	sadd.s32 @!p0 s3, s7;
	s7 =	simm.s32 @!p0 $0x108  }
0x21: {  	s3 =	sadd.s32 s3, s9;
	s6 =	sadd.s32 @!p0 $0x88, s6;
	s7 =	simm.s32 @p2 $0x1082  }
0x22: {  	[simem:s7], [sflag:s8] =	dma.local @!p0 [hbm:s6], $0xF7A  }
0x23: {  	s9 =	sor.u32 $0xD0000000, s2;
	s6 =	simm.s32 $0x108;
	_ =	swait.ge @!p0 [sflag:s8], $0x0  }
0x24: {  	s3 =	sadd.s32 $0x88, s3;
	s6 =	simm.s32 @!p1 $0x1082;
	[sflag:s4] =	ssyncset.s32 $0xFFFFF086  }
0x25: {  	[simem:s6], [sflag:s4] =	dma.local [hbm:s3], $0xF7A  }
0x26: {  	[smem:$0x3F9F] =	sst s1;
	(tag) =	ssettag s2;
	_ =	strace s9  }
0x27: {  	s1 =	sld [smem:$0x3FAF]  }
0x28: {  	s2 =	sld [smem:$0x3FB0]  }
0x29: {  	s4 =	sld [smem:$0x3FB2]  }
0x2a: {  	p0 =	seq.s32 s5, $0x0;
	s5 =	sld [smem:$0x3FB3]  }
0x2b: {  	s6 =	sld [smem:$0x3FB4]  }
0x2c: {  	s7 =	sld [smem:$0x3FB5]  }
0x2d: {  	s3 =	simm.s32 $0x108;
	s8 =	sld [smem:$0x3FB6]  }
0x2e: {  	s3 =	simm.s32 @!p0 $0x1082;
	s9 =	sld [smem:$0x3FB7]  }
0x2f: {  	lr =	sadd.s32 s0, s3;
	s0 =	sld [smem:$0x3FAE]  }
0x30: {  	s3 =	sld [smem:$0x3FB1]  }
0x31: {  	[smem:$0x3FBA] =	sst s10  }
0x32: {  	s10 =	sld [smem:$0x3FB8];
	_ =	sdelay $0x3  }
0x33: {  	p0 =	seq.s32 s10, $0x1;
	s10 =	sld [smem:$0x3FBA];
	_ =	sdelay $0x3  }
0x34: {  	[smem:$0x3FBA] =	sst s10  }
0x35: {  	s10 =	sld [smem:$0x3FB9];
	_ =	sdelay $0x3  }
0x36: {  	p1 =	seq.s32 s10, $0x1;
	s10 =	sld [smem:$0x3FBA];
	_ =	sdelay $0x3  }
0x37: {  	[smem:$0x3FBA] =	sst s10  }
0x38: {  	s10 =	sld [smem:$0x3FBB]  }
0x39: {  	_ = 	snop;
	(pc) =	sbr.ind lr, $3  }
0x3a: {  	_ = 	snop  }
0x3b: {  	_ = 	snop  }
0x3c: {  	p2 =	seq.s32 s10, $0x1;
	s10 =	sld [smem:$0x3FBA]  }
0x3d: {  	_ =	shalt  }
0x3e: {  	_ =	shalt  }
0x3f: {  	_ =	shalt  }
0x40: {  	_ =	shalt  }
0x41: {  	_ =	shalt  }
0x42: {  	_ =	shalt  }
0x43: {  	_ =	shalt  }
0x44: {  	_ =	shalt  }
0x45: {  	_ =	shalt  }
0x46: {  	_ =	shalt  }
0x47: {  	_ =	shalt  }
0x48: {  	_ =	shalt  }
0x49: {  	_ =	shalt  }
0x4a: {  	_ =	shalt  }
0x4b: {  	_ =	shalt  }
0x4c: {  	_ =	shalt  }
0x4d: {  	_ =	shalt  }
0x4e: {  	_ =	shalt  }
0x4f: {  	_ =	shalt  }
0x50: {  	_ =	shalt  }
0x51: {  	_ =	shalt  }
0x52: {  	_ =	shalt  }
0x53: {  	_ =	shalt  }
0x54: {  	_ =	shalt  }
0x55: {  	_ =	shalt  }
0x56: {  	_ =	shalt  }
0x57: {  	_ =	shalt  }
0x58: {  	_ =	shalt  }
0x59: {  	_ =	shalt  }
0x5a: {  	_ =	shalt  }
0x5b: {  	_ =	shalt  }
0x5c: {  	_ =	shalt  }
0x5d: {  	_ =	shalt  }
0x5e: {  	_ =	shalt  }
0x5f: {  	_ =	shalt  }
0x60: {  	_ =	shalt  }
0x61: {  	_ =	shalt  }
0x62: {  	_ =	shalt  }
0x63: {  	_ =	shalt  }
0x64: {  	_ =	shalt  }
0x65: {  	_ =	shalt  }
0x66: {  	_ =	shalt  }
0x67: {  	_ =	shalt  }
0x68: {  	_ =	shalt  }
0x69: {  	_ =	shalt  }
0x6a: {  	_ =	shalt  }
0x6b: {  	_ =	shalt  }
0x6c: {  	_ =	shalt  }
0x6d: {  	_ =	shalt  }
0x6e: {  	_ =	shalt  }
0x6f: {  	_ =	shalt  }
0x70: {  	_ =	shalt  }
0x71: {  	_ =	shalt  }
0x72: {  	_ =	shalt  }
0x73: {  	_ =	shalt  }
0x74: {  	_ =	shalt  }
0x75: {  	_ =	shalt  }
0x76: {  	_ =	shalt  }
0x77: {  	_ =	shalt  }
0x78: {  	_ =	shalt  }
0x79: {  	_ =	shalt  }
0x7a: {  	_ =	shalt  }
0x7b: {  	_ =	shalt  }
0x7c: {  	_ =	shalt  }
0x7d: {  	_ =	shalt  }
0x7e: {  	_ =	shalt  }
0x7f: {  	_ =	shalt  }
0x80: {  	_ =	shalt  }
0x81: {  	_ =	shalt  }
0x82: {  	_ =	shalt  }
0x83: {  	_ =	shalt  }
0x84: {  	_ =	shalt  }
0x85: {  	_ =	shalt  }
0x86: {  	_ =	shalt  }
0x87: {  	_ =	shalt  }
.Lfunc_end0:
.L_simem_size_0:
called_computation_lowered:
.L_overlay_start_0:
0x88: {  	s2 =	sld [smem:$0x3FD9]  }
0x89: {  	s3 =	sld [smem:$0x3FFE];
	_ =	sdelay $0x1  }
0x8a: {  	s1 =	srdreg.scid  }
0x8b: {  	s0 =	sand.u32 $0x1, s1  }
0x8c: {  	s17 =	sshll.u32 s0, $0xA;
	s2 =	sadd.s32 s3, s2  }
0x8d: {  	s2 =	sadd.s32 s2, s17  }
0x8e: {  	[smem:$0x3FC6] =	sst s2  }
0x8f: {  	_ = 	snop  }
0x90: {  	s2 =	sld [smem:$0x3FD0];
	(tm) =	ssettm $0x1  }
0x91: {  	s18 =	sld [smem:$0x3FFB];
	_ =	sdelay $0x3  }
0x92: {  	_ =	strace s18  }
0x93: {  	s3 =	sld [smem:$0x3FFC];
	_ =	sdelay $0x3  }
0x94: {  	_ =	strace s3  }
0x95: {  	s3 =	sld [smem:$0x3FFD];
	_ =	sdelay $0x3  }
0x96: {  	_ =	strace s3  }
0x97: {  	_ =	strace $0x8FFFFFFF  }
0x98: {  	s19 =	sld [smem:$0x3FDB];
	_ =	sdelay $0x1  }
0x99: {  	s4 =	simm.s32 $_scs_section_size  }
0x9a: {  	s5 =	simm.s32 $_size__tile_overlayer_lowered;
	s6 =	simm.s32 $_tile_overlayer_lowered  }
0x9b: {  	s22 =	simm.s32 $0x1BFF;
	s21 =	sshll.u32 s6, $0x1;
	s3 =	sadd.s32 s4, s19  }
0x9c: {  	s7 =	simm.s32 $0x0;
	s20 =	sshll.u32 s5, $0x1;
	s5 =	sadd.s32 s21, s3  }
0x9d: {  	[timem:s7], [sflag:s22] =	dma.local [hbm:s5], s20  }
0x9e: {  	_ =	swait.ge [sflag:s22], s20  }
0x9f: {  	s4 =	ssub.s32 $0x0, s20;
	[sflag:s22] =	ssyncset.done $0x0  }
0xa0: {  	[sflag:s22] =	ssyncadd.s32 s4;
	_ =	sdelay $0x1  }
0xa1: {  	s23 =	simm.s32 $0x1B8B  }
0xa2: {  	_ =	swait.ge [sflag:s23], $0x1  }
0xa3: {  	[sflag:s23] =	ssyncset.done $0x0  }
0xa4: {  	s25 =	simm.s32 $0x1B8E;
	s24 =	sld [smem:$0x3FFE];
	[sflag:s23] =	ssyncadd.s32 $0xFFFFFFFF  }
0xa5: {  	s26 =	simm.s32 $execute0_lowered;
	[smem:$0x3FD2] =	sst s25  }
0xa6: {  	s5 =	sshll.u32 s26, $0x1;
	_ =	strace $0x80000046;
	[dreg:$0x1] =	wrdreg $0xFFFFFFFF  }
0xa7: {  	s28 =	simm.s32 $_size_execute0_lowered;
	s3 =	sadd.s32 s3, s5;
	[dreg:$0x0] =	wrdreg $0x0  }
0xa8: {  	s5 =	sshll.u32 s28, $0x1;
	[dreg:$0x2] =	wrdreg s3  }
0xa9: {  	[dreg:$0x3] =	wrdreg s5  }
0xaa: {  	[dreg:$0x4] =	wrdreg $0xC0  }
0xab: {  	_ =	task [dreg:s7], $0x5FFFF  }
0xac: {  	[dreg:$0x1] =	wrdreg $0xFFFFFFFF  }
0xad: {  	[dreg:$0x0] =	wrdreg $0x60  }
0xae: {  	[dreg:$0x2] =	wrdreg s2  }
0xaf: {  	[dreg:$0x3] =	wrdreg s24  }
0xb0: {  	[dreg:$0x4] =	wrdreg $0x9  }
0xb1: {  	_ =	task.clear_ibuf [dreg:s7], $0x5FFFF;
	_ =	strace $0x90000046  }
0xb2: {  	s29 =	simm.s32 $0x9;
	_ =	strace $0x80000048  }
0xb3: {  	_ =	swait.ge [sflag:s29], $0x1  }
0xb4: {  	[sflag:s29] =	ssyncadd.s32 $0xFFFFFFFF  }
0xb5: {  	_ =	strace $0x90000048  }
0xb6: {  	_ =	sfence  }
0xb7: {  	s30 =	sld [smem:$0x0];
	_ =	sdelay $0x2  }
0xb8: {  	s31 =	sshll.u32 s1, $0xD;
	s1 =	sshrl.u32 s1, $0x2  }
0xb9: {  	s3 =	sand.u32 $0x4000, s31;
	s1 =	sadd.s32 s1, s30  }
0xba: {  	s0 =	sor.u32 s3, s0;
	s1 =	sshll.u32 s1, $0x11  }
0xbb: {  	s0 =	sor.u32 s1, s0  }
0xbc: {  	s0 =	sadd.s32 $0x8F2B, s0  }
0xbd: {  	[sflag:s0] =	ssyncadd.remote.s32 $0x1  }
0xbe: {  	_ =	sfence.sel $0xFFFF  }
0xbf: {  	[dreg:$0x0] =	wrdreg $0xFFFFFFFF;
	(pc) =	sbr.abs _section_cstart, $3  }
0xc0: {  	[dreg:$0x1] =	wrdreg $0xFFFFFFFF  }
0xc1: {  	_ =	task.clear_ibuf [dreg:s7], $0x2FFFF;
	_ =	strace $0x9FFFFFFF  }
0xc2: {  	(tm) =	ssettm $0x7FFFFFFF  }
0xc3: {  	_ =	shalt  }
tec
execute0_lowered:
.L_overlay_start_1:
0x0: {  	(tag) =	ssettag $0x1  }
0x1: {  	s7 =	rddreg [dreg:$0x0]  }
0x2: {  	s4 =	rddreg [dreg:$0x1]  }
0x3: {  	s0 =	rddreg [dreg:$0x2];
	s2 =	simm.s32 $0x0;
	s3 =	srdreg.scid  }
0x4: {  	s1 =	stileid.u32;
	s13 =	simm.s32 $0x100;
	s14 =	simm.s32 $0x2200  }
0x5: {  	s15 =	simm.s32 $0x180;
	s16 =	simm.s32 $0x3200;
	s17 =	simm.s32 $0x20  }
0x6: {  	s18 =	simm.s32 $0x0;
	[smem:$0x7FF] =	sst s2;
	s8 =	sand.u32 $0x1, s3  }
0x7: {  	s5 =	sshll.u32 s1, $0x1;
	s9 =	sshrl.u32 s1, $0x3;
	s3 =	sadd.s32 $0x400, s4  }
0x8: {  	s4 =	sadd.s32 $0xA28400, s4;
	s28 =	sshll.u32 s1, $0x11;
	s30 =	sshll.u32 s1, $0x7  }
0x9: {  	_ =	strace $0x80000047;
	s5 =	sor.u32 s8, s5;
	s6 =	sshll.u32 s9, $0x4  }
0xa: {  	s10 =	ssub.s32 s5, s6;
	p0 =	sne.s32 s5, s6;
	s6 =	simm.s32 $0x1  }
0xb: {  	s12 =	ssub.s32 $0x2, s8;
	s11 =	sshra.s32 s10, $0x1F;
	s6 =	simm.s32 @!p0 $0x0  }
0xc: {  	s29 =	sshll.u32 s8, $0x10;
	s5 =	sand.u32 $0x3, s5;
	s6 =	sor.u32 s6, s11  }
0xd: {  	s23 =	sand.u32 $0xC0, s10;
	p1 =	sne.s32 s5, $0x0;
	p6 =	sne.s32 s6, $0x1  }
0xe: {  	s9 =	smul.u32 $0xC0000, s9;
	s25 =	sshrl.u32 s23, $0x6;
	p0 =	por !p1, !p6  }
0xf: {  	s6 =	sadd.s32 s25, s10;
	s10 =	simm.s32 $0x1;
	p0 =	por !p0, !p0  }
0x10: {  	s31 =	sadd.s32 s30, s7;
	s6 =	sshrl.u32 s6, $0x2;
	s10 =	simm.s32 @!p0 $0x0  }
0x11: {  	s8 =	sshll.u32 s8, $0x6;
	s24 =	sshrl.u32 s12, $0x1;
	s10 =	ssub.s32 s6, s10  }
0x12: {  	s8 =	sadd.s32 s8, s31;
	s26 =	ssub.s32 s12, s24;
	s10 =	smul.u32 $0x3FFE0, s10  }
0x13: {  	s5 =	simm.s32 $0x1;
	s12 =	simm.s32 $0x1200;
	s11 =	sor.u32 s29, s28  }
0x14: {  	s6 =	smax.u32 s26, $0x1;
	s10 =	ssub.s32 s11, s10;
	s11 =	simm.s32 $0x200  }
0x15: {  	v0 =	vimm.s32 $0x0;
	s7 =	ssub.s32 s10, s9;
	s9 =	simm.s32 $0x2;
	s10 =	simm.s32 $0x80  }
.LBB2_1:
0x16: {  	s19 =	smov.u32 s3;
	s20 =	smov.u32 s7;
	s21 =	simm.s32 $0x0  }
.LBB2_2:
0x17: {  	s22 =	sadd.s32 s21, s8  }
0x18: {  	[tilespmem:s2], [sflag:$0x2] =	stream.linear.gather [hbm4b:s22+s2], $0x200, $0x38;
	[tilespmem:$0x4200] =	vst v63  }
0x19: {  	_ =	swait.ge [sflag:s9], $0x200  }
0x1a: {  	[sflag:s9] =	ssyncset.done $0x0  }
0x1b: {  	[sflag:s9] =	ssyncadd.s32 $0xFFFFFE00  }
0x1c: {  	v1 =	vld [tilespmem:$0x0];
	_ =	sdelay $0x2  }
0x1d: {  	v21 =	vld [tilespmem:$0x20];
	_ =	sdelay $0x1  }
0x1e: {  	v29 =	vld [tilespmem:$0x40];
	vm0 =	vgt.s32 v1, $0x63FF;
	vm1 =	vgt.s32 v1, $0xC7FF  }
0x1f: {  	v43 =	vld [tilespmem:$0x60];
	vm6 =	vgt.s32 v1, $0x12BFF;
	v2 =	vsel vm0, $0x1, v0;
	v3 =	vsel vm1, $0x1, v0  }
0x20: {  	v63 =	vld [tilespmem:$0x80];
	v2 =	vadd.s32 v3, v2;
	v3 =	vsel vm6, $0x1, v0  }
0x21: {  	vm15 =	vgt.s32 v21, $0x63FF;
	v2 =	vadd.s32 v3, v2  }
0x22: {  	vm4 =	vgt.s32 v21, $0xC7FF;
	vm5 =	vgt.s32 v21, $0x12BFF;
	v3 =	vld [tilespmem:$0x10];
	v2 =	vmul.u32 $0x6400, v2  }
0x23: {  	v8 =	vld [tilespmem:$0x30];
	v23 =	vsel vm15, $0x1, v0;
	v10 =	vsel vm5, $0x1, v0;
	vm15 =	vgt.s32 v29, $0xC7FF  }
0x24: {  	v34 =	vsel vm15, $0x1, v0;
	vm15 =	vgt.s32 v43, $0x12BFF;
	v1 =	vsub.s32 v1, v2  }
0x25: {  	v52 =	vsel vm15, $0x1, v0;
	vm15 =	vgt.s32 v63, $0x63FF;
	vm7 =	vgt.s32 v1, $0x18FF  }
0x26: {  	vm11 =	vgt.s32 v1, $0x31FF;
	vm12 =	vgt.s32 v1, $0x4AFF;
	v4 =	vsel vm7, $0x1, v0  }
0x27: {  	vm8 =	vgt.s32 v3, $0x63FF;
	vm9 =	vgt.s32 v3, $0xC7FF;
	vm10 =	vgt.s32 v3, $0x12BFF  }
0x28: {  	v37 =	vld [tilespmem:$0x50];
	v19 =	vsel vm11, $0x1, v0;
	v20 =	vsel vm12, $0x1, v0;
	vm7 =	vgt.s32 v8, $0x63FF  }
0x29: {  	v54 =	vld [tilespmem:$0x70];
	v5 =	vsel vm8, $0x1, v0;
	v6 =	vsel vm9, $0x1, v0;
	v7 =	vsel vm10, $0x1, v0  }
0x2a: {  	v4 =	vadd.s32 v19, v4;
	v25 =	vsel vm7, $0x1, v0;
	vm8 =	vgt.s32 v8, $0xC7FF  }
0x2b: {  	vm9 =	vgt.s32 v8, $0x12BFF;
	v5 =	vadd.s32 v6, v5;
	v4 =	vadd.s32 v20, v4  }
0x2c: {  	v26 =	vsel vm8, $0x1, v0;
	v27 =	vsel vm9, $0x1, v0;
	v5 =	vadd.s32 v7, v5  }
0x2d: {  	vm9 =	vgt.s32 v37, $0x63FF;
	v6 =	vmul.u32 $0x3FFFE700, v4;
	v5 =	vmul.u32 $0x6400, v5  }
0x2e: {  	v2 =	vor.u32 v2, v4;
	v45 =	vsel vm9, $0x1, v0;
	vm9 =	vgt.s32 v54, $0xC7FF  }
0x2f: {  	v60 =	vsel vm9, $0x1, v0;
	v1 =	vadd.s32 v1, v6;
	v3 =	vsub.s32 v3, v5  }
0x30: {  	v1 =	vshll.u32 v1, $0x2;
	vm13 =	vgt.s32 v3, $0x18FF;
	vm14 =	vgt.s32 v3, $0x31FF  }
0x31: {  	v1 =	vadd.s32 v1, v2;
	v2 =	vsel vm4, $0x1, v0;
	vm6 =	vgt.s32 v3, $0x4AFF  }
0x32: {  	vm4 =	vgt.s32 v29, $0x12BFF;
	v22 =	vsel vm13, $0x1, v0;
	v9 =	vsel vm14, $0x1, v0  }
0x33: {  	v2 =	vadd.s32 v2, v23;
	v24 =	vsel vm6, $0x1, v0;
	vm14 =	vgt.s32 v29, $0x63FF  }
0x34: {  	v14 =	vsel vm4, $0x1, v0;
	v2 =	vadd.s32 v10, v2;
	v6 =	vadd.s32 v9, v22  }
0x35: {  	v9 =	vadd.s32 v26, v25;
	v13 =	vsel vm14, $0x1, v0;
	vm14 =	vgt.s32 v43, $0xC7FF  }
0x36: {  	v2 =	vmul.u32 $0x6400, v2;
	v4 =	vadd.s32 v24, v6;
	v28 =	vadd.s32 v27, v9  }
0x37: {  	v50 =	vsel vm14, $0x1, v0;
	v24 =	vsel vm15, $0x1, v0;
	v6 =	vmul.u32 $0x6400, v28  }
0x38: {  	v11 =	vmul.u32 $0x3FFFE700, v4;
	v4 =	vor.u32 v5, v4;
	v7 =	vsub.s32 v21, v2  }
0x39: {  	v22 =	vld [tilespmem:$0x90];
	vm10 =	vgt.s32 v7, $0x18FF;
	vm11 =	vgt.s32 v7, $0x31FF;
	vm12 =	vgt.s32 v7, $0x4AFF  }
0x3a: {  	v8 =	vsub.s32 v8, v6;
	v3 =	vadd.s32 v3, v11;
	v11 =	vadd.s32 v34, v13  }
0x3b: {  	v30 =	vsel vm10, $0x1, v0;
	v12 =	vsel vm11, $0x1, v0;
	v31 =	vsel vm12, $0x1, v0  }
0x3c: {  	vm13 =	vgt.s32 v8, $0x18FF;
	v3 =	vshll.u32 v3, $0x2;
	vm5 =	vgt.s32 v8, $0x31FF  }
0x3d: {  	vm6 =	vgt.s32 v8, $0x4AFF;
	v11 =	vadd.s32 v14, v11;
	vm10 =	vgt.s32 v37, $0xC7FF  }
0x3e: {  	vm11 =	vgt.s32 v37, $0x12BFF;
	vm9 =	vgt.s32 v22, $0x12BFF;
	v10 =	vadd.s32 v12, v30  }
0x3f: {  	v33 =	vsel vm13, $0x1, v0;
	v35 =	vsel vm5, $0x1, v0;
	v36 =	vsel vm6, $0x1, v0  }
0x40: {  	v11 =	vmul.u32 $0x6400, v11;
	v3 =	vadd.s32 v3, v4;
	v46 =	vsel vm10, $0x1, v0  }
0x41: {  	v47 =	vsel vm11, $0x1, v0;
	vm13 =	vgt.s32 v43, $0x63FF;
	vm10 =	vgt.s32 v54, $0x12BFF  }
0x42: {  	v10 =	vadd.s32 v31, v10;
	v12 =	vadd.s32 v35, v33;
	v49 =	vsel vm13, $0x1, v0  }
0x43: {  	v17 =	vsel vm10, $0x1, v0;
	v31 =	vsel vm9, $0x1, v0;
	v32 =	vmul.u32 $0x3FFFE700, v10  }
0x44: {  	v39 =	vadd.s32 v36, v12;
	v2 =	vor.u32 v2, v10;
	v9 =	vsub.s32 v29, v11  }
0x45: {  	v10 =	vadd.s32 v50, v49;
	v40 =	vmul.u32 $0x3FFFE700, v39;
	vm7 =	vgt.s32 v9, $0x18FF  }
0x46: {  	vm8 =	vgt.s32 v9, $0x31FF;
	v6 =	vor.u32 v6, v39;
	vm12 =	vgt.s32 v9, $0x4AFF  }
0x47: {  	v53 =	vadd.s32 v52, v10;
	v7 =	vadd.s32 v7, v32;
	v42 =	vsel vm7, $0x1, v0  }
0x48: {  	v44 =	vsel vm8, $0x1, v0;
	v48 =	vsel vm12, $0x1, v0;
	vm8 =	vgt.s32 v54, $0x63FF  }
0x49: {  	v38 =	vshll.u32 v7, $0x2;
	v41 =	vadd.s32 v8, v40;
	v5 =	vadd.s32 v44, v42  }
0x4a: {  	v7 =	vmul.u32 $0x6400, v53;
	v16 =	vsel vm8, $0x1, v0;
	vm8 =	vgt.s32 v22, $0xC7FF  }
0x4b: {  	v2 =	vadd.s32 v38, v2;
	v4 =	vshll.u32 v41, $0x2;
	v5 =	vadd.s32 v48, v5  }
0x4c: {  	v14 =	vadd.s32 v60, v16;
	v29 =	vsel vm8, $0x1, v0;
	v4 =	vadd.s32 v4, v6  }
0x4d: {  	v32 =	vld [tilespmem:$0xA0];
	v6 =	vadd.s32 v46, v45;
	v56 =	vmul.u32 $0x3FFFE700, v5;
	v8 =	vsub.s32 v43, v7  }
0x4e: {  	v14 =	vadd.s32 v17, v14;
	v5 =	vor.u32 v11, v5;
	v6 =	vadd.s32 v47, v6  }
0x4f: {  	vm7 =	vgt.s32 v8, $0x18FF;
	vm11 =	vgt.s32 v8, $0x31FF;
	vm12 =	vgt.s32 v8, $0x4AFF  }
0x50: {  	v41 =	vld [tilespmem:$0xB0];
	v14 =	vmul.u32 $0x6400, v14;
	v6 =	vmul.u32 $0x6400, v6;
	v9 =	vadd.s32 v9, v56  }
0x51: {  	v59 =	vsel vm7, $0x1, v0;
	v61 =	vsel vm11, $0x1, v0;
	v62 =	vsel vm12, $0x1, v0  }
0x52: {  	vm7 =	vgt.s32 v22, $0x63FF;
	vm15 =	vgt.s32 v32, $0xC7FF;
	v9 =	vshll.u32 v9, $0x2  }
0x53: {  	v10 =	vsub.s32 v54, v14;
	v28 =	vsel vm7, $0x1, v0;
	v38 =	vsel vm15, $0x1, v0  }
0x54: {  	v47 =	vld [tilespmem:$0xC0];
	v51 =	vsub.s32 v37, v6;
	vm13 =	vgt.s32 v10, $0x18FF;
	vm14 =	vgt.s32 v10, $0x31FF  }
0x55: {  	vm9 =	vgt.s32 v41, $0x63FF;
	vm4 =	vgt.s32 v51, $0x18FF;
	vm5 =	vgt.s32 v51, $0x31FF  }
0x56: {  	vm6 =	vgt.s32 v51, $0x4AFF;
	v21 =	vsel vm13, $0x1, v0;
	v23 =	vsel vm14, $0x1, v0  }
0x57: {  	vm14 =	vgt.s32 v32, $0x63FF;
	v49 =	vsel vm9, $0x1, v0;
	v55 =	vsel vm4, $0x1, v0  }
0x58: {  	v15 =	vsel vm5, $0x1, v0;
	v57 =	vsel vm6, $0x1, v0;
	vm4 =	vgt.s32 v63, $0xC7FF  }
0x59: {  	vm5 =	vgt.s32 v63, $0x12BFF;
	vm6 =	vgt.s32 v10, $0x4AFF;
	vm15 =	vgt.s32 v47, $0x12BFF  }
0x5a: {  	v12 =	vadd.s32 v15, v55;
	v15 =	vadd.s32 v61, v59;
	v25 =	vsel vm4, $0x1, v0  }
0x5b: {  	v26 =	vsel vm5, $0x1, v0;
	v27 =	vsel vm6, $0x1, v0;
	vm4 =	vgt.s32 v32, $0x12BFF  }
0x5c: {  	v56 =	vsel vm15, $0x1, v0;
	v12 =	vadd.s32 v57, v12;
	v20 =	vadd.s32 v62, v15  }
0x5d: {  	v58 =	vmul.u32 $0x3FFFE700, v12;
	v12 =	vor.u32 v6, v12;
	v15 =	vmul.u32 $0x3FFFE700, v20  }
0x5e: {  	v6 =	vadd.s32 v9, v5;
	v7 =	vor.u32 v7, v20;
	v9 =	vadd.s32 v23, v21  }
0x5f: {  	v57 =	vld [tilespmem:$0xD0];
	v20 =	vsel vm4, $0x1, v0;
	v9 =	vadd.s32 v27, v9;
	v13 =	vadd.s32 v51, v58  }
0x60: {  	v8 =	vadd.s32 v8, v15;
	v34 =	vmul.u32 $0x3FFFE700, v9;
	v19 =	vshll.u32 v13, $0x2  }
0x61: {  	v9 =	vor.u32 v14, v9;
	v8 =	vshll.u32 v8, $0x2;
	v5 =	vadd.s32 v19, v12  }
0x62: {  	v7 =	vadd.s32 v8, v7;
	v8 =	vadd.s32 v25, v24;
	v12 =	vadd.s32 v29, v28  }
0x63: {  	v10 =	vadd.s32 v10, v34;
	v19 =	vsel vm14, $0x1, v0;
	vm14 =	vgt.s32 v47, $0xC7FF  }
0x64: {  	vm9 =	vgt.s32 v57, $0xC7FF;
	v8 =	vadd.s32 v26, v8;
	v12 =	vadd.s32 v31, v12  }
0x65: {  	v10 =	vshll.u32 v10, $0x2;
	v17 =	vadd.s32 v38, v19;
	v8 =	vmul.u32 $0x6400, v8  }
0x66: {  	v54 =	vsel vm14, $0x1, v0;
	v12 =	vmul.u32 $0x6400, v12;
	v17 =	vadd.s32 v20, v17  }
0x67: {  	v9 =	vadd.s32 v10, v9;
	v17 =	vmul.u32 $0x6400, v17;
	v30 =	vsub.s32 v63, v8  }
0x68: {  	v11 =	vsub.s32 v22, v12;
	v63 =	vsel vm9, $0x1, v0;
	vm10 =	vgt.s32 v30, $0x18FF  }
0x69: {  	v26 =	vld [tilespmem:$0xE0];
	vm11 =	vgt.s32 v30, $0x31FF;
	vm12 =	vgt.s32 v30, $0x4AFF;
	vm13 =	vgt.s32 v11, $0x18FF  }
0x6a: {  	v31 =	vld [tilespmem:$0xF0];
	vm5 =	vgt.s32 v11, $0x31FF;
	vm6 =	vgt.s32 v11, $0x4AFF;
	v13 =	vsub.s32 v32, v17  }
0x6b: {  	v33 =	vsel vm10, $0x1, v0;
	v18 =	vsel vm11, $0x1, v0;
	v35 =	vsel vm12, $0x1, v0  }
0x6c: {  	v37 =	vsel vm13, $0x1, v0;
	v39 =	vsel vm5, $0x1, v0;
	v40 =	vsel vm6, $0x1, v0  }
0x6d: {  	vm7 =	vgt.s32 v13, $0x18FF;
	vm8 =	vgt.s32 v13, $0x31FF;
	vm10 =	vgt.s32 v41, $0xC7FF  }
0x6e: {  	vm11 =	vgt.s32 v41, $0x12BFF;
	vm12 =	vgt.s32 v13, $0x4AFF;
	vm13 =	vgt.s32 v47, $0x63FF  }
0x6f: {  	vm15 =	vgt.s32 v26, $0x63FF;
	vm9 =	vgt.s32 v31, $0x12BFF;
	v15 =	vadd.s32 v18, v33  }
0x70: {  	v18 =	vadd.s32 v39, v37;
	v46 =	vsel vm7, $0x1, v0;
	v48 =	vsel vm8, $0x1, v0  }
0x71: {  	v50 =	vsel vm10, $0x1, v0;
	v51 =	vsel vm11, $0x1, v0;
	v52 =	vsel vm12, $0x1, v0  }
0x72: {  	v53 =	vsel vm13, $0x1, v0;
	vm8 =	vgt.s32 v57, $0x63FF;
	vm10 =	vgt.s32 v57, $0x12BFF  }
0x73: {  	v33 =	vsel vm15, $0x1, v0;
	v15 =	vadd.s32 v35, v15;
	v43 =	vadd.s32 v40, v18  }
0x74: {  	v22 =	vsel vm8, $0x1, v0;
	v23 =	vsel vm10, $0x1, v0;
	vm8 =	vgt.s32 v31, $0xC7FF  }
0x75: {  	v40 =	vsel vm9, $0x1, v0;
	v36 =	vmul.u32 $0x3FFFE700, v15;
	v8 =	vor.u32 v8, v15  }
0x76: {  	v44 =	vmul.u32 $0x3FFFE700, v43;
	v12 =	vor.u32 v12, v43;
	v15 =	vadd.s32 v54, v53  }
0x77: {  	v20 =	vadd.s32 v63, v22;
	v38 =	vsel vm8, $0x1, v0;
	v15 =	vadd.s32 v56, v15  }
0x78: {  	v20 =	vadd.s32 v23, v20;
	v16 =	vadd.s32 v30, v36;
	v45 =	vadd.s32 v11, v44  }
0x79: {  	v11 =	vadd.s32 v48, v46;
	v15 =	vmul.u32 $0x6400, v15;
	v20 =	vmul.u32 $0x6400, v20  }
0x7a: {  	v42 =	vshll.u32 v16, $0x2;
	v10 =	vshll.u32 v45, $0x2;
	v11 =	vadd.s32 v52, v11  }
0x7b: {  	v8 =	vadd.s32 v42, v8;
	v10 =	vadd.s32 v10, v12;
	v12 =	vadd.s32 v50, v49  }
0x7c: {  	v59 =	vmul.u32 $0x3FFFE700, v11;
	v14 =	vsub.s32 v47, v15;
	v11 =	vor.u32 v17, v11  }
0x7d: {  	v16 =	vsub.s32 v57, v20;
	v12 =	vadd.s32 v51, v12;
	vm7 =	vgt.s32 v14, $0x18FF  }
0x7e: {  	vm11 =	vgt.s32 v14, $0x31FF;
	vm12 =	vgt.s32 v14, $0x4AFF;
	vm13 =	vgt.s32 v16, $0x18FF  }
0x7f: {  	v50 =	vld [tilespmem:$0x110];
	vm14 =	vgt.s32 v16, $0x31FF;
	v12 =	vmul.u32 $0x6400, v12;
	v13 =	vadd.s32 v13, v59  }
0x80: {  	v62 =	vsel vm7, $0x1, v0;
	v24 =	vsel vm11, $0x1, v0;
	v25 =	vsel vm12, $0x1, v0  }
0x81: {  	v30 =	vsel vm13, $0x1, v0;
	v32 =	vsel vm14, $0x1, v0;
	vm7 =	vgt.s32 v31, $0x63FF  }
0x82: {  	v13 =	vshll.u32 v13, $0x2;
	v37 =	vsel vm7, $0x1, v0;
	v55 =	vsub.s32 v41, v12  }
0x83: {  	vm4 =	vgt.s32 v55, $0x18FF;
	vm5 =	vgt.s32 v55, $0x31FF;
	vm6 =	vgt.s32 v55, $0x4AFF  }
0x84: {  	vm9 =	vgt.s32 v50, $0x63FF;
	v58 =	vsel vm4, $0x1, v0;
	v21 =	vsel vm5, $0x1, v0  }
0x85: {  	v41 =	vld [tilespmem:$0x100];
	v60 =	vsel vm6, $0x1, v0;
	vm4 =	vgt.s32 v26, $0xC7FF;
	vm5 =	vgt.s32 v26, $0x12BFF  }
0x86: {  	vm6 =	vgt.s32 v16, $0x4AFF;
	v57 =	vsel vm9, $0x1, v0;
	v18 =	vadd.s32 v21, v58  }
0x87: {  	v21 =	vadd.s32 v24, v62;
	v34 =	vsel vm4, $0x1, v0;
	v35 =	vsel vm5, $0x1, v0  }
0x88: {  	v36 =	vsel vm6, $0x1, v0;
	v18 =	vadd.s32 v60, v18;
	v28 =	vadd.s32 v25, v21  }
0x89: {  	v61 =	vmul.u32 $0x3FFFE700, v18;
	v18 =	vor.u32 v12, v18;
	v21 =	vmul.u32 $0x3FFFE700, v28  }
0x8a: {  	v12 =	vadd.s32 v13, v11;
	v15 =	vor.u32 v15, v28;
	vm14 =	vgt.s32 v41, $0x63FF  }
0x8b: {  	vm15 =	vgt.s32 v41, $0xC7FF;
	vm4 =	vgt.s32 v41, $0x12BFF;
	v25 =	vsel vm14, $0x1, v0  }
0x8c: {  	v47 =	vsel vm15, $0x1, v0;
	v19 =	vadd.s32 v55, v61;
	v29 =	vadd.s32 v14, v21  }
0x8d: {  	v14 =	vadd.s32 v32, v30;
	v55 =	vld [tilespmem:$0x120];
	v27 =	vshll.u32 v19, $0x2;
	v13 =	vshll.u32 v29, $0x2  }
0x8e: {  	v14 =	vadd.s32 v36, v14;
	v11 =	vadd.s32 v27, v18;
	v13 =	vadd.s32 v13, v15  }
0x8f: {  	v15 =	vadd.s32 v34, v33;
	v18 =	vadd.s32 v38, v37;
	v43 =	vmul.u32 $0x3FFFE700, v14  }
0x90: {  	v23 =	vadd.s32 v47, v25;
	v15 =	vadd.s32 v35, v15;
	v18 =	vadd.s32 v40, v18  }
0x91: {  	v15 =	vmul.u32 $0x6400, v15;
	v18 =	vmul.u32 $0x6400, v18;
	v16 =	vadd.s32 v16, v43  }
0x92: {  	v14 =	vor.u32 v20, v14;
	v33 =	vld [tilespmem:$0x130];
	v16 =	vshll.u32 v16, $0x2;
	vm14 =	vgt.s32 v55, $0xC7FF  }
0x93: {  	vm15 =	vgt.s32 v55, $0x12BFF;
	v39 =	vsub.s32 v26, v15;
	v17 =	vsub.s32 v31, v18  }
0x94: {  	v26 =	vsel vm4, $0x1, v0;
	v62 =	vsel vm14, $0x1, v0;
	v32 =	vsel vm15, $0x1, v0  }
0x95: {  	vm10 =	vgt.s32 v39, $0x18FF;
	vm11 =	vgt.s32 v39, $0x31FF;
	vm12 =	vgt.s32 v39, $0x4AFF  }
0x96: {  	vm13 =	vgt.s32 v17, $0x18FF;
	vm5 =	vgt.s32 v17, $0x31FF;
	vm6 =	vgt.s32 v17, $0x4AFF  }
0x97: {  	v23 =	vadd.s32 v26, v23;
	vm9 =	vgt.s32 v33, $0xC7FF;
	v42 =	vsel vm10, $0x1, v0  }
0x98: {  	v24 =	vsel vm11, $0x1, v0;
	v44 =	vsel vm12, $0x1, v0;
	v46 =	vsel vm13, $0x1, v0  }
0x99: {  	v48 =	vsel vm5, $0x1, v0;
	v49 =	vsel vm6, $0x1, v0;
	v23 =	vmul.u32 $0x6400, v23  }
0x9a: {  	vm10 =	vgt.s32 v50, $0xC7FF;
	vm11 =	vgt.s32 v50, $0x12BFF;
	vm13 =	vgt.s32 v55, $0x63FF  }
0x9b: {  	v21 =	vadd.s32 v24, v42;
	v24 =	vadd.s32 v48, v46;
	v58 =	vsel vm10, $0x1, v0  }
0x9c: {  	v59 =	vsel vm11, $0x1, v0;
	v61 =	vsel vm13, $0x1, v0;
	vm10 =	vgt.s32 v33, $0x12BFF  }
0x9d: {  	v21 =	vadd.s32 v44, v21;
	v52 =	vadd.s32 v49, v24;
	v19 =	vsub.s32 v41, v23  }
0x9e: {  	v29 =	vsel vm10, $0x1, v0;
	v45 =	vmul.u32 $0x3FFFE700, v21;
	v21 =	vor.u32 v15, v21  }
0x9f: {  	v47 =	vld [tilespmem:$0x150];
	v24 =	vmul.u32 $0x3FFFE700, v52;
	v15 =	vadd.s32 v16, v14;
	vm7 =	vgt.s32 v19, $0x18FF  }
0xa0: {  	vm8 =	vgt.s32 v19, $0x31FF;
	v18 =	vor.u32 v18, v52;
	vm12 =	vgt.s32 v19, $0x4AFF  }
0xa1: {  	v42 =	vld [tilespmem:$0x140];
	v54 =	vsel vm7, $0x1, v0;
	v56 =	vsel vm8, $0x1, v0;
	v60 =	vsel vm12, $0x1, v0  }
0xa2: {  	vm8 =	vgt.s32 v33, $0x63FF;
	v22 =	vadd.s32 v39, v45;
	v53 =	vadd.s32 v17, v24  }
0xa3: {  	v17 =	vadd.s32 v56, v54;
	v28 =	vsel vm8, $0x1, v0;
	v39 =	vsel vm9, $0x1, v0  }
0xa4: {  	vm8 =	vgt.s32 v47, $0xC7FF;
	vm9 =	vgt.s32 v47, $0x12BFF;
	v51 =	vshll.u32 v22, $0x2  }
0xa5: {  	v16 =	vshll.u32 v53, $0x2;
	v17 =	vadd.s32 v60, v17;
	v26 =	vadd.s32 v39, v28  }
0xa6: {  	vm15 =	vgt.s32 v42, $0x63FF;
	v54 =	vsel vm8, $0x1, v0;
	v56 =	vsel vm9, $0x1, v0  }
0xa7: {  	v14 =	vadd.s32 v51, v21;
	v16 =	vadd.s32 v16, v18;
	v18 =	vadd.s32 v58, v57  }
0xa8: {  	v21 =	vadd.s32 v62, v61;
	v35 =	vmul.u32 $0x3FFFE700, v17;
	v26 =	vadd.s32 v29, v26  }
0xa9: {  	v18 =	vadd.s32 v59, v18;
	v21 =	vadd.s32 v32, v21;
	v26 =	vmul.u32 $0x6400, v26  }
0xaa: {  	v18 =	vmul.u32 $0x6400, v18;
	v21 =	vmul.u32 $0x6400, v21;
	v19 =	vadd.s32 v19, v35  }
0xab: {  	v17 =	vor.u32 v23, v17;
	v49 =	vsel vm15, $0x1, v0;
	v57 =	vld [tilespmem:$0x160];
	v19 =	vshll.u32 v19, $0x2  }
0xac: {  	v22 =	vsub.s32 v33, v26;
	v63 =	vsub.s32 v50, v18;
	v20 =	vsub.s32 v55, v21  }
0xad: {  	vm13 =	vgt.s32 v22, $0x18FF;
	vm14 =	vgt.s32 v22, $0x31FF;
	vm4 =	vgt.s32 v63, $0x18FF  }
0xae: {  	vm5 =	vgt.s32 v63, $0x31FF;
	vm6 =	vgt.s32 v63, $0x4AFF;
	vm7 =	vgt.s32 v20, $0x18FF  }
0xaf: {  	vm11 =	vgt.s32 v20, $0x31FF;
	vm12 =	vgt.s32 v20, $0x4AFF;
	v46 =	vsel vm13, $0x1, v0  }
0xb0: {  	v48 =	vsel vm14, $0x1, v0;
	vm14 =	vgt.s32 v57, $0x63FF;
	vm15 =	vgt.s32 v57, $0xC7FF  }
0xb1: {  	v34 =	vsel vm4, $0x1, v0;
	v27 =	vsel vm5, $0x1, v0;
	v36 =	vsel vm6, $0x1, v0  }
0xb2: {  	v38 =	vsel vm7, $0x1, v0;
	v40 =	vsel vm11, $0x1, v0;
	v41 =	vsel vm12, $0x1, v0  }
0xb3: {  	vm4 =	vgt.s32 v42, $0xC7FF;
	vm5 =	vgt.s32 v42, $0x12BFF;
	vm6 =	vgt.s32 v22, $0x4AFF  }
0xb4: {  	vm7 =	vgt.s32 v47, $0x63FF;
	v31 =	vsel vm14, $0x1, v0;
	v24 =	vadd.s32 v27, v34  }
0xb5: {  	v27 =	vadd.s32 v40, v38;
	v50 =	vsel vm4, $0x1, v0;
	v51 =	vsel vm5, $0x1, v0  }
0xb6: {  	v52 =	vsel vm6, $0x1, v0;
	v53 =	vsel vm7, $0x1, v0;
	v24 =	vadd.s32 v36, v24  }
0xb7: {  	vm4 =	vgt.s32 v57, $0x12BFF;
	v38 =	vld [tilespmem:$0x170];
	v44 =	vadd.s32 v41, v27;
	v37 =	vmul.u32 $0x3FFFE700, v24  }
0xb8: {  	v32 =	vsel vm4, $0x1, v0;
	v24 =	vor.u32 v18, v24;
	v27 =	vmul.u32 $0x3FFFE700, v44  }
0xb9: {  	v18 =	vadd.s32 v19, v17;
	v21 =	vor.u32 v21, v44;
	v25 =	vadd.s32 v63, v37  }
0xba: {  	v45 =	vadd.s32 v20, v27;
	v20 =	vadd.s32 v48, v46;
	v63 =	vsel vm15, $0x1, v0  }
0xbb: {  	v43 =	vshll.u32 v25, $0x2;
	v19 =	vshll.u32 v45, $0x2;
	v20 =	vadd.s32 v52, v20  }
0xbc: {  	v29 =	vadd.s32 v63, v31;
	vm9 =	vgt.s32 v38, $0x63FF;
	v17 =	vadd.s32 v43, v24  }
0xbd: {  	v19 =	vadd.s32 v19, v21;
	v21 =	vadd.s32 v50, v49;
	v24 =	vadd.s32 v54, v53  }
0xbe: {  	v59 =	vmul.u32 $0x3FFFE700, v20;
	v29 =	vadd.s32 v32, v29;
	v20 =	vor.u32 v26, v20  }
0xbf: {  	v21 =	vadd.s32 v51, v21;
	v24 =	vadd.s32 v56, v24;
	v29 =	vmul.u32 $0x6400, v29  }
0xc0: {  	v43 =	vld [tilespmem:$0x180];
	v21 =	vmul.u32 $0x6400, v21;
	v24 =	vmul.u32 $0x6400, v24;
	v22 =	vadd.s32 v22, v59  }
0xc1: {  	v45 =	vsel vm9, $0x1, v0;
	v53 =	vld [tilespmem:$0x190];
	v22 =	vshll.u32 v22, $0x2;
	v25 =	vsub.s32 v57, v29  }
0xc2: {  	v55 =	vsub.s32 v42, v21;
	v23 =	vsub.s32 v47, v24;
	vm7 =	vgt.s32 v25, $0x18FF  }
0xc3: {  	vm8 =	vgt.s32 v25, $0x31FF;
	vm10 =	vgt.s32 v55, $0x18FF;
	vm11 =	vgt.s32 v55, $0x31FF  }
0xc4: {  	vm12 =	vgt.s32 v55, $0x4AFF;
	vm13 =	vgt.s32 v23, $0x18FF;
	vm5 =	vgt.s32 v23, $0x31FF  }
0xc5: {  	vm6 =	vgt.s32 v23, $0x4AFF;
	v42 =	vsel vm7, $0x1, v0;
	v44 =	vsel vm8, $0x1, v0  }
0xc6: {  	vm14 =	vgt.s32 v43, $0xC7FF;
	vm15 =	vgt.s32 v43, $0x12BFF;
	vm8 =	vgt.s32 v53, $0x63FF  }
0xc7: {  	vm9 =	vgt.s32 v53, $0xC7FF;
	v58 =	vsel vm10, $0x1, v0;
	v30 =	vsel vm11, $0x1, v0  }
0xc8: {  	v60 =	vsel vm12, $0x1, v0;
	v62 =	vsel vm13, $0x1, v0;
	v36 =	vsel vm5, $0x1, v0  }
0xc9: {  	v37 =	vsel vm6, $0x1, v0;
	vm10 =	vgt.s32 v38, $0xC7FF;
	vm11 =	vgt.s32 v38, $0x12BFF  }
0xca: {  	vm12 =	vgt.s32 v25, $0x4AFF;
	vm13 =	vgt.s32 v43, $0x63FF;
	v50 =	vsel vm14, $0x1, v0  }
0xcb: {  	v52 =	vsel vm15, $0x1, v0;
	v34 =	vsel vm8, $0x1, v0;
	v59 =	vsel vm9, $0x1, v0  }
0xcc: {  	v27 =	vadd.s32 v30, v58;
	v30 =	vadd.s32 v36, v62;
	v46 =	vsel vm10, $0x1, v0  }
0xcd: {  	v47 =	vsel vm11, $0x1, v0;
	v48 =	vsel vm12, $0x1, v0;
	v49 =	vsel vm13, $0x1, v0  }
0xce: {  	vm10 =	vgt.s32 v53, $0x12BFF;
	v32 =	vadd.s32 v59, v34;
	v27 =	vadd.s32 v60, v27  }
0xcf: {  	v62 =	vld [tilespmem:$0x1A0];
	v40 =	vadd.s32 v37, v30;
	v35 =	vsel vm10, $0x1, v0;
	v61 =	vmul.u32 $0x3FFFE700, v27  }
0xd0: {  	v27 =	vor.u32 v21, v27;
	v30 =	vmul.u32 $0x3FFFE700, v40;
	v32 =	vadd.s32 v35, v32  }
0xd1: {  	v21 =	vadd.s32 v22, v20;
	v24 =	vor.u32 v24, v40;
	v32 =	vmul.u32 $0x6400, v32  }
0xd2: {  	v28 =	vadd.s32 v55, v61;
	v41 =	vadd.s32 v23, v30;
	v23 =	vadd.s32 v44, v42  }
0xd3: {  	v40 =	vld [tilespmem:$0x1B0];
	v39 =	vshll.u32 v28, $0x2;
	v22 =	vshll.u32 v41, $0x2;
	v23 =	vadd.s32 v48, v23  }
0xd4: {  	v28 =	vsub.s32 v53, v32;
	vm15 =	vgt.s32 v62, $0x63FF;
	v20 =	vadd.s32 v39, v27  }
0xd5: {  	v22 =	vadd.s32 v22, v24;
	v24 =	vadd.s32 v46, v45;
	v27 =	vadd.s32 v50, v49  }
0xd6: {  	v55 =	vmul.u32 $0x3FFFE700, v23;
	v23 =	vor.u32 v29, v23;
	vm13 =	vgt.s32 v28, $0x18FF  }
0xd7: {  	vm14 =	vgt.s32 v28, $0x31FF;
	v41 =	vsel vm15, $0x1, v0;
	v24 =	vadd.s32 v47, v24  }
0xd8: {  	v27 =	vadd.s32 v52, v27;
	v39 =	vsel vm14, $0x1, v0;
	vm8 =	vgt.s32 v40, $0xC7FF  }
0xd9: {  	vm9 =	vgt.s32 v40, $0x12BFF;
	v24 =	vmul.u32 $0x6400, v24;
	v27 =	vmul.u32 $0x6400, v27  }
0xda: {  	v25 =	vadd.s32 v25, v55;
	v47 =	vsel vm8, $0x1, v0;
	v48 =	vsel vm9, $0x1, v0  }
0xdb: {  	v25 =	vshll.u32 v25, $0x2;
	v51 =	vsub.s32 v38, v24;
	v26 =	vsub.s32 v43, v27  }
0xdc: {  	v38 =	vsel vm13, $0x1, v0;
	vm4 =	vgt.s32 v51, $0x18FF;
	vm5 =	vgt.s32 v51, $0x31FF  }
0xdd: {  	vm6 =	vgt.s32 v51, $0x4AFF;
	vm7 =	vgt.s32 v26, $0x18FF;
	vm11 =	vgt.s32 v26, $0x31FF  }
0xde: {  	vm12 =	vgt.s32 v26, $0x4AFF;
	v54 =	vsel vm4, $0x1, v0;
	v33 =	vsel vm5, $0x1, v0  }
0xdf: {  	v56 =	vsel vm6, $0x1, v0;
	v58 =	vsel vm7, $0x1, v0;
	v60 =	vsel vm11, $0x1, v0  }
0xe0: {  	v61 =	vsel vm12, $0x1, v0;
	vm4 =	vgt.s32 v62, $0xC7FF;
	vm5 =	vgt.s32 v62, $0x12BFF  }
0xe1: {  	vm6 =	vgt.s32 v28, $0x4AFF;
	vm7 =	vgt.s32 v40, $0x63FF;
	v30 =	vadd.s32 v33, v54  }
0xe2: {  	v33 =	vadd.s32 v60, v58;
	v42 =	vsel vm4, $0x1, v0;
	v43 =	vsel vm5, $0x1, v0  }
0xe3: {  	v44 =	vsel vm6, $0x1, v0;
	v30 =	vadd.s32 v56, v30;
	v36 =	vadd.s32 v61, v33  }
0xe4: {  	v45 =	vsel vm7, $0x1, v0;
	v57 =	vmul.u32 $0x3FFFE700, v30;
	v33 =	vmul.u32 $0x3FFFE700, v36  }
0xe5: {  	v56 =	vld [tilespmem:$0x1D0];
	v30 =	vor.u32 v24, v30;
	v24 =	vadd.s32 v25, v23;
	v27 =	vor.u32 v27, v36  }
0xe6: {  	v31 =	vadd.s32 v51, v57;
	v37 =	vadd.s32 v26, v33;
	v26 =	vadd.s32 v39, v38  }
0xe7: {  	v36 =	vld [tilespmem:$0x1C0];
	v63 =	vshll.u32 v31, $0x2;
	v25 =	vshll.u32 v37, $0x2;
	v26 =	vadd.s32 v44, v26  }
0xe8: {  	v31 =	vadd.s32 v47, v45;
	v23 =	vadd.s32 v63, v30;
	v25 =	vadd.s32 v25, v27  }
0xe9: {  	v27 =	vadd.s32 v42, v41;
	v29 =	vmul.u32 $0x3FFFE700, v26;
	v31 =	vadd.s32 v48, v31  }
0xea: {  	v26 =	vor.u32 v32, v26;
	vm7 =	vgt.s32 v56, $0x63FF;
	vm8 =	vgt.s32 v56, $0xC7FF  }
0xeb: {  	vm9 =	vgt.s32 v56, $0x12BFF;
	v27 =	vadd.s32 v43, v27;
	v31 =	vmul.u32 $0x6400, v31  }
0xec: {  	vm15 =	vgt.s32 v36, $0x63FF;
	vm4 =	vgt.s32 v36, $0xC7FF;
	vm5 =	vgt.s32 v36, $0x12BFF  }
0xed: {  	v44 =	vld [tilespmem:$0x1F0];
	v63 =	vsel vm8, $0x1, v0;
	v37 =	vsel vm9, $0x1, v0;
	v27 =	vmul.u32 $0x6400, v27  }
0xee: {  	v28 =	vadd.s32 v28, v29;
	v57 =	vsel vm15, $0x1, v0;
	v58 =	vsel vm4, $0x1, v0  }
0xef: {  	v41 =	vld [tilespmem:$0x1E0];
	v59 =	vsel vm5, $0x1, v0;
	v28 =	vshll.u32 v28, $0x2;
	v30 =	vsub.s32 v40, v31  }
0xf0: {  	v46 =	vsub.s32 v62, v27;
	vm13 =	vgt.s32 v30, $0x18FF;
	v26 =	vadd.s32 v28, v26  }
0xf1: {  	vm14 =	vgt.s32 v30, $0x31FF;
	vm6 =	vgt.s32 v30, $0x4AFF;
	v62 =	vsel vm7, $0x1, v0  }
0xf2: {  	vm7 =	vgt.s32 v44, $0xC7FF;
	vm8 =	vgt.s32 v44, $0x12BFF;
	vm10 =	vgt.s32 v46, $0x18FF  }
0xf3: {  	vm11 =	vgt.s32 v46, $0x31FF;
	vm12 =	vgt.s32 v46, $0x4AFF;
	v54 =	vsel vm13, $0x1, v0  }
0xf4: {  	v55 =	vsel vm14, $0x1, v0;
	v60 =	vsel vm6, $0x1, v0;
	vm15 =	vgt.s32 v41, $0x63FF  }
0xf5: {  	vm4 =	vgt.s32 v41, $0xC7FF;
	vm5 =	vgt.s32 v41, $0x12BFF;
	vm6 =	vgt.s32 v44, $0x63FF  }
0xf6: {  	[tilespmem:$0x0] =	vst v1;
	v49 =	vsel vm10, $0x1, v0;
	v50 =	vsel vm11, $0x1, v0;
	v52 =	vsel vm12, $0x1, v0  }
0xf7: {  	[tilespmem:$0x10] =	vst v3;
	v28 =	vadd.s32 v55, v54;
	v47 =	vsel vm15, $0x1, v0;
	v48 =	vsel vm4, $0x1, v0  }
0xf8: {  	[tilespmem:$0x80] =	vst v8;
	v51 =	vadd.s32 v50, v49;
	v1 =	vadd.s32 v60, v28;
	v8 =	vadd.s32 v48, v47  }
0xf9: {  	[tilespmem:$0x20] =	vst v2;
	v49 =	vsel vm5, $0x1, v0;
	v50 =	vsel vm6, $0x1, v0;
	v29 =	vadd.s32 v52, v51  }
0xfa: {  	[tilespmem:$0x30] =	vst v4;
	v3 =	vmul.u32 $0x3FFFE700, v1;
	v1 =	vor.u32 v31, v1;
	v8 =	vadd.s32 v49, v8  }
0xfb: {  	[tilespmem:$0x40] =	vst v6;
	v51 =	vsel vm7, $0x1, v0;
	v52 =	vsel vm8, $0x1, v0;
	v53 =	vmul.u32 $0x3FFFE700, v29  }
0xfc: {  	[tilespmem:$0x50] =	vst v5;
	v27 =	vor.u32 v27, v29;
	v29 =	vadd.s32 v58, v57;
	v8 =	vmul.u32 $0x6400, v8  }
0xfd: {  	[tilespmem:$0x90] =	vst v10;
	v10 =	vadd.s32 v51, v50;
	v29 =	vadd.s32 v59, v29;
	v3 =	vadd.s32 v30, v3  }
0xfe: {  	[tilespmem:$0x60] =	vst v7;
	v10 =	vadd.s32 v52, v10;
	v32 =	vadd.s32 v46, v53;
	v61 =	vmul.u32 $0x6400, v29  }
0xff: {  	[tilespmem:$0x70] =	vst v9;
	v3 =	vshll.u32 v3, $0x2;
	v54 =	vsub.s32 v41, v8;
	v10 =	vmul.u32 $0x6400, v10  }
0x100: {  	[tilespmem:$0xA0] =	vst v12;
	v32 =	vshll.u32 v32, $0x2;
	v1 =	vadd.s32 v3, v1;
	v2 =	vsub.s32 v36, v61  }
0x101: {  	[tilespmem:$0xB0] =	vst v11;
	v36 =	vadd.s32 v63, v62;
	v39 =	vadd.s32 v32, v27;
	v7 =	vsub.s32 v44, v10  }
0x102: {  	[tilespmem:$0xC0] =	vst v13;
	vm10 =	vgt.s32 v2, $0x18FF;
	v4 =	vadd.s32 v37, v36;
	vm11 =	vgt.s32 v2, $0x31FF  }
0x103: {  	[tilespmem:$0xD0] =	vst v15;
	vm12 =	vgt.s32 v2, $0x4AFF;
	vm15 =	vgt.s32 v7, $0x4AFF;
	v38 =	vsel vm10, $0x1, v0  }
0x104: {  	[tilespmem:$0xE0] =	vst v14;
	v40 =	vsel vm11, $0x1, v0;
	v4 =	vmul.u32 $0x6400, v4;
	v42 =	vsel vm12, $0x1, v0  }
0x105: {  	[tilespmem:$0xF0] =	vst v16;
	vm10 =	vgt.s32 v54, $0x18FF;
	vm11 =	vgt.s32 v54, $0x31FF;
	vm12 =	vgt.s32 v54, $0x4AFF  }
0x106: {  	[tilespmem:$0x100] =	vst v18;
	v60 =	vsel vm15, $0x1, v0;
	v6 =	vadd.s32 v40, v38;
	v55 =	vsel vm10, $0x1, v0  }
0x107: {  	[tilespmem:$0x110] =	vst v17;
	v57 =	vsel vm12, $0x1, v0;
	v43 =	vsub.s32 v56, v4;
	v6 =	vadd.s32 v42, v6  }
0x108: {  	[tilespmem:$0x120] =	vst v19;
	v56 =	vsel vm11, $0x1, v0;
	vm13 =	vgt.s32 v43, $0x18FF;
	vm14 =	vgt.s32 v43, $0x31FF  }
0x109: {  	[tilespmem:$0x130] =	vst v21;
	vm9 =	vgt.s32 v43, $0x4AFF;
	v46 =	vsel vm13, $0x1, v0;
	v3 =	vsel vm14, $0x1, v0  }
0x10a: {  	[tilespmem:$0x140] =	vst v20;
	v45 =	vmul.u32 $0x3FFFE700, v6;
	v53 =	vsel vm9, $0x1, v0;
	v3 =	vadd.s32 v3, v46  }
0x10b: {  	[tilespmem:$0x150] =	vst v22;
	v6 =	vor.u32 v61, v6;
	v13 =	vadd.s32 v56, v55;
	v3 =	vadd.s32 v53, v3  }
0x10c: {  	[tilespmem:$0x160] =	vst v24;
	vm13 =	vgt.s32 v7, $0x18FF;
	vm14 =	vgt.s32 v7, $0x31FF;
	v11 =	vmul.u32 $0x3FFFE700, v3  }
0x10d: {  	[tilespmem:$0x170] =	vst v23;
	v13 =	vadd.s32 v57, v13;
	v58 =	vsel vm13, $0x1, v0;
	v59 =	vsel vm14, $0x1, v0  }
0x10e: {  	[tilespmem:$0x180] =	vst v25;
	v2 =	vadd.s32 v2, v45;
	v9 =	vadd.s32 v43, v11;
	v11 =	vadd.s32 v59, v58  }
0x10f: {  	[tilespmem:$0x190] =	vst v26;
	v61 =	vmul.u32 $0x3FFFE700, v13;
	v2 =	vshll.u32 v2, $0x2;
	v11 =	vadd.s32 v60, v11  }
0x110: {  	[tilespmem:$0x1B0] =	vst v1;
	v3 =	vor.u32 v4, v3;
	v62 =	vshll.u32 v9, $0x2;
	v63 =	vmul.u32 $0x3FFFE700, v11  }
0x111: {  	[tilespmem:$0x1A0] =	vst v39;
	v1 =	vadd.s32 v2, v6;
	v2 =	vadd.s32 v62, v3;
	v3 =	vadd.s32 v54, v61  }
0x112: {  	[tilespmem:$0x1C0] =	vst v1;
	v1 =	vor.u32 v8, v13;
	v3 =	vshll.u32 v3, $0x2;
	v4 =	vadd.s32 v7, v63  }
0x113: {  	[tilespmem:$0x1D0] =	vst v2;
	v1 =	vadd.s32 v3, v1;
	v3 =	vor.u32 v10, v11;
	v2 =	vshll.u32 v4, $0x2  }
0x114: {  	[tilespmem:$0x1E0] =	vst v1;
	v1 =	vadd.s32 v2, v3  }
0x115: {  	[tilespmem:$0x1F0] =	vst v1  }
0x116: {  	[tilespmem:s11], [sflag:$0x1] =	stream.indirect.gather [hbm4b:s19+s10], $0x20, s2, s10, $0xb8;
	[tilespmem:$0x4200] =	vst v63  }
0x117: {  	_ = 	snop  }
0x118: {  	[tilespmem:s12], [sflag:$0x1] =	stream.indirect.gather [hbm4b:s19+s10], $0x20, s10, s10, $0xb8;
	[tilespmem:$0x4200] =	vst v63  }
0x119: {  	_ = 	snop  }
0x11a: {  	[tilespmem:s14], [sflag:$0x1] =	stream.indirect.gather [hbm4b:s19+s10], $0x20, s13, s10, $0xb8;
	[tilespmem:$0x4200] =	vst v63  }
0x11b: {  	_ = 	snop  }
0x11c: {  	[tilespmem:s16], [sflag:$0x1] =	stream.indirect.gather [hbm4b:s19+s10], $0x20, s15, s10, $0xb8;
	[tilespmem:$0x4200] =	vst v63  }
0x11d: {  	_ =	swait.ge [sflag:s5], $0x1000  }
0x11e: {  	[sflag:s5] =	ssyncset.done $0x0  }
0x11f: {  	[sflag:s5] =	ssyncadd.s32 $0xFFFFF000  }
0x120: {  	_ =	swait.ge [sflag:s5], $0x1000  }
0x121: {  	[sflag:s5] =	ssyncset.done $0x0  }
0x122: {  	[sflag:s5] =	ssyncadd.s32 $0xFFFFF000  }
0x123: {  	_ =	swait.ge [sflag:s5], $0x1000  }
0x124: {  	[sflag:s5] =	ssyncset.done $0x0  }
0x125: {  	[sflag:s5] =	ssyncadd.s32 $0xFFFFF000  }
0x126: {  	_ =	swait.ge [sflag:s5], $0x1000  }
0x127: {  	s31 =	sshrl.u32 s20, $0x3;
	p0 =	sne.s32 s21, $0xC800;
	[sflag:s5] =	ssyncset.done $0x0  }
.Ltmp0:
0x128: {  	s22 =	sadd.s32 s4, s31;
	[sflag:s5] =	ssyncadd.s32 $0xFFFFF000;
	(pc) =	sbr.rel @p0 .LBB2_2-.Ltmp0, $4  }
0x129: {  	[hbm4b:s22+s17] =	stream.strided.scatter [tilespmem:s11], [sflag:$0x2], $0x4000, s10, s17, $0x38;
	[tilespmem:$0x4200] =	vst v63  }
0x12a: {  	_ =	swait.ge [sflag:s9], $0x4000  }
0x12b: {  	s20 =	sadd.s32 $0x80000, s20;
	[sflag:s9] =	ssyncset.done $0x0  }
0x12c: {  	s21 =	sadd.s32 $0x800, s21;
	s19 =	sadd.s32 $0x64000, s19;
	[sflag:s9] =	ssyncadd.s32 $0xFFFFC000  }
0x12d: {  	s18 =	sadd.s32 $0x1, s18  }
0x12e: {  	p0 =	sne.s32 s18, s6  }
.Ltmp1:
0x12f: {  	_ = 	snop;
	(pc) =	sbr.rel @p0 .LBB2_1-.Ltmp1, $1  }
0x130: {  	_ =	sdelay $0x3  }
0x131: {  	_ =	sfence.sel $0x180000  }
0x132: {  	[bflag:$0x0] =	sbarrier.arrive $0xFFFF  }
0x133: {  	p0 =	sne.s32 s1, $0x0;
	_ =	strace $0x90000047  }
0x134: {  	s0 =	sadd.s32 @!p0 $0x100000, s0;
	[bflag:$0x2] =	sbarrier.arrive $0xFFFF  }
0x135: {  	[sflag:s0] =	ssyncadd.tile.s32 @!p0 $0x1;
	_ =	shalt  }
.Lfunc_end2:
_tile_overlayer_lowered:
.L_overlay_start_2:
0x136: {  	(tag) =	ssettag $0x2  }
0x137: {  	s0 =	rddreg [dreg:$0x0];
	s2 =	stileid.u32  }
0x138: {  	s1 =	rddreg [dreg:$0x1];
	p0 =	sne.s32 s2, $0x0  }
0x139: {  	s3 =	rddreg [dreg:$0x2];
	[bflag:$0x3] =	sbarrier.arrive $0xFFFF;
	s2 =	simm.s32 @!p0 $0x1C02  }
0x13a: {  	[timem:s3], [sflag:s2] =	dma.local @!p0 [hbm:s0], s1  }
0x13b: {  	s0 =	simm.s32 @!p0 $0x2  }
0x13c: {  	_ =	swait.ge @!p0 [sflag:s0], s1  }
0x13d: {  	s1 =	ssub.s32 @!p0 $0x0, s1;
	[sflag:s0] =	ssyncset.done @!p0 $0x0  }
0x13e: {  	[sflag:s0] =	ssyncadd.s32 @!p0 s1  }
0x13f: {  	[bflag:$0x3] =	sbarrier.arrive $0xFFFF  }
0x140: {  	_ =	shalt  }

</sc_bundles>
